<compile_context>
chip_gen: v7x
topology: tpu7x:2x2x1
jax: 0.10.2.dev20260603
libtpu: 0.0.44.dev20260713+nightly
codegen_flags: <defaults>
</compile_context>

<pallas_src>
import functools

import jax
import jax.numpy as jnp
from jax import lax
from jax.experimental import pallas as pl
from jax.experimental.pallas import tpu as pltpu
from jax.experimental.pallas import tpu_sc as plsc

N = 10000
NP = 10240
D = 128
DH = 64
NC = 2
NS = 16
L = 16
VPR = DH // L

CHUNK = 128
K = 8
ROWS_PER_TILE = NP // NS
SUB = 128
NSUB = ROWS_PER_TILE // SUB
STEPS = 4


def _body(state_hbm, src_hbm, dst_hbm, w_hbm, ap_hbm, out_hbm,
          state_sh, ax_sh, src_blk, dst_blk, w_blk,
          rows2, sbuf, abuf, avbuf, esem, gsem, ssem, nblk):
    cid = lax.axis_index("c")
    tid = lax.axis_index("s")
    row0 = tid * ROWS_PER_TILE
    hrow0 = cid * NP + row0

    pltpu.sync_copy(ap_hbm, avbuf)
    a = avbuf[...]
    alpha = 1.0 / (1.0 + jnp.exp(-a))

    zv = jnp.zeros((L,), jnp.float32)

    def zrow(r, _):
        for v in range(VPR):
            abuf[r, pl.ds(v * L, L)] = zv
        return 0
    lax.fori_loop(0, SUB, zrow, 0)

    def init_sub(k, _):
        pltpu.sync_copy(state_hbm.at[pl.ds(hrow0 + k * SUB, SUB)], sbuf)
        pltpu.sync_copy(sbuf, state_sh.at[pl.ds(row0 + k * SUB, SUB)])
        pltpu.sync_copy(abuf, ax_sh.at[pl.ds(row0 + k * SUB, SUB)])
        return 0
    lax.fori_loop(0, NSUB, init_sub, 0)
    plsc.subcore_barrier()

    def load_block(bi, eb):
        pltpu.async_copy(src_hbm.at[tid, bi], src_blk.at[eb], esem.at[eb])
        pltpu.async_copy(dst_hbm.at[tid, bi], dst_blk.at[eb], esem.at[eb])
        pltpu.async_copy(w_hbm.at[tid, bi], w_blk.at[eb], esem.at[eb])

    def wait_block(bi, eb):
        pltpu.make_async_copy(src_hbm.at[tid, bi], src_blk.at[eb], esem.at[eb]).wait()
        pltpu.make_async_copy(dst_hbm.at[tid, bi], dst_blk.at[eb], esem.at[eb]).wait()
        pltpu.make_async_copy(w_hbm.at[tid, bi], w_blk.at[eb], esem.at[eb]).wait()

    def step(_, carry):
        load_block(0, 0)

        def block(bi, _):
            eb = lax.bitwise_and(bi, 1)
            wait_block(bi, eb)
            load_block(bi + 1, 1 - eb)

            def chunk(cj, _):
                rb = lax.bitwise_and(cj, 1)
                flat = bi * K + cj

                @pl.when(flat >= 1)
                def _():
                    pltpu.make_async_copy(
                        rows2.at[1 - rb], ax_sh.at[dst_blk.at[eb, cj]],
                        ssem.at[1 - rb]).wait()

                @pl.when(cj == 0)
                def _():
                    pltpu.async_copy(
                        state_sh.at[src_blk.at[eb, 0]], rows2.at[0], gsem.at[0])

                @pl.when(cj < K - 1)
                def _():
                    pltpu.async_copy(
                        state_sh.at[src_blk.at[eb, cj + 1]],
                        rows2.at[1 - rb], gsem.at[1 - rb])

                pltpu.make_async_copy(
                    state_sh.at[src_blk.at[eb, cj]], rows2.at[rb],
                    gsem.at[rb]).wait()

                @plsc.parallel_loop(0, CHUNK // L)
                def _mul(g):
                    wvec = w_blk[eb, cj, pl.ds(g * L, L)]
                    for j in range(L):
                        sp = jnp.broadcast_to(wvec[j], (L,))
                        e = g * L + j
                        for v in range(VPR):
                            sl = pl.ds(v * L, L)
                            rows2[rb, e, sl] = rows2[rb, e, sl] * sp

                pltpu.async_copy(rows2.at[rb], ax_sh.at[dst_blk.at[eb, cj]],
                                 ssem.at[rb], add=True)
                return 0
            lax.fori_loop(0, K, chunk, 0)
            return 0
        lax.fori_loop(0, nblk, block, 0)
        wait_block(nblk, lax.bitwise_and(nblk, 1))
        last = lax.bitwise_and(nblk * K - 1, 1)
        pltpu.make_async_copy(
            rows2.at[last], ax_sh.at[dst_blk.at[0, 0]], ssem.at[last]).wait()
        plsc.subcore_barrier()

        def upd_sub(k, _):
            r0 = row0 + k * SUB
            pltpu.sync_copy(state_sh.at[pl.ds(r0, SUB)], sbuf)
            pltpu.sync_copy(ax_sh.at[pl.ds(r0, SUB)], abuf)

            def urow(r, _):
                for v in range(VPR):
                    sl = pl.ds(v * L, L)
                    s = sbuf[r, sl]
                    sbuf[r, sl] = s + alpha * (abuf[r, sl] - s)
                    abuf[r, sl] = zv
                return 0
            lax.fori_loop(0, SUB, urow, 0)

            pltpu.sync_copy(sbuf, state_sh.at[pl.ds(r0, SUB)])
            pltpu.sync_copy(abuf, ax_sh.at[pl.ds(r0, SUB)])
            return 0
        lax.fori_loop(0, NSUB, upd_sub, 0)
        plsc.subcore_barrier()
        return carry
    lax.fori_loop(0, STEPS, step, 0)

    def out_sub(k, _):
        pltpu.sync_copy(state_sh.at[pl.ds(row0 + k * SUB, SUB)], sbuf)
        pltpu.sync_copy(sbuf, out_hbm.at[pl.ds(hrow0 + k * SUB, SUB)])
        return 0
    lax.fori_loop(0, NSUB, out_sub, 0)


@functools.partial(jax.jit, static_argnames=("nblk",))
def _run(state2, src4, dst4, w4, ap, nblk):
    mesh = plsc.VectorSubcoreMesh(
        core_axis_name="c", subcore_axis_name="s", num_cores=NC, num_subcores=NS
    )
    return pl.kernel(
        functools.partial(_body, nblk=nblk),
        out_type=jax.ShapeDtypeStruct((NC * NP, DH), jnp.float32),
        mesh=mesh,
        compiler_params=pltpu.CompilerParams(use_tc_tiling_on_sc=False),
        scratch_types=[
            pltpu.VMEM_SHARED((NP, DH), jnp.float32),
            pltpu.VMEM_SHARED((NP, DH), jnp.float32),
            pltpu.VMEM((2, K, CHUNK), jnp.int32),
            pltpu.VMEM((2, K, CHUNK), jnp.int32),
            pltpu.VMEM((2, K, CHUNK), jnp.float32),
            pltpu.VMEM((2, CHUNK, DH), jnp.float32),
            pltpu.VMEM((SUB, DH), jnp.float32),
            pltpu.VMEM((SUB, DH), jnp.float32),
            pltpu.VMEM((L,), jnp.float32),
            pltpu.SemaphoreType.DMA((2,)),
            pltpu.SemaphoreType.DMA((2,)),
            pltpu.SemaphoreType.DMA((2,)),
        ],
    )(state2, src4, dst4, w4, ap)


def kernel(x, edge_index, edge_weight, alpha_train):
    E = edge_weight.shape[0]
    blk_edges = K * CHUNK
    nblk = -(-E // (NS * blk_edges))
    ep = nblk * blk_edges * NS
    pad = ep - E

    def layout(arr, dt):
        flat = jnp.concatenate([arr, jnp.zeros((pad,), dt)])
        data = flat.reshape(NS, nblk, K, CHUNK)
        extra = jnp.zeros((NS, 1, K, CHUNK), dt)
        return jnp.concatenate([data, extra], axis=1)

    src4 = layout(edge_index[0], jnp.int32)
    dst4 = layout(edge_index[1], jnp.int32)
    w4 = layout(edge_weight, jnp.float32)

    zpad = jnp.zeros((NP - N, DH), jnp.float32)
    state2 = jnp.concatenate([x[:, :DH], zpad, x[:, DH:], zpad], axis=0)
    ap = jnp.full((L,), alpha_train, jnp.float32)

    out2 = _run(state2, src4, dst4, w4, ap, nblk)
    return jnp.concatenate([out2[:N], out2[NP:NP + N]], axis=1)

# --- scband reference (transcript-rebuilt; emitter-appended) ---
"""Pipeline reference for scband-constant-odeblock-57535381897864 (READ-ONLY COPY).

The authoritative reference and input builder live on the scoring server;
editing this copy changes nothing except your own understanding.
"""

import jax, jax.numpy as jnp
import numpy as np

N = 10000
D = 128
E = 320000
TIME = 4.0
STEP = 1.0


def setup_inputs(seed: int = 0) -> dict:
    key = jax.random.key(seed)
    k1, k2, k3 = jax.random.split(key, 3)
    x = jax.random.normal(k1, (N, D), dtype=jnp.float32)
    edge_index = jax.random.randint(k2, (2, E), 0, N, dtype=jnp.int32)
    edge_weight = jax.random.uniform(k3, (E,), dtype=jnp.float32)
    # Learned scalar parameter of LaplacianODEFunc (GRAND): alpha_train
    alpha_train = jnp.zeros((), dtype=jnp.float32)
    return {"x": x, "edge_index": edge_index, "edge_weight": edge_weight, "alpha_train": alpha_train}


def _laplacian_rhs(state, edge_index, edge_weight, alpha_train):
    # f(t, x) = sigmoid(alpha_train) * (A x - x), A given by (edge_index, edge_weight)
    src = edge_index[0]
    dst = edge_index[1]
    msgs = edge_weight[:, None] * jnp.take(state, src, axis=0)
    ax = jax.ops.segment_sum(msgs, dst, num_segments=N)
    alpha = jax.nn.sigmoid(alpha_train)
    return alpha * (ax - state)


def reference(x, edge_index, edge_weight, alpha_train):
    # odeint(func, x, t=[0, TIME], method='euler', step_size=1) -> z = state at t=TIME
    n_steps = int(TIME / STEP)
    state = x
    for _ in range(n_steps):
        state = state + STEP * _laplacian_rhs(state, edge_index, edge_weight, alpha_train)
    return state

if __name__ == "__main__":
    import jax
    _d = setup_inputs()
    print(jax.jit(kernel)(*tuple(_d.values())))

</pallas_src>

<mosaic_0001>
#map = affine_map<(d0, d1) -> (0, 0)>
#map1 = affine_map<(d0, d1) -> (0, 0, 0, 0)>
#map2 = affine_map<(d0, d1) -> (0)>
module attributes {stable_mosaic.version = 14 : i64} {
  func.func @_body(%arg0: i32, %arg1: i32, %arg2: memref<20480x64xf32, #tpu.memory_space<hbm>>, %arg3: memref<16x21x8x128xi32, #tpu.memory_space<hbm>>, %arg4: memref<16x21x8x128xi32, #tpu.memory_space<hbm>>, %arg5: memref<16x21x8x128xf32, #tpu.memory_space<hbm>>, %arg6: memref<16xf32, #tpu.memory_space<hbm>>, %arg7: memref<20480x64xf32, #tpu.memory_space<hbm>>, %arg8: memref<10240x64xf32, #tpu.memory_space<vmem_shared>>, %arg9: memref<10240x64xf32, #tpu.memory_space<vmem_shared>>, %arg10: memref<2x8x128xi32, #tpu.memory_space<vmem>>, %arg11: memref<2x8x128xi32, #tpu.memory_space<vmem>>, %arg12: memref<2x8x128xf32, #tpu.memory_space<vmem>>, %arg13: memref<2x128x64xf32, #tpu.memory_space<vmem>>, %arg14: memref<128x64xf32, #tpu.memory_space<vmem>>, %arg15: memref<128x64xf32, #tpu.memory_space<vmem>>, %arg16: memref<16xf32, #tpu.memory_space<vmem>>, %arg17: memref<2x!tpu.dma_semaphore, #tpu.memory_space<semaphore_mem>>, %arg18: memref<2x!tpu.dma_semaphore, #tpu.memory_space<semaphore_mem>>, %arg19: memref<2x!tpu.dma_semaphore, #tpu.memory_space<semaphore_mem>>) attributes {dimension_semantics = [#tpu.dimension_semantics<core_parallel>, #tpu.dimension_semantics<subcore_parallel>], iteration_bounds = array<i64: 2, 16>, scalar_prefetch = 0 : i64, scratch_operands = 12 : i64, tpu.core_type = #tpu.core_type<sc_vector_subcore>, window_params = [{transform_indices = #map}, {transform_indices = #map1}, {transform_indices = #map1}, {transform_indices = #map1}, {transform_indices = #map2}, {transform_indices = #map}]} {
    %mul3A = arith.constant 640 : i32
    %mul3A_0 = arith.muli %arg1, %mul3A : i32
    %mul3A_1 = arith.constant 10240 : i32
    %mul3A_2 = arith.muli %arg0, %mul3A_1 : i32
    %add3A = arith.addi %mul3A_2, %mul3A_0 : i32
    "tpu.region"() ({
      %run_scoped3A = tpu.sem_alloc : memref<!tpu.dma_semaphore, #tpu.memory_space<semaphore_mem>>
      tpu.enqueue_dma source(%arg6 : memref<16xf32, #tpu.memory_space<hbm>>) target(%arg16 : memref<16xf32, #tpu.memory_space<vmem>>) target_semaphore(%run_scoped3A : memref<!tpu.dma_semaphore, #tpu.memory_space<semaphore_mem>>)
      tpu.wait_dma2 semaphore(%run_scoped3A : memref<!tpu.dma_semaphore, #tpu.memory_space<semaphore_mem>>) src(%arg6 : memref<16xf32, #tpu.memory_space<hbm>>) dst(%arg16 : memref<16xf32, #tpu.memory_space<vmem>>)
      tpu.yield
    }) : () -> ()
    %get3A = arith.constant 0 : index
    %get3A_3 = tpu.vector_load %arg16[%get3A] {strides = array<i32>} : memref<16xf32, #tpu.memory_space<vmem>>, vector<16xf32>,
    %get3A_4 = vector.shape_cast %get3A_3 : vector<16xf32> to vector<16xf32>
    %neg3A = arith.constant 0.000000e+00 : f32
    %neg3A_5 = vector.broadcast %neg3A : f32 to vector<16xf32>
    %neg3A_6 = arith.subf %neg3A_5, %get3A_4 : vector<16xf32>
    %exp3A = math.exp %neg3A_6 : vector<16xf32>
    %add3A_7 = arith.constant 1.000000e+00 : f32
    %add3A_8 = vector.broadcast %add3A_7 : f32 to vector<16xf32>
    %add3A_9 = arith.addf %add3A_8, %exp3A : vector<16xf32>
    %div3A = arith.constant 1.000000e+00 : f32
    %div3A_10 = vector.broadcast %div3A : f32 to vector<16xf32>
    %div3A_11 = arith.divf %div3A_10, %add3A_9 : vector<16xf32>
    %broadcast_in_dim3A = arith.constant 0.000000e+00 : f32
    %broadcast_in_dim3A_12 = vector.broadcast %broadcast_in_dim3A : f32 to vector<16xf32>
    %scan3A = arith.constant 0 : i32
    %scan3A_13 = arith.constant 0 : i32
    %scan3A_14 = arith.constant 128 : i32
    %scan3A_15 = arith.addi %scan3A_13, %scan3A_14 : i32
    %scan3A_16 = arith.constant 1 : i32
    %scan3A_17 = scf.for %scan3A_39 = %scan3A_13 to %scan3A_15 step %scan3A_16 iter_args(%scan3A_40 = %scan3A) -> (i32)  : i32 {
      %swap3A = arith.index_cast %scan3A_39 : i32 to index
      %swap3A_41 = arith.constant 0 : index
      %swap3A_42 = tpu.vector_load %arg15[%swap3A, %swap3A_41] {strides = array<i32>} : memref<128x64xf32, #tpu.memory_space<vmem>>, vector<1x16xf32>,
      %swap3A_43 = vector.shape_cast %swap3A_42 : vector<1x16xf32> to vector<16xf32>
      %swap3A_44 = vector.shape_cast %broadcast_in_dim3A_12 : vector<16xf32> to vector<1x16xf32>
      tpu.vector_store %arg15[%swap3A, %swap3A_41], %swap3A_44 {strides = array<i32>} : memref<128x64xf32, #tpu.memory_space<vmem>>, vector<1x16xf32>,
      %swap3A_45 = arith.index_cast %scan3A_39 : i32 to index
      %swap3A_46 = arith.constant 16 : index
      %swap3A_47 = tpu.vector_load %arg15[%swap3A_45, %swap3A_46] {strides = array<i32>} : memref<128x64xf32, #tpu.memory_space<vmem>>, vector<1x16xf32>,
      %swap3A_48 = vector.shape_cast %swap3A_47 : vector<1x16xf32> to vector<16xf32>
      %swap3A_49 = vector.shape_cast %broadcast_in_dim3A_12 : vector<16xf32> to vector<1x16xf32>
      tpu.vector_store %arg15[%swap3A_45, %swap3A_46], %swap3A_49 {strides = array<i32>} : memref<128x64xf32, #tpu.memory_space<vmem>>, vector<1x16xf32>,
      %swap3A_50 = arith.index_cast %scan3A_39 : i32 to index
      %swap3A_51 = arith.constant 32 : index
      %swap3A_52 = tpu.vector_load %arg15[%swap3A_50, %swap3A_51] {strides = array<i32>} : memref<128x64xf32, #tpu.memory_space<vmem>>, vector<1x16xf32>,
      %swap3A_53 = vector.shape_cast %swap3A_52 : vector<1x16xf32> to vector<16xf32>
      %swap3A_54 = vector.shape_cast %broadcast_in_dim3A_12 : vector<16xf32> to vector<1x16xf32>
      tpu.vector_store %arg15[%swap3A_50, %swap3A_51], %swap3A_54 {strides = array<i32>} : memref<128x64xf32, #tpu.memory_space<vmem>>, vector<1x16xf32>,
      %swap3A_55 = arith.index_cast %scan3A_39 : i32 to index
      %swap3A_56 = arith.constant 48 : index
      %swap3A_57 = tpu.vector_load %arg15[%swap3A_55, %swap3A_56] {strides = array<i32>} : memref<128x64xf32, #tpu.memory_space<vmem>>, vector<1x16xf32>,
      %swap3A_58 = vector.shape_cast %swap3A_57 : vector<1x16xf32> to vector<16xf32>
      %swap3A_59 = vector.shape_cast %broadcast_in_dim3A_12 : vector<16xf32> to vector<1x16xf32>
      tpu.vector_store %arg15[%swap3A_55, %swap3A_56], %swap3A_59 {strides = array<i32>} : memref<128x64xf32, #tpu.memory_space<vmem>>, vector<1x16xf32>,
      %scan3A_60 = arith.constant 0 : i32
      scf.yield %scan3A_60 : i32
    }
    %scan3A_18 = arith.constant 128 : i32
    %scan3A_19 = arith.constant 0 : i32
    %scan3A_20 = arith.constant 0 : i32
    %scan3A_21 = arith.constant 5 : i32
    %scan3A_22 = arith.addi %scan3A_20, %scan3A_21 : i32
    %scan3A_23 = arith.constant 1 : i32
    %scan3A_24 = scf.for %scan3A_39 = %scan3A_20 to %scan3A_22 step %scan3A_23 iter_args(%scan3A_40 = %scan3A_19) -> (i32)  : i32 {
      %mul3A_41 = arith.constant 128 : i32
      %mul3A_42 = arith.muli %scan3A_39, %mul3A_41 : i32
      %add3A_43 = arith.addi %add3A, %mul3A_42 : i32
      "tpu.region"() ({
        %run_scoped3A = tpu.sem_alloc : memref<!tpu.dma_semaphore, #tpu.memory_space<semaphore_mem>>
        %dma_start3A = arith.constant 0 : i32
        %dma_start3A_51 = tpu.memref_slice %arg2[%add3A_43, %dma_start3A] : memref<20480x64xf32, #tpu.memory_space<hbm>> -> memref<128x64xf32, #tpu.memory_space<hbm>>
        %dma_start3A_52 = arith.constant 0 : i32
        %dma_start3A_53 = tpu.memref_slice %arg2[%add3A_43, %dma_start3A_52] : memref<20480x64xf32, #tpu.memory_space<hbm>> -> memref<128x64xf32, #tpu.memory_space<hbm>>
        tpu.enqueue_dma source(%dma_start3A_53 : memref<128x64xf32, #tpu.memory_space<hbm>>) target(%arg14 : memref<128x64xf32, #tpu.memory_space<vmem>>) target_semaphore(%run_scoped3A : memref<!tpu.dma_semaphore, #tpu.memory_space<semaphore_mem>>)
        %dma_wait3A = arith.constant 0 : i32
        %dma_wait3A_54 = tpu.memref_slice %arg2[%add3A_43, %dma_wait3A] : memref<20480x64xf32, #tpu.memory_space<hbm>> -> memref<128x64xf32, #tpu.memory_space<hbm>>
        %dma_wait3A_55 = arith.constant 0 : i32
        %dma_wait3A_56 = tpu.memref_slice %arg2[%add3A_43, %dma_wait3A_55] : memref<20480x64xf32, #tpu.memory_space<hbm>> -> memref<128x64xf32, #tpu.memory_space<hbm>>
        tpu.wait_dma2 semaphore(%run_scoped3A : memref<!tpu.dma_semaphore, #tpu.memory_space<semaphore_mem>>) src(%dma_wait3A_56 : memref<128x64xf32, #tpu.memory_space<hbm>>) dst(%arg14 : memref<128x64xf32, #tpu.memory_space<vmem>>)
        tpu.yield
      }) : () -> ()
      %mul3A_44 = arith.constant 128 : i32
      %mul3A_45 = arith.muli %scan3A_39, %mul3A_44 : i32
      %add3A_46 = arith.addi %mul3A_0, %mul3A_45 : i32
      "tpu.region"() ({
        %run_scoped3A = tpu.sem_alloc : memref<!tpu.dma_semaphore, #tpu.memory_space<semaphore_mem>>
        %dma_start3A = arith.constant 0 : i32
        %dma_start3A_51 = tpu.memref_slice %arg8[%add3A_46, %dma_start3A] : memref<10240x64xf32, #tpu.memory_space<vmem_shared>> -> memref<128x64xf32, #tpu.memory_space<vmem_shared>>
        %dma_start3A_52 = arith.constant 0 : i32
        %dma_start3A_53 = tpu.memref_slice %arg8[%add3A_46, %dma_start3A_52] : memref<10240x64xf32, #tpu.memory_space<vmem_shared>> -> memref<128x64xf32, #tpu.memory_space<vmem_shared>>
        tpu.enqueue_dma source(%arg14 : memref<128x64xf32, #tpu.memory_space<vmem>>) target(%dma_start3A_53 : memref<128x64xf32, #tpu.memory_space<vmem_shared>>) target_semaphore(%run_scoped3A : memref<!tpu.dma_semaphore, #tpu.memory_space<semaphore_mem>>)
        %dma_wait3A = arith.constant 0 : i32
        %dma_wait3A_54 = tpu.memref_slice %arg8[%add3A_46, %dma_wait3A] : memref<10240x64xf32, #tpu.memory_space<vmem_shared>> -> memref<128x64xf32, #tpu.memory_space<vmem_shared>>
        %dma_wait3A_55 = arith.constant 0 : i32
        %dma_wait3A_56 = tpu.memref_slice %arg8[%add3A_46, %dma_wait3A_55] : memref<10240x64xf32, #tpu.memory_space<vmem_shared>> -> memref<128x64xf32, #tpu.memory_space<vmem_shared>>
        tpu.wait_dma2 semaphore(%run_scoped3A : memref<!tpu.dma_semaphore, #tpu.memory_space<semaphore_mem>>) src(%arg14 : memref<128x64xf32, #tpu.memory_space<vmem>>) dst(%dma_wait3A_56 : memref<128x64xf32, #tpu.memory_space<vmem_shared>>)
        tpu.yield
      }) : () -> ()
      %mul3A_47 = arith.constant 128 : i32
      %mul3A_48 = arith.muli %scan3A_39, %mul3A_47 : i32
      %add3A_49 = arith.addi %mul3A_0, %mul3A_48 : i32
      "tpu.region"() ({
        %run_scoped3A = tpu.sem_alloc : memref<!tpu.dma_semaphore, #tpu.memory_space<semaphore_mem>>
        %dma_start3A = arith.constant 0 : i32
        %dma_start3A_51 = tpu.memref_slice %arg9[%add3A_49, %dma_start3A] : memref<10240x64xf32, #tpu.memory_space<vmem_shared>> -> memref<128x64xf32, #tpu.memory_space<vmem_shared>>
        %dma_start3A_52 = arith.constant 0 : i32
        %dma_start3A_53 = tpu.memref_slice %arg9[%add3A_49, %dma_start3A_52] : memref<10240x64xf32, #tpu.memory_space<vmem_shared>> -> memref<128x64xf32, #tpu.memory_space<vmem_shared>>
        tpu.enqueue_dma source(%arg15 : memref<128x64xf32, #tpu.memory_space<vmem>>) target(%dma_start3A_53 : memref<128x64xf32, #tpu.memory_space<vmem_shared>>) target_semaphore(%run_scoped3A : memref<!tpu.dma_semaphore, #tpu.memory_space<semaphore_mem>>)
        %dma_wait3A = arith.constant 0 : i32
        %dma_wait3A_54 = tpu.memref_slice %arg9[%add3A_49, %dma_wait3A] : memref<10240x64xf32, #tpu.memory_space<vmem_shared>> -> memref<128x64xf32, #tpu.memory_space<vmem_shared>>
        %dma_wait3A_55 = arith.constant 0 : i32
        %dma_wait3A_56 = tpu.memref_slice %arg9[%add3A_49, %dma_wait3A_55] : memref<10240x64xf32, #tpu.memory_space<vmem_shared>> -> memref<128x64xf32, #tpu.memory_space<vmem_shared>>
        tpu.wait_dma2 semaphore(%run_scoped3A : memref<!tpu.dma_semaphore, #tpu.memory_space<semaphore_mem>>) src(%arg15 : memref<128x64xf32, #tpu.memory_space<vmem>>) dst(%dma_wait3A_56 : memref<128x64xf32, #tpu.memory_space<vmem_shared>>)
        tpu.yield
      }) : () -> ()
      %scan3A_50 = arith.constant 0 : i32
      scf.yield %scan3A_50 : i32
    }
    %scan3A_25 = arith.constant 5 : i32
    %barrier3A = arith.constant 0 : index
    tpu.barrier barrier_id(%barrier3A)
    %scan3A_26 = arith.constant 0 : i32
    %scan3A_27 = arith.constant 0 : i32
    %scan3A_28 = arith.constant 4 : i32
    %scan3A_29 = arith.addi %scan3A_27, %scan3A_28 : i32
    %scan3A_30 = arith.constant 1 : i32
    scf.for %scan3A_39 = %scan3A_27 to %scan3A_29 step %scan3A_30  : i32 {
      %dma_start3A = arith.constant 0 : i32
      %dma_start3A_40 = arith.constant 0 : i32
      %dma_start3A_41 = arith.constant 0 : i32
      %dma_start3A_42 = arith.constant 0 : i32
      %dma_start3A_43 = arith.constant 0 : i32
      %dma_start3A_44 = tpu.memref_slice %arg10[%dma_start3A_40, %dma_start3A_42, %dma_start3A_43] : memref<2x8x128xi32, #tpu.memory_space<vmem>> -> memref<1x8x128xi32, #tpu.memory_space<vmem>>
      %dma_start3A_45 = tpu.memref_squeeze %dma_start3A_44 : memref<1x8x128xi32, #tpu.memory_space<vmem>> -> memref<8x128xi32, #tpu.memory_space<vmem>>
      %dma_start3A_46 = arith.constant 0 : i32
      %dma_start3A_47 = arith.constant 0 : i32
      %dma_start3A_48 = tpu.memref_slice %arg3[%arg1, %dma_start3A, %dma_start3A_46, %dma_start3A_47] : memref<16x21x8x128xi32, #tpu.memory_space<hbm>> -> memref<1x1x8x128xi32, #tpu.memory_space<hbm>>
      %dma_start3A_49 = tpu.memref_squeeze %dma_start3A_48 : memref<1x1x8x128xi32, #tpu.memory_space<hbm>> -> memref<8x128xi32, #tpu.memory_space<hbm>>
      %dma_start3A_50 = tpu.memref_slice %arg17[%dma_start3A_41] : memref<2x!tpu.dma_semaphore, #tpu.memory_space<semaphore_mem>> -> memref<1x!tpu.dma_semaphore, #tpu.memory_space<semaphore_mem>>
      %dma_start3A_51 = tpu.memref_squeeze %dma_start3A_50 : memref<1x!tpu.dma_semaphore, #tpu.memory_space<semaphore_mem>> -> memref<!tpu.dma_semaphore, #tpu.memory_space<semaphore_mem>>
      %dma_start3A_52 = arith.constant 0 : i32
      %dma_start3A_53 = arith.constant 0 : i32
      %dma_start3A_54 = tpu.memref_slice %arg10[%dma_start3A_40, %dma_start3A_52, %dma_start3A_53] : memref<2x8x128xi32, #tpu.memory_space<vmem>> -> memref<1x8x128xi32, #tpu.memory_space<vmem>>
      %dma_start3A_55 = tpu.memref_squeeze %dma_start3A_54 : memref<1x8x128xi32, #tpu.memory_space<vmem>> -> memref<8x128xi32, #tpu.memory_space<vmem>>
      %dma_start3A_56 = arith.constant 0 : i32
      %dma_start3A_57 = arith.constant 0 : i32
      %dma_start3A_58 = tpu.memref_slice %arg3[%arg1, %dma_start3A, %dma_start3A_56, %dma_start3A_57] : memref<16x21x8x128xi32, #tpu.memory_space<hbm>> -> memref<1x1x8x128xi32, #tpu.memory_space<hbm>>
      %dma_start3A_59 = tpu.memref_squeeze %dma_start3A_58 : memref<1x1x8x128xi32, #tpu.memory_space<hbm>> -> memref<8x128xi32, #tpu.memory_space<hbm>>
      tpu.enqueue_dma source(%dma_start3A_59 : memref<8x128xi32, #tpu.memory_space<hbm>>) target(%dma_start3A_55 : memref<8x128xi32, #tpu.memory_space<vmem>>) target_semaphore(%dma_start3A_51 : memref<!tpu.dma_semaphore, #tpu.memory_space<semaphore_mem>>)
      %dma_start3A_60 = arith.constant 0 : i32
      %dma_start3A_61 = arith.constant 0 : i32
      %dma_start3A_62 = arith.constant 0 : i32
      %dma_start3A_63 = arith.constant 0 : i32
      %dma_start3A_64 = arith.constant 0 : i32
      %dma_start3A_65 = tpu.memref_slice %arg11[%dma_start3A_61, %dma_start3A_63, %dma_start3A_64] : memref<2x8x128xi32, #tpu.memory_space<vmem>> -> memref<1x8x128xi32, #tpu.memory_space<vmem>>
      %dma_start3A_66 = tpu.memref_squeeze %dma_start3A_65 : memref<1x8x128xi32, #tpu.memory_space<vmem>> -> memref<8x128xi32, #tpu.memory_space<vmem>>
      %dma_start3A_67 = arith.constant 0 : i32
      %dma_start3A_68 = arith.constant 0 : i32
      %dma_start3A_69 = tpu.memref_slice %arg4[%arg1, %dma_start3A_60, %dma_start3A_67, %dma_start3A_68] : memref<16x21x8x128xi32, #tpu.memory_space<hbm>> -> memref<1x1x8x128xi32, #tpu.memory_space<hbm>>
      %dma_start3A_70 = tpu.memref_squeeze %dma_start3A_69 : memref<1x1x8x128xi32, #tpu.memory_space<hbm>> -> memref<8x128xi32, #tpu.memory_space<hbm>>
      %dma_start3A_71 = tpu.memref_slice %arg17[%dma_start3A_62] : memref<2x!tpu.dma_semaphore, #tpu.memory_space<semaphore_mem>> -> memref<1x!tpu.dma_semaphore, #tpu.memory_space<semaphore_mem>>
      %dma_start3A_72 = tpu.memref_squeeze %dma_start3A_71 : memref<1x!tpu.dma_semaphore, #tpu.memory_space<semaphore_mem>> -> memref<!tpu.dma_semaphore, #tpu.memory_space<semaphore_mem>>
      %dma_start3A_73 = arith.constant 0 : i32
      %dma_start3A_74 = arith.constant 0 : i32
      %dma_start3A_75 = tpu.memref_slice %arg11[%dma_start3A_61, %dma_start3A_73, %dma_start3A_74] : memref<2x8x128xi32, #tpu.memory_space<vmem>> -> memref<1x8x128xi32, #tpu.memory_space<vmem>>
      %dma_start3A_76 = tpu.memref_squeeze %dma_start3A_75 : memref<1x8x128xi32, #tpu.memory_space<vmem>> -> memref<8x128xi32, #tpu.memory_space<vmem>>
      %dma_start3A_77 = arith.constant 0 : i32
      %dma_start3A_78 = arith.constant 0 : i32
      %dma_start3A_79 = tpu.memref_slice %arg4[%arg1, %dma_start3A_60, %dma_start3A_77, %dma_start3A_78] : memref<16x21x8x128xi32, #tpu.memory_space<hbm>> -> memref<1x1x8x128xi32, #tpu.memory_space<hbm>>
      %dma_start3A_80 = tpu.memref_squeeze %dma_start3A_79 : memref<1x1x8x128xi32, #tpu.memory_space<hbm>> -> memref<8x128xi32, #tpu.memory_space<hbm>>
      tpu.enqueue_dma source(%dma_start3A_80 : memref<8x128xi32, #tpu.memory_space<hbm>>) target(%dma_start3A_76 : memref<8x128xi32, #tpu.memory_space<vmem>>) target_semaphore(%dma_start3A_72 : memref<!tpu.dma_semaphore, #tpu.memory_space<semaphore_mem>>)
      %dma_start3A_81 = arith.constant 0 : i32
      %dma_start3A_82 = arith.constant 0 : i32
      %dma_start3A_83 = arith.constant 0 : i32
      %dma_start3A_84 = arith.constant 0 : i32
      %dma_start3A_85 = arith.constant 0 : i32
      %dma_start3A_86 = tpu.memref_slice %arg12[%dma_start3A_82, %dma_start3A_84, %dma_start3A_85] : memref<2x8x128xf32, #tpu.memory_space<vmem>> -> memref<1x8x128xf32, #tpu.memory_space<vmem>>
      %dma_start3A_87 = tpu.memref_squeeze %dma_start3A_86 : memref<1x8x128xf32, #tpu.memory_space<vmem>> -> memref<8x128xf32, #tpu.memory_space<vmem>>
      %dma_start3A_88 = arith.constant 0 : i32
      %dma_start3A_89 = arith.constant 0 : i32
      %dma_start3A_90 = tpu.memref_slice %arg5[%arg1, %dma_start3A_81, %dma_start3A_88, %dma_start3A_89] : memref<16x21x8x128xf32, #tpu.memory_space<hbm>> -> memref<1x1x8x128xf32, #tpu.memory_space<hbm>>
      %dma_start3A_91 = tpu.memref_squeeze %dma_start3A_90 : memref<1x1x8x128xf32, #tpu.memory_space<hbm>> -> memref<8x128xf32, #tpu.memory_space<hbm>>
      %dma_start3A_92 = tpu.memref_slice %arg17[%dma_start3A_83] : memref<2x!tpu.dma_semaphore, #tpu.memory_space<semaphore_mem>> -> memref<1x!tpu.dma_semaphore, #tpu.memory_space<semaphore_mem>>
      %dma_start3A_93 = tpu.memref_squeeze %dma_start3A_92 : memref<1x!tpu.dma_semaphore, #tpu.memory_space<semaphore_mem>> -> memref<!tpu.dma_semaphore, #tpu.memory_space<semaphore_mem>>
      %dma_start3A_94 = arith.constant 0 : i32
      %dma_start3A_95 = arith.constant 0 : i32
      %dma_start3A_96 = tpu.memref_slice %arg12[%dma_start3A_82, %dma_start3A_94, %dma_start3A_95] : memref<2x8x128xf32, #tpu.memory_space<vmem>> -> memref<1x8x128xf32, #tpu.memory_space<vmem>>
      %dma_start3A_97 = tpu.memref_squeeze %dma_start3A_96 : memref<1x8x128xf32, #tpu.memory_space<vmem>> -> memref<8x128xf32, #tpu.memory_space<vmem>>
      %dma_start3A_98 = arith.constant 0 : i32
      %dma_start3A_99 = arith.constant 0 : i32
      %dma_start3A_100 = tpu.memref_slice %arg5[%arg1, %dma_start3A_81, %dma_start3A_98, %dma_start3A_99] : memref<16x21x8x128xf32, #tpu.memory_space<hbm>> -> memref<1x1x8x128xf32, #tpu.memory_space<hbm>>
      %dma_start3A_101 = tpu.memref_squeeze %dma_start3A_100 : memref<1x1x8x128xf32, #tpu.memory_space<hbm>> -> memref<8x128xf32, #tpu.memory_space<hbm>>
      tpu.enqueue_dma source(%dma_start3A_101 : memref<8x128xf32, #tpu.memory_space<hbm>>) target(%dma_start3A_97 : memref<8x128xf32, #tpu.memory_space<vmem>>) target_semaphore(%dma_start3A_93 : memref<!tpu.dma_semaphore, #tpu.memory_space<semaphore_mem>>)
      %scan3A_102 = arith.constant 0 : i32
      %scan3A_103 = arith.constant 0 : i32
      %scan3A_104 = arith.constant 20 : i32
      %scan3A_105 = arith.addi %scan3A_103, %scan3A_104 : i32
      %scan3A_106 = arith.constant 1 : i32
      %scan3A_107 = scf.for %scan3A_193 = %scan3A_103 to %scan3A_105 step %scan3A_106 iter_args(%scan3A_194 = %scan3A_102) -> (i32)  : i32 {
        %and3A_195 = arith.constant 1 : i32
        %and3A_196 = arith.andi %scan3A_193, %and3A_195 : i32
        %dma_wait3A_197 = arith.constant 0 : i32
        %dma_wait3A_198 = arith.constant 0 : i32
        %dma_wait3A_199 = tpu.memref_slice %arg10[%and3A_196, %dma_wait3A_197, %dma_wait3A_198] : memref<2x8x128xi32, #tpu.memory_space<vmem>> -> memref<1x8x128xi32, #tpu.memory_space<vmem>>
        %dma_wait3A_200 = tpu.memref_squeeze %dma_wait3A_199 : memref<1x8x128xi32, #tpu.memory_space<vmem>> -> memref<8x128xi32, #tpu.memory_space<vmem>>
        %dma_wait3A_201 = arith.constant 0 : i32
        %dma_wait3A_202 = arith.constant 0 : i32
        %dma_wait3A_203 = tpu.memref_slice %arg3[%arg1, %scan3A_193, %dma_wait3A_201, %dma_wait3A_202] : memref<16x21x8x128xi32, #tpu.memory_space<hbm>> -> memref<1x1x8x128xi32, #tpu.memory_space<hbm>>
        %dma_wait3A_204 = tpu.memref_squeeze %dma_wait3A_203 : memref<1x1x8x128xi32, #tpu.memory_space<hbm>> -> memref<8x128xi32, #tpu.memory_space<hbm>>
        %dma_wait3A_205 = tpu.memref_slice %arg17[%and3A_196] : memref<2x!tpu.dma_semaphore, #tpu.memory_space<semaphore_mem>> -> memref<1x!tpu.dma_semaphore, #tpu.memory_space<semaphore_mem>>
        %dma_wait3A_206 = tpu.memref_squeeze %dma_wait3A_205 : memref<1x!tpu.dma_semaphore, #tpu.memory_space<semaphore_mem>> -> memref<!tpu.dma_semaphore, #tpu.memory_space<semaphore_mem>>
        %dma_wait3A_207 = arith.constant 0 : i32
        %dma_wait3A_208 = arith.constant 0 : i32
        %dma_wait3A_209 = tpu.memref_slice %arg10[%and3A_196, %dma_wait3A_207, %dma_wait3A_208] : memref<2x8x128xi32, #tpu.memory_space<vmem>> -> memref<1x8x128xi32, #tpu.memory_space<vmem>>
        %dma_wait3A_210 = tpu.memref_squeeze %dma_wait3A_209 : memref<1x8x128xi32, #tpu.memory_space<vmem>> -> memref<8x128xi32, #tpu.memory_space<vmem>>
        %dma_wait3A_211 = arith.constant 0 : i32
        %dma_wait3A_212 = arith.constant 0 : i32
        %dma_wait3A_213 = tpu.memref_slice %arg3[%arg1, %scan3A_193, %dma_wait3A_211, %dma_wait3A_212] : memref<16x21x8x128xi32, #tpu.memory_space<hbm>> -> memref<1x1x8x128xi32, #tpu.memory_space<hbm>>
        %dma_wait3A_214 = tpu.memref_squeeze %dma_wait3A_213 : memref<1x1x8x128xi32, #tpu.memory_space<hbm>> -> memref<8x128xi32, #tpu.memory_space<hbm>>
        tpu.wait_dma2 semaphore(%dma_wait3A_206 : memref<!tpu.dma_semaphore, #tpu.memory_space<semaphore_mem>>) src(%dma_wait3A_214 : memref<8x128xi32, #tpu.memory_space<hbm>>) dst(%dma_wait3A_210 : memref<8x128xi32, #tpu.memory_space<vmem>>)
        %dma_wait3A_215 = arith.constant 0 : i32
        %dma_wait3A_216 = arith.constant 0 : i32
        %dma_wait3A_217 = tpu.memref_slice %arg11[%and3A_196, %dma_wait3A_215, %dma_wait3A_216] : memref<2x8x128xi32, #tpu.memory_space<vmem>> -> memref<1x8x128xi32, #tpu.memory_space<vmem>>
        %dma_wait3A_218 = tpu.memref_squeeze %dma_wait3A_217 : memref<1x8x128xi32, #tpu.memory_space<vmem>> -> memref<8x128xi32, #tpu.memory_space<vmem>>
        %dma_wait3A_219 = arith.constant 0 : i32
        %dma_wait3A_220 = arith.constant 0 : i32
        %dma_wait3A_221 = tpu.memref_slice %arg4[%arg1, %scan3A_193, %dma_wait3A_219, %dma_wait3A_220] : memref<16x21x8x128xi32, #tpu.memory_space<hbm>> -> memref<1x1x8x128xi32, #tpu.memory_space<hbm>>
        %dma_wait3A_222 = tpu.memref_squeeze %dma_wait3A_221 : memref<1x1x8x128xi32, #tpu.memory_space<hbm>> -> memref<8x128xi32, #tpu.memory_space<hbm>>
        %dma_wait3A_223 = tpu.memref_slice %arg17[%and3A_196] : memref<2x!tpu.dma_semaphore, #tpu.memory_space<semaphore_mem>> -> memref<1x!tpu.dma_semaphore, #tpu.memory_space<semaphore_mem>>
        %dma_wait3A_224 = tpu.memref_squeeze %dma_wait3A_223 : memref<1x!tpu.dma_semaphore, #tpu.memory_space<semaphore_mem>> -> memref<!tpu.dma_semaphore, #tpu.memory_space<semaphore_mem>>
        %dma_wait3A_225 = arith.constant 0 : i32
        %dma_wait3A_226 = arith.constant 0 : i32
        %dma_wait3A_227 = tpu.memref_slice %arg11[%and3A_196, %dma_wait3A_225, %dma_wait3A_226] : memref<2x8x128xi32, #tpu.memory_space<vmem>> -> memref<1x8x128xi32, #tpu.memory_space<vmem>>
        %dma_wait3A_228 = tpu.memref_squeeze %dma_wait3A_227 : memref<1x8x128xi32, #tpu.memory_space<vmem>> -> memref<8x128xi32, #tpu.memory_space<vmem>>
        %dma_wait3A_229 = arith.constant 0 : i32
        %dma_wait3A_230 = arith.constant 0 : i32
        %dma_wait3A_231 = tpu.memref_slice %arg4[%arg1, %scan3A_193, %dma_wait3A_229, %dma_wait3A_230] : memref<16x21x8x128xi32, #tpu.memory_space<hbm>> -> memref<1x1x8x128xi32, #tpu.memory_space<hbm>>
        %dma_wait3A_232 = tpu.memref_squeeze %dma_wait3A_231 : memref<1x1x8x128xi32, #tpu.memory_space<hbm>> -> memref<8x128xi32, #tpu.memory_space<hbm>>
        tpu.wait_dma2 semaphore(%dma_wait3A_224 : memref<!tpu.dma_semaphore, #tpu.memory_space<semaphore_mem>>) src(%dma_wait3A_232 : memref<8x128xi32, #tpu.memory_space<hbm>>) dst(%dma_wait3A_228 : memref<8x128xi32, #tpu.memory_space<vmem>>)
        %dma_wait3A_233 = arith.constant 0 : i32
        %dma_wait3A_234 = arith.constant 0 : i32
        %dma_wait3A_235 = tpu.memref_slice %arg12[%and3A_196, %dma_wait3A_233, %dma_wait3A_234] : memref<2x8x128xf32, #tpu.memory_space<vmem>> -> memref<1x8x128xf32, #tpu.memory_space<vmem>>
        %dma_wait3A_236 = tpu.memref_squeeze %dma_wait3A_235 : memref<1x8x128xf32, #tpu.memory_space<vmem>> -> memref<8x128xf32, #tpu.memory_space<vmem>>
        %dma_wait3A_237 = arith.constant 0 : i32
        %dma_wait3A_238 = arith.constant 0 : i32
        %dma_wait3A_239 = tpu.memref_slice %arg5[%arg1, %scan3A_193, %dma_wait3A_237, %dma_wait3A_238] : memref<16x21x8x128xf32, #tpu.memory_space<hbm>> -> memref<1x1x8x128xf32, #tpu.memory_space<hbm>>
        %dma_wait3A_240 = tpu.memref_squeeze %dma_wait3A_239 : memref<1x1x8x128xf32, #tpu.memory_space<hbm>> -> memref<8x128xf32, #tpu.memory_space<hbm>>
        %dma_wait3A_241 = tpu.memref_slice %arg17[%and3A_196] : memref<2x!tpu.dma_semaphore, #tpu.memory_space<semaphore_mem>> -> memref<1x!tpu.dma_semaphore, #tpu.memory_space<semaphore_mem>>
        %dma_wait3A_242 = tpu.memref_squeeze %dma_wait3A_241 : memref<1x!tpu.dma_semaphore, #tpu.memory_space<semaphore_mem>> -> memref<!tpu.dma_semaphore, #tpu.memory_space<semaphore_mem>>
        %dma_wait3A_243 = arith.constant 0 : i32
        %dma_wait3A_244 = arith.constant 0 : i32
        %dma_wait3A_245 = tpu.memref_slice %arg12[%and3A_196, %dma_wait3A_243, %dma_wait3A_244] : memref<2x8x128xf32, #tpu.memory_space<vmem>> -> memref<1x8x128xf32, #tpu.memory_space<vmem>>
        %dma_wait3A_246 = tpu.memref_squeeze %dma_wait3A_245 : memref<1x8x128xf32, #tpu.memory_space<vmem>> -> memref<8x128xf32, #tpu.memory_space<vmem>>
        %dma_wait3A_247 = arith.constant 0 : i32
        %dma_wait3A_248 = arith.constant 0 : i32
        %dma_wait3A_249 = tpu.memref_slice %arg5[%arg1, %scan3A_193, %dma_wait3A_247, %dma_wait3A_248] : memref<16x21x8x128xf32, #tpu.memory_space<hbm>> -> memref<1x1x8x128xf32, #tpu.memory_space<hbm>>
        %dma_wait3A_250 = tpu.memref_squeeze %dma_wait3A_249 : memref<1x1x8x128xf32, #tpu.memory_space<hbm>> -> memref<8x128xf32, #tpu.memory_space<hbm>>
        tpu.wait_dma2 semaphore(%dma_wait3A_242 : memref<!tpu.dma_semaphore, #tpu.memory_space<semaphore_mem>>) src(%dma_wait3A_250 : memref<8x128xf32, #tpu.memory_space<hbm>>) dst(%dma_wait3A_246 : memref<8x128xf32, #tpu.memory_space<vmem>>)
        %add3A_251 = arith.constant 1 : i32
        %add3A_252 = arith.addi %scan3A_193, %add3A_251 : i32
        %sub3A = arith.constant 1 : i32
        %sub3A_253 = arith.subi %sub3A, %and3A_196 : i32
        %dma_start3A_254 = arith.constant 0 : i32
        %dma_start3A_255 = arith.constant 0 : i32
        %dma_start3A_256 = tpu.memref_slice %arg10[%sub3A_253, %dma_start3A_254, %dma_start3A_255] : memref<2x8x128xi32, #tpu.memory_space<vmem>> -> memref<1x8x128xi32, #tpu.memory_space<vmem>>
        %dma_start3A_257 = tpu.memref_squeeze %dma_start3A_256 : memref<1x8x128xi32, #tpu.memory_space<vmem>> -> memref<8x128xi32, #tpu.memory_space<vmem>>
        %dma_start3A_258 = arith.constant 0 : i32
        %dma_start3A_259 = arith.constant 0 : i32
        %dma_start3A_260 = tpu.memref_slice %arg3[%arg1, %add3A_252, %dma_start3A_258, %dma_start3A_259] : memref<16x21x8x128xi32, #tpu.memory_space<hbm>> -> memref<1x1x8x128xi32, #tpu.memory_space<hbm>>
        %dma_start3A_261 = tpu.memref_squeeze %dma_start3A_260 : memref<1x1x8x128xi32, #tpu.memory_space<hbm>> -> memref<8x128xi32, #tpu.memory_space<hbm>>
        %dma_start3A_262 = tpu.memref_slice %arg17[%sub3A_253] : memref<2x!tpu.dma_semaphore, #tpu.memory_space<semaphore_mem>> -> memref<1x!tpu.dma_semaphore, #tpu.memory_space<semaphore_mem>>
        %dma_start3A_263 = tpu.memref_squeeze %dma_start3A_262 : memref<1x!tpu.dma_semaphore, #tpu.memory_space<semaphore_mem>> -> memref<!tpu.dma_semaphore, #tpu.memory_space<semaphore_mem>>
        %dma_start3A_264 = arith.constant 0 : i32
        %dma_start3A_265 = arith.constant 0 : i32
        %dma_start3A_266 = tpu.memref_slice %arg10[%sub3A_253, %dma_start3A_264, %dma_start3A_265] : memref<2x8x128xi32, #tpu.memory_space<vmem>> -> memref<1x8x128xi32, #tpu.memory_space<vmem>>
        %dma_start3A_267 = tpu.memref_squeeze %dma_start3A_266 : memref<1x8x128xi32, #tpu.memory_space<vmem>> -> memref<8x128xi32, #tpu.memory_space<vmem>>
        %dma_start3A_268 = arith.constant 0 : i32
        %dma_start3A_269 = arith.constant 0 : i32
        %dma_start3A_270 = tpu.memref_slice %arg3[%arg1, %add3A_252, %dma_start3A_268, %dma_start3A_269] : memref<16x21x8x128xi32, #tpu.memory_space<hbm>> -> memref<1x1x8x128xi32, #tpu.memory_space<hbm>>
        %dma_start3A_271 = tpu.memref_squeeze %dma_start3A_270 : memref<1x1x8x128xi32, #tpu.memory_space<hbm>> -> memref<8x128xi32, #tpu.memory_space<hbm>>
        tpu.enqueue_dma source(%dma_start3A_271 : memref<8x128xi32, #tpu.memory_space<hbm>>) target(%dma_start3A_267 : memref<8x128xi32, #tpu.memory_space<vmem>>) target_semaphore(%dma_start3A_263 : memref<!tpu.dma_semaphore, #tpu.memory_space<semaphore_mem>>)
        %dma_start3A_272 = arith.constant 0 : i32
        %dma_start3A_273 = arith.constant 0 : i32
        %dma_start3A_274 = tpu.memref_slice %arg11[%sub3A_253, %dma_start3A_272, %dma_start3A_273] : memref<2x8x128xi32, #tpu.memory_space<vmem>> -> memref<1x8x128xi32, #tpu.memory_space<vmem>>
        %dma_start3A_275 = tpu.memref_squeeze %dma_start3A_274 : memref<1x8x128xi32, #tpu.memory_space<vmem>> -> memref<8x128xi32, #tpu.memory_space<vmem>>
        %dma_start3A_276 = arith.constant 0 : i32
        %dma_start3A_277 = arith.constant 0 : i32
        %dma_start3A_278 = tpu.memref_slice %arg4[%arg1, %add3A_252, %dma_start3A_276, %dma_start3A_277] : memref<16x21x8x128xi32, #tpu.memory_space<hbm>> -> memref<1x1x8x128xi32, #tpu.memory_space<hbm>>
        %dma_start3A_279 = tpu.memref_squeeze %dma_start3A_278 : memref<1x1x8x128xi32, #tpu.memory_space<hbm>> -> memref<8x128xi32, #tpu.memory_space<hbm>>
        %dma_start3A_280 = tpu.memref_slice %arg17[%sub3A_253] : memref<2x!tpu.dma_semaphore, #tpu.memory_space<semaphore_mem>> -> memref<1x!tpu.dma_semaphore, #tpu.memory_space<semaphore_mem>>
        %dma_start3A_281 = tpu.memref_squeeze %dma_start3A_280 : memref<1x!tpu.dma_semaphore, #tpu.memory_space<semaphore_mem>> -> memref<!tpu.dma_semaphore, #tpu.memory_space<semaphore_mem>>
        %dma_start3A_282 = arith.constant 0 : i32
        %dma_start3A_283 = arith.constant 0 : i32
        %dma_start3A_284 = tpu.memref_slice %arg11[%sub3A_253, %dma_start3A_282, %dma_start3A_283] : memref<2x8x128xi32, #tpu.memory_space<vmem>> -> memref<1x8x128xi32, #tpu.memory_space<vmem>>
        %dma_start3A_285 = tpu.memref_squeeze %dma_start3A_284 : memref<1x8x128xi32, #tpu.memory_space<vmem>> -> memref<8x128xi32, #tpu.memory_space<vmem>>
        %dma_start3A_286 = arith.constant 0 : i32
        %dma_start3A_287 = arith.constant 0 : i32
        %dma_start3A_288 = tpu.memref_slice %arg4[%arg1, %add3A_252, %dma_start3A_286, %dma_start3A_287] : memref<16x21x8x128xi32, #tpu.memory_space<hbm>> -> memref<1x1x8x128xi32, #tpu.memory_space<hbm>>
        %dma_start3A_289 = tpu.memref_squeeze %dma_start3A_288 : memref<1x1x8x128xi32, #tpu.memory_space<hbm>> -> memref<8x128xi32, #tpu.memory_space<hbm>>
        tpu.enqueue_dma source(%dma_start3A_289 : memref<8x128xi32, #tpu.memory_space<hbm>>) target(%dma_start3A_285 : memref<8x128xi32, #tpu.memory_space<vmem>>) target_semaphore(%dma_start3A_281 : memref<!tpu.dma_semaphore, #tpu.memory_space<semaphore_mem>>)
        %dma_start3A_290 = arith.constant 0 : i32
        %dma_start3A_291 = arith.constant 0 : i32
        %dma_start3A_292 = tpu.memref_slice %arg12[%sub3A_253, %dma_start3A_290, %dma_start3A_291] : memref<2x8x128xf32, #tpu.memory_space<vmem>> -> memref<1x8x128xf32, #tpu.memory_space<vmem>>
        %dma_start3A_293 = tpu.memref_squeeze %dma_start3A_292 : memref<1x8x128xf32, #tpu.memory_space<vmem>> -> memref<8x128xf32, #tpu.memory_space<vmem>>
        %dma_start3A_294 = arith.constant 0 : i32
        %dma_start3A_295 = arith.constant 0 : i32
        %dma_start3A_296 = tpu.memref_slice %arg5[%arg1, %add3A_252, %dma_start3A_294, %dma_start3A_295] : memref<16x21x8x128xf32, #tpu.memory_space<hbm>> -> memref<1x1x8x128xf32, #tpu.memory_space<hbm>>
        %dma_start3A_297 = tpu.memref_squeeze %dma_start3A_296 : memref<1x1x8x128xf32, #tpu.memory_space<hbm>> -> memref<8x128xf32, #tpu.memory_space<hbm>>
        %dma_start3A_298 = tpu.memref_slice %arg17[%sub3A_253] : memref<2x!tpu.dma_semaphore, #tpu.memory_space<semaphore_mem>> -> memref<1x!tpu.dma_semaphore, #tpu.memory_space<semaphore_mem>>
        %dma_start3A_299 = tpu.memref_squeeze %dma_start3A_298 : memref<1x!tpu.dma_semaphore, #tpu.memory_space<semaphore_mem>> -> memref<!tpu.dma_semaphore, #tpu.memory_space<semaphore_mem>>
        %dma_start3A_300 = arith.constant 0 : i32
        %dma_start3A_301 = arith.constant 0 : i32
        %dma_start3A_302 = tpu.memref_slice %arg12[%sub3A_253, %dma_start3A_300, %dma_start3A_301] : memref<2x8x128xf32, #tpu.memory_space<vmem>> -> memref<1x8x128xf32, #tpu.memory_space<vmem>>
        %dma_start3A_303 = tpu.memref_squeeze %dma_start3A_302 : memref<1x8x128xf32, #tpu.memory_space<vmem>> -> memref<8x128xf32, #tpu.memory_space<vmem>>
        %dma_start3A_304 = arith.constant 0 : i32
        %dma_start3A_305 = arith.constant 0 : i32
        %dma_start3A_306 = tpu.memref_slice %arg5[%arg1, %add3A_252, %dma_start3A_304, %dma_start3A_305] : memref<16x21x8x128xf32, #tpu.memory_space<hbm>> -> memref<1x1x8x128xf32, #tpu.memory_space<hbm>>
        %dma_start3A_307 = tpu.memref_squeeze %dma_start3A_306 : memref<1x1x8x128xf32, #tpu.memory_space<hbm>> -> memref<8x128xf32, #tpu.memory_space<hbm>>
        tpu.enqueue_dma source(%dma_start3A_307 : memref<8x128xf32, #tpu.memory_space<hbm>>) target(%dma_start3A_303 : memref<8x128xf32, #tpu.memory_space<vmem>>) target_semaphore(%dma_start3A_299 : memref<!tpu.dma_semaphore, #tpu.memory_space<semaphore_mem>>)
        %scan3A_308 = arith.constant 0 : i32
        %scan3A_309 = arith.constant 0 : i32
        %scan3A_310 = arith.constant 8 : i32
        %scan3A_311 = arith.addi %scan3A_309, %scan3A_310 : i32
        %scan3A_312 = arith.constant 1 : i32
        %scan3A_313 = scf.for %scan3A_316 = %scan3A_309 to %scan3A_311 step %scan3A_312 iter_args(%scan3A_317 = %scan3A_308) -> (i32)  : i32 {
          %and3A_318 = arith.constant 1 : i32
          %and3A_319 = arith.andi %scan3A_316, %and3A_318 : i32
          %mul3A_320 = arith.constant 8 : i32
          %mul3A_321 = arith.muli %scan3A_193, %mul3A_320 : i32
          %add3A_322 = arith.addi %mul3A_321, %scan3A_316 : i32
          %ge3A = arith.constant 1 : i32
          %ge3A_323 = arith.cmpi sge, %add3A_322, %ge3A : i32
          %convert_element_type3A = arith.extui %ge3A_323 : i1 to i32
          %cond3A = arith.constant 0 : i32
          %cond3A_324 = arith.cmpi ne, %convert_element_type3A, %cond3A : i32
          scf.if %cond3A_324 {
            %sub3A_360 = arith.constant 1 : i32
            %sub3A_361 = arith.subi %sub3A_360, %and3A_319 : i32
            %sub3A_362 = arith.constant 1 : i32
            %sub3A_363 = arith.subi %sub3A_362, %and3A_319 : i32
            %dma_wait3A_364 = arith.constant 0 : i32
            %dma_wait3A_365 = arith.constant 0 : i32
            %dma_wait3A_366 = tpu.memref_slice %arg13[%sub3A_361, %dma_wait3A_364, %dma_wait3A_365] : memref<2x128x64xf32, #tpu.memory_space<vmem>> -> memref<1x128x64xf32, #tpu.memory_space<vmem>>
            %dma_wait3A_367 = tpu.memref_squeeze %dma_wait3A_366 : memref<1x128x64xf32, #tpu.memory_space<vmem>> -> memref<128x64xf32, #tpu.memory_space<vmem>>
            %dma_wait3A_368 = arith.constant 0 : i32
            %dma_wait3A_369 = tpu.memref_slice %arg11[%and3A_196, %scan3A_316, %dma_wait3A_368] : memref<2x8x128xi32, #tpu.memory_space<vmem>> -> memref<1x1x128xi32, #tpu.memory_space<vmem>>
            %dma_wait3A_370 = tpu.memref_squeeze %dma_wait3A_369 : memref<1x1x128xi32, #tpu.memory_space<vmem>> -> memref<128xi32, #tpu.memory_space<vmem>>
            %dma_wait3A_371 = arith.constant 0 : i32
            %dma_wait3A_372 = arith.constant 0 : i32
            %dma_wait3A_373 = tpu.memref_slice %arg9[%dma_wait3A_371, %dma_wait3A_372] : memref<10240x64xf32, #tpu.memory_space<vmem_shared>> -> memref<10240x64xf32, #tpu.memory_space<vmem_shared>>
            %dma_wait3A_374 = tpu.memref_slice %arg19[%sub3A_363] : memref<2x!tpu.dma_semaphore, #tpu.memory_space<semaphore_mem>> -> memref<1x!tpu.dma_semaphore, #tpu.memory_space<semaphore_mem>>
            %dma_wait3A_375 = tpu.memref_squeeze %dma_wait3A_374 : memref<1x!tpu.dma_semaphore, #tpu.memory_space<semaphore_mem>> -> memref<!tpu.dma_semaphore, #tpu.memory_space<semaphore_mem>>
            tpu.wait_indirect_dma semaphore(%dma_wait3A_375 : memref<!tpu.dma_semaphore, #tpu.memory_space<semaphore_mem>>) src(%dma_wait3A_367 : memref<128x64xf32, #tpu.memory_space<vmem>>) dst(%dma_wait3A_373 : memref<10240x64xf32, #tpu.memory_space<vmem_shared>>)
          } else {
          }
          %eq3A = arith.constant 0 : i32
          %eq3A_325 = arith.cmpi eq, %scan3A_316, %eq3A : i32
          %convert_element_type3A_326 = arith.extui %eq3A_325 : i1 to i32
          %cond3A_327 = arith.constant 0 : i32
          %cond3A_328 = arith.cmpi ne, %convert_element_type3A_326, %cond3A_327 : i32
          scf.if %cond3A_328 {
            %dma_start3A_360 = arith.constant 0 : i32
            %dma_start3A_361 = arith.constant 0 : i32
            %dma_start3A_362 = arith.constant 0 : i32
            %dma_start3A_363 = arith.constant 0 : i32
            %dma_start3A_364 = arith.constant 0 : i32
            %dma_start3A_365 = tpu.memref_slice %arg13[%dma_start3A_361, %dma_start3A_363, %dma_start3A_364] : memref<2x128x64xf32, #tpu.memory_space<vmem>> -> memref<1x128x64xf32, #tpu.memory_space<vmem>>
            %dma_start3A_366 = tpu.memref_squeeze %dma_start3A_365 : memref<1x128x64xf32, #tpu.memory_space<vmem>> -> memref<128x64xf32, #tpu.memory_space<vmem>>
            %dma_start3A_367 = arith.constant 0 : i32
            %dma_start3A_368 = tpu.memref_slice %arg10[%and3A_196, %dma_start3A_360, %dma_start3A_367] : memref<2x8x128xi32, #tpu.memory_space<vmem>> -> memref<1x1x128xi32, #tpu.memory_space<vmem>>
            %dma_start3A_369 = tpu.memref_squeeze %dma_start3A_368 : memref<1x1x128xi32, #tpu.memory_space<vmem>> -> memref<128xi32, #tpu.memory_space<vmem>>
            %dma_start3A_370 = arith.constant 0 : i32
            %dma_start3A_371 = arith.constant 0 : i32
            %dma_start3A_372 = tpu.memref_slice %arg8[%dma_start3A_370, %dma_start3A_371] : memref<10240x64xf32, #tpu.memory_space<vmem_shared>> -> memref<10240x64xf32, #tpu.memory_space<vmem_shared>>
            %dma_start3A_373 = tpu.memref_slice %arg18[%dma_start3A_362] : memref<2x!tpu.dma_semaphore, #tpu.memory_space<semaphore_mem>> -> memref<1x!tpu.dma_semaphore, #tpu.memory_space<semaphore_mem>>
            %dma_start3A_374 = tpu.memref_squeeze %dma_start3A_373 : memref<1x!tpu.dma_semaphore, #tpu.memory_space<semaphore_mem>> -> memref<!tpu.dma_semaphore, #tpu.memory_space<semaphore_mem>>
            tpu.enqueue_indirect_dma source(%dma_start3A_372 : memref<10240x64xf32, #tpu.memory_space<vmem_shared>>) target(%dma_start3A_366 : memref<128x64xf32, #tpu.memory_space<vmem>>) offsets(%dma_start3A_369 : memref<128xi32, #tpu.memory_space<vmem>>) semaphore(%dma_start3A_374 : memref<!tpu.dma_semaphore, #tpu.memory_space<semaphore_mem>>)
          } else {
          }
          %lt3A = arith.constant 7 : i32
          %lt3A_329 = arith.cmpi slt, %scan3A_316, %lt3A : i32
          %convert_element_type3A_330 = arith.extui %lt3A_329 : i1 to i32
          %cond3A_331 = arith.constant 0 : i32
          %cond3A_332 = arith.cmpi ne, %convert_element_type3A_330, %cond3A_331 : i32
          scf.if %cond3A_332 {
            %add3A_360 = arith.constant 1 : i32
            %add3A_361 = arith.addi %scan3A_316, %add3A_360 : i32
            %sub3A_362 = arith.constant 1 : i32
            %sub3A_363 = arith.subi %sub3A_362, %and3A_319 : i32
            %sub3A_364 = arith.constant 1 : i32
            %sub3A_365 = arith.subi %sub3A_364, %and3A_319 : i32
            %dma_start3A_366 = arith.constant 0 : i32
            %dma_start3A_367 = arith.constant 0 : i32
            %dma_start3A_368 = tpu.memref_slice %arg13[%sub3A_363, %dma_start3A_366, %dma_start3A_367] : memref<2x128x64xf32, #tpu.memory_space<vmem>> -> memref<1x128x64xf32, #tpu.memory_space<vmem>>
            %dma_start3A_369 = tpu.memref_squeeze %dma_start3A_368 : memref<1x128x64xf32, #tpu.memory_space<vmem>> -> memref<128x64xf32, #tpu.memory_space<vmem>>
            %dma_start3A_370 = arith.constant 0 : i32
            %dma_start3A_371 = tpu.memref_slice %arg10[%and3A_196, %add3A_361, %dma_start3A_370] : memref<2x8x128xi32, #tpu.memory_space<vmem>> -> memref<1x1x128xi32, #tpu.memory_space<vmem>>
            %dma_start3A_372 = tpu.memref_squeeze %dma_start3A_371 : memref<1x1x128xi32, #tpu.memory_space<vmem>> -> memref<128xi32, #tpu.memory_space<vmem>>
            %dma_start3A_373 = arith.constant 0 : i32
            %dma_start3A_374 = arith.constant 0 : i32
            %dma_start3A_375 = tpu.memref_slice %arg8[%dma_start3A_373, %dma_start3A_374] : memref<10240x64xf32, #tpu.memory_space<vmem_shared>> -> memref<10240x64xf32, #tpu.memory_space<vmem_shared>>
            %dma_start3A_376 = tpu.memref_slice %arg18[%sub3A_365] : memref<2x!tpu.dma_semaphore, #tpu.memory_space<semaphore_mem>> -> memref<1x!tpu.dma_semaphore, #tpu.memory_space<semaphore_mem>>
            %dma_start3A_377 = tpu.memref_squeeze %dma_start3A_376 : memref<1x!tpu.dma_semaphore, #tpu.memory_space<semaphore_mem>> -> memref<!tpu.dma_semaphore, #tpu.memory_space<semaphore_mem>>
            tpu.enqueue_indirect_dma source(%dma_start3A_375 : memref<10240x64xf32, #tpu.memory_space<vmem_shared>>) target(%dma_start3A_369 : memref<128x64xf32, #tpu.memory_space<vmem>>) offsets(%dma_start3A_372 : memref<128xi32, #tpu.memory_space<vmem>>) semaphore(%dma_start3A_377 : memref<!tpu.dma_semaphore, #tpu.memory_space<semaphore_mem>>)
          } else {
          }
          %dma_wait3A_333 = arith.constant 0 : i32
          %dma_wait3A_334 = arith.constant 0 : i32
          %dma_wait3A_335 = tpu.memref_slice %arg13[%and3A_319, %dma_wait3A_333, %dma_wait3A_334] : memref<2x128x64xf32, #tpu.memory_space<vmem>> -> memref<1x128x64xf32, #tpu.memory_space<vmem>>
          %dma_wait3A_336 = tpu.memref_squeeze %dma_wait3A_335 : memref<1x128x64xf32, #tpu.memory_space<vmem>> -> memref<128x64xf32, #tpu.memory_space<vmem>>
          %dma_wait3A_337 = arith.constant 0 : i32
          %dma_wait3A_338 = tpu.memref_slice %arg10[%and3A_196, %scan3A_316, %dma_wait3A_337] : memref<2x8x128xi32, #tpu.memory_space<vmem>> -> memref<1x1x128xi32, #tpu.memory_space<vmem>>
          %dma_wait3A_339 = tpu.memref_squeeze %dma_wait3A_338 : memref<1x1x128xi32, #tpu.memory_space<vmem>> -> memref<128xi32, #tpu.memory_space<vmem>>
          %dma_wait3A_340 = arith.constant 0 : i32
          %dma_wait3A_341 = arith.constant 0 : i32
          %dma_wait3A_342 = tpu.memref_slice %arg8[%dma_wait3A_340, %dma_wait3A_341] : memref<10240x64xf32, #tpu.memory_space<vmem_shared>> -> memref<10240x64xf32, #tpu.memory_space<vmem_shared>>
          %dma_wait3A_343 = tpu.memref_slice %arg18[%and3A_319] : memref<2x!tpu.dma_semaphore, #tpu.memory_space<semaphore_mem>> -> memref<1x!tpu.dma_semaphore, #tpu.memory_space<semaphore_mem>>
          %dma_wait3A_344 = tpu.memref_squeeze %dma_wait3A_343 : memref<1x!tpu.dma_semaphore, #tpu.memory_space<semaphore_mem>> -> memref<!tpu.dma_semaphore, #tpu.memory_space<semaphore_mem>>
          tpu.wait_indirect_dma semaphore(%dma_wait3A_344 : memref<!tpu.dma_semaphore, #tpu.memory_space<semaphore_mem>>) src(%dma_wait3A_342 : memref<10240x64xf32, #tpu.memory_space<vmem_shared>>) dst(%dma_wait3A_336 : memref<128x64xf32, #tpu.memory_space<vmem>>)
          %parallel_loop3A = arith.constant 0 : i32
          %parallel_loop3A_345 = arith.constant 8 : i32
          %parallel_loop3A_346 = arith.constant 1 : i32
          scf.for %parallel_loop3A_360 = %parallel_loop3A to %parallel_loop3A_345 step %parallel_loop3A_346  : i32 {
            %parallel_loop3A_361 = arith.constant 16 : i32
            %parallel_loop3A_362 = arith.muli %parallel_loop3A_360, %parallel_loop3A_361 : i32
            %parallel_loop3A_363 = arith.index_cast %and3A_196 : i32 to index
            %parallel_loop3A_364 = arith.index_cast %scan3A_316 : i32 to index
            %parallel_loop3A_365 = arith.index_cast %parallel_loop3A_362 : i32 to index
            %parallel_loop3A_366 = tpu.vector_load %arg12[%parallel_loop3A_363, %parallel_loop3A_364, %parallel_loop3A_365] {strides = array<i32>} : memref<2x8x128xf32, #tpu.memory_space<vmem>>, vector<1x1x16xf32>,
            %parallel_loop3A_367 = vector.shape_cast %parallel_loop3A_366 : vector<1x1x16xf32> to vector<16xf32>
            %parallel_loop3A_368 = vector.extract_strided_slice %parallel_loop3A_367 {offsets = [0], sizes = [1], strides = [1]} : vector<16xf32> to vector<1xf32>
            %parallel_loop3A_369 = vector.extract %parallel_loop3A_368[0] : f32 from vector<1xf32>
            %parallel_loop3A_370 = vector.broadcast %parallel_loop3A_369 : f32 to vector<16xf32>
            %parallel_loop3A_371 = arith.constant 16 : i32
            %parallel_loop3A_372 = arith.muli %parallel_loop3A_360, %parallel_loop3A_371 : i32
            %parallel_loop3A_373 = arith.constant 0 : i32
            %parallel_loop3A_374 = arith.addi %parallel_loop3A_372, %parallel_loop3A_373 : i32
            %parallel_loop3A_375 = arith.index_cast %and3A_319 : i32 to index
            %parallel_loop3A_376 = arith.index_cast %parallel_loop3A_374 : i32 to index
            %parallel_loop3A_377 = arith.constant 0 : index
            %parallel_loop3A_378 = tpu.vector_load %arg13[%parallel_loop3A_375, %parallel_loop3A_376, %parallel_loop3A_377] {strides = array<i32>} : memref<2x128x64xf32, #tpu.memory_space<vmem>>, vector<1x1x16xf32>,
            %parallel_loop3A_379 = vector.shape_cast %parallel_loop3A_378 : vector<1x1x16xf32> to vector<16xf32>
            %parallel_loop3A_380 = arith.mulf %parallel_loop3A_379, %parallel_loop3A_370 : vector<16xf32>
            %parallel_loop3A_381 = arith.index_cast %and3A_319 : i32 to index
            %parallel_loop3A_382 = arith.index_cast %parallel_loop3A_374 : i32 to index
            %parallel_loop3A_383 = arith.constant 0 : index
            %parallel_loop3A_384 = tpu.vector_load %arg13[%parallel_loop3A_381, %parallel_loop3A_382, %parallel_loop3A_383] {strides = array<i32>} : memref<2x128x64xf32, #tpu.memory_space<vmem>>, vector<1x1x16xf32>,
            %parallel_loop3A_385 = vector.shape_cast %parallel_loop3A_384 : vector<1x1x16xf32> to vector<16xf32>
            %parallel_loop3A_386 = vector.shape_cast %parallel_loop3A_380 : vector<16xf32> to vector<1x1x16xf32>
            tpu.vector_store %arg13[%parallel_loop3A_381, %parallel_loop3A_382, %parallel_loop3A_383], %parallel_loop3A_386 {strides = array<i32>} : memref<2x128x64xf32, #tpu.memory_space<vmem>>, vector<1x1x16xf32>,
            %parallel_loop3A_387 = arith.index_cast %and3A_319 : i32 to index
            %parallel_loop3A_388 = arith.index_cast %parallel_loop3A_374 : i32 to index
            %parallel_loop3A_389 = arith.constant 16 : index
            %parallel_loop3A_390 = tpu.vector_load %arg13[%parallel_loop3A_387, %parallel_loop3A_388, %parallel_loop3A_389] {strides = array<i32>} : memref<2x128x64xf32, #tpu.memory_space<vmem>>, vector<1x1x16xf32>,
            %parallel_loop3A_391 = vector.shape_cast %parallel_loop3A_390 : vector<1x1x16xf32> to vector<16xf32>
            %parallel_loop3A_392 = arith.mulf %parallel_loop3A_391, %parallel_loop3A_370 : vector<16xf32>
            %parallel_loop3A_393 = arith.index_cast %and3A_319 : i32 to index
            %parallel_loop3A_394 = arith.index_cast %parallel_loop3A_374 : i32 to index
            %parallel_loop3A_395 = arith.constant 16 : index
            %parallel_loop3A_396 = tpu.vector_load %arg13[%parallel_loop3A_393, %parallel_loop3A_394, %parallel_loop3A_395] {strides = array<i32>} : memref<2x128x64xf32, #tpu.memory_space<vmem>>, vector<1x1x16xf32>,
            %parallel_loop3A_397 = vector.shape_cast %parallel_loop3A_396 : vector<1x1x16xf32> to vector<16xf32>
            %parallel_loop3A_398 = vector.shape_cast %parallel_loop3A_392 : vector<16xf32> to vector<1x1x16xf32>
            tpu.vector_store %arg13[%parallel_loop3A_393, %parallel_loop3A_394, %parallel_loop3A_395], %parallel_loop3A_398 {strides = array<i32>} : memref<2x128x64xf32, #tpu.memory_space<vmem>>, vector<1x1x16xf32>,
            %parallel_loop3A_399 = arith.index_cast %and3A_319 : i32 to index
            %parallel_loop3A_400 = arith.index_cast %parallel_loop3A_374 : i32 to index
            %parallel_loop3A_401 = arith.constant 32 : index
            %parallel_loop3A_402 = tpu.vector_load %arg13[%parallel_loop3A_399, %parallel_loop3A_400, %parallel_loop3A_401] {strides = array<i32>} : memref<2x128x64xf32, #tpu.memory_space<vmem>>, vector<1x1x16xf32>,
            %parallel_loop3A_403 = vector.shape_cast %parallel_loop3A_402 : vector<1x1x16xf32> to vector<16xf32>
            %parallel_loop3A_404 = arith.mulf %parallel_loop3A_403, %parallel_loop3A_370 : vector<16xf32>
            %parallel_loop3A_405 = arith.index_cast %and3A_319 : i32 to index
            %parallel_loop3A_406 = arith.index_cast %parallel_loop3A_374 : i32 to index
            %parallel_loop3A_407 = arith.constant 32 : index
            %parallel_loop3A_408 = tpu.vector_load %arg13[%parallel_loop3A_405, %parallel_loop3A_406, %parallel_loop3A_407] {strides = array<i32>} : memref<2x128x64xf32, #tpu.memory_space<vmem>>, vector<1x1x16xf32>,
            %parallel_loop3A_409 = vector.shape_cast %parallel_loop3A_408 : vector<1x1x16xf32> to vector<16xf32>
            %parallel_loop3A_410 = vector.shape_cast %parallel_loop3A_404 : vector<16xf32> to vector<1x1x16xf32>
            tpu.vector_store %arg13[%parallel_loop3A_405, %parallel_loop3A_406, %parallel_loop3A_407], %parallel_loop3A_410 {strides = array<i32>} : memref<2x128x64xf32, #tpu.memory_space<vmem>>, vector<1x1x16xf32>,
            %parallel_loop3A_411 = arith.index_cast %and3A_319 : i32 to index
            %parallel_loop3A_412 = arith.index_cast %parallel_loop3A_374 : i32 to index
            %parallel_loop3A_413 = arith.constant 48 : index
            %parallel_loop3A_414 = tpu.vector_load %arg13[%parallel_loop3A_411, %parallel_loop3A_412, %parallel_loop3A_413] {strides = array<i32>} : memref<2x128x64xf32, #tpu.memory_space<vmem>>, vector<1x1x16xf32>,
            %parallel_loop3A_415 = vector.shape_cast %parallel_loop3A_414 : vector<1x1x16xf32> to vector<16xf32>
            %parallel_loop3A_416 = arith.mulf %parallel_loop3A_415, %parallel_loop3A_370 : vector<16xf32>
            %parallel_loop3A_417 = arith.index_cast %and3A_319 : i32 to index
            %parallel_loop3A_418 = arith.index_cast %parallel_loop3A_374 : i32 to index
            %parallel_loop3A_419 = arith.constant 48 : index
            %parallel_loop3A_420 = tpu.vector_load %arg13[%parallel_loop3A_417, %parallel_loop3A_418, %parallel_loop3A_419] {strides = array<i32>} : memref<2x128x64xf32, #tpu.memory_space<vmem>>, vector<1x1x16xf32>,
            %parallel_loop3A_421 = vector.shape_cast %parallel_loop3A_420 : vector<1x1x16xf32> to vector<16xf32>
            %parallel_loop3A_422 = vector.shape_cast %parallel_loop3A_416 : vector<16xf32> to vector<1x1x16xf32>
            tpu.vector_store %arg13[%parallel_loop3A_417, %parallel_loop3A_418, %parallel_loop3A_419], %parallel_loop3A_422 {strides = array<i32>} : memref<2x128x64xf32, #tpu.memory_space<vmem>>, vector<1x1x16xf32>,
            %parallel_loop3A_423 = vector.extract_strided_slice %parallel_loop3A_367 {offsets = [1], sizes = [1], strides = [1]} : vector<16xf32> to vector<1xf32>
            %parallel_loop3A_424 = vector.extract %parallel_loop3A_423[0] : f32 from vector<1xf32>
            %parallel_loop3A_425 = vector.broadcast %parallel_loop3A_424 : f32 to vector<16xf32>
            %parallel_loop3A_426 = arith.constant 16 : i32
            %parallel_loop3A_427 = arith.muli %parallel_loop3A_360, %parallel_loop3A_426 : i32
            %parallel_loop3A_428 = arith.constant 1 : i32
            %parallel_loop3A_429 = arith.addi %parallel_loop3A_427, %parallel_loop3A_428 : i32
            %parallel_loop3A_430 = arith.index_cast %and3A_319 : i32 to index
            %parallel_loop3A_431 = arith.index_cast %parallel_loop3A_429 : i32 to index
            %parallel_loop3A_432 = arith.constant 0 : index
            %parallel_loop3A_433 = tpu.vector_load %arg13[%parallel_loop3A_430, %parallel_loop3A_431, %parallel_loop3A_432] {strides = array<i32>} : memref<2x128x64xf32, #tpu.memory_space<vmem>>, vector<1x1x16xf32>,
            %parallel_loop3A_434 = vector.shape_cast %parallel_loop3A_433 : vector<1x1x16xf32> to vector<16xf32>
            %parallel_loop3A_435 = arith.mulf %parallel_loop3A_434, %parallel_loop3A_425 : vector<16xf32>
            %parallel_loop3A_436 = arith.index_cast %and3A_319 : i32 to index
            %parallel_loop3A_437 = arith.index_cast %parallel_loop3A_429 : i32 to index
            %parallel_loop3A_438 = arith.constant 0 : index
            %parallel_loop3A_439 = tpu.vector_load %arg13[%parallel_loop3A_436, %parallel_loop3A_437, %parallel_loop3A_438] {strides = array<i32>} : memref<2x128x64xf32, #tpu.memory_space<vmem>>, vector<1x1x16xf32>,
            %parallel_loop3A_440 = vector.shape_cast %parallel_loop3A_439 : vector<1x1x16xf32> to vector<16xf32>
            %parallel_loop3A_441 = vector.shape_cast %parallel_loop3A_435 : vector<16xf32> to vector<1x1x16xf32>
            tpu.vector_store %arg13[%parallel_loop3A_436, %parallel_loop3A_437, %parallel_loop3A_438], %parallel_loop3A_441 {strides = array<i32>} : memref<2x128x64xf32, #tpu.memory_space<vmem>>, vector<1x1x16xf32>,
            %parallel_loop3A_442 = arith.index_cast %and3A_319 : i32 to index
            %parallel_loop3A_443 = arith.index_cast %parallel_loop3A_429 : i32 to index
            %parallel_loop3A_444 = arith.constant 16 : index
            %parallel_loop3A_445 = tpu.vector_load %arg13[%parallel_loop3A_442, %parallel_loop3A_443, %parallel_loop3A_444] {strides = array<i32>} : memref<2x128x64xf32, #tpu.memory_space<vmem>>, vector<1x1x16xf32>,
            %parallel_loop3A_446 = vector.shape_cast %parallel_loop3A_445 : vector<1x1x16xf32> to vector<16xf32>
            %parallel_loop3A_447 = arith.mulf %parallel_loop3A_446, %parallel_loop3A_425 : vector<16xf32>
            %parallel_loop3A_448 = arith.index_cast %and3A_319 : i32 to index
            %parallel_loop3A_449 = arith.index_cast %parallel_loop3A_429 : i32 to index
            %parallel_loop3A_450 = arith.constant 16 : index
            %parallel_loop3A_451 = tpu.vector_load %arg13[%parallel_loop3A_448, %parallel_loop3A_449, %parallel_loop3A_450] {strides = array<i32>} : memref<2x128x64xf32, #tpu.memory_space<vmem>>, vector<1x1x16xf32>,
            %parallel_loop3A_452 = vector.shape_cast %parallel_loop3A_451 : vector<1x1x16xf32> to vector<16xf32>
            %parallel_loop3A_453 = vector.shape_cast %parallel_loop3A_447 : vector<16xf32> to vector<1x1x16xf32>
            tpu.vector_store %arg13[%parallel_loop3A_448, %parallel_loop3A_449, %parallel_loop3A_450], %parallel_loop3A_453 {strides = array<i32>} : memref<2x128x64xf32, #tpu.memory_space<vmem>>, vector<1x1x16xf32>,
            %parallel_loop3A_454 = arith.index_cast %and3A_319 : i32 to index
            %parallel_loop3A_455 = arith.index_cast %parallel_loop3A_429 : i32 to index
            %parallel_loop3A_456 = arith.constant 32 : index
            %parallel_loop3A_457 = tpu.vector_load %arg13[%parallel_loop3A_454, %parallel_loop3A_455, %parallel_loop3A_456] {strides = array<i32>} : memref<2x128x64xf32, #tpu.memory_space<vmem>>, vector<1x1x16xf32>,
            %parallel_loop3A_458 = vector.shape_cast %parallel_loop3A_457 : vector<1x1x16xf32> to vector<16xf32>
            %parallel_loop3A_459 = arith.mulf %parallel_loop3A_458, %parallel_loop3A_425 : vector<16xf32>
            %parallel_loop3A_460 = arith.index_cast %and3A_319 : i32 to index
            %parallel_loop3A_461 = arith.index_cast %parallel_loop3A_429 : i32 to index
            %parallel_loop3A_462 = arith.constant 32 : index
            %parallel_loop3A_463 = tpu.vector_load %arg13[%parallel_loop3A_460, %parallel_loop3A_461, %parallel_loop3A_462] {strides = array<i32>} : memref<2x128x64xf32, #tpu.memory_space<vmem>>, vector<1x1x16xf32>,
            %parallel_loop3A_464 = vector.shape_cast %parallel_loop3A_463 : vector<1x1x16xf32> to vector<16xf32>
            %parallel_loop3A_465 = vector.shape_cast %parallel_loop3A_459 : vector<16xf32> to vector<1x1x16xf32>
            tpu.vector_store %arg13[%parallel_loop3A_460, %parallel_loop3A_461, %parallel_loop3A_462], %parallel_loop3A_465 {strides = array<i32>} : memref<2x128x64xf32, #tpu.memory_space<vmem>>, vector<1x1x16xf32>,
            %parallel_loop3A_466 = arith.index_cast %and3A_319 : i32 to index
            %parallel_loop3A_467 = arith.index_cast %parallel_loop3A_429 : i32 to index
            %parallel_loop3A_468 = arith.constant 48 : index
            %parallel_loop3A_469 = tpu.vector_load %arg13[%parallel_loop3A_466, %parallel_loop3A_467, %parallel_loop3A_468] {strides = array<i32>} : memref<2x128x64xf32, #tpu.memory_space<vmem>>, vector<1x1x16xf32>,
            %parallel_loop3A_470 = vector.shape_cast %parallel_loop3A_469 : vector<1x1x16xf32> to vector<16xf32>
            %parallel_loop3A_471 = arith.mulf %parallel_loop3A_470, %parallel_loop3A_425 : vector<16xf32>
            %parallel_loop3A_472 = arith.index_cast %and3A_319 : i32 to index
            %parallel_loop3A_473 = arith.index_cast %parallel_loop3A_429 : i32 to index
            %parallel_loop3A_474 = arith.constant 48 : index
            %parallel_loop3A_475 = tpu.vector_load %arg13[%parallel_loop3A_472, %parallel_loop3A_473, %parallel_loop3A_474] {strides = array<i32>} : memref<2x128x64xf32, #tpu.memory_space<vmem>>, vector<1x1x16xf32>,
            %parallel_loop3A_476 = vector.shape_cast %parallel_loop3A_475 : vector<1x1x16xf32> to vector<16xf32>
            %parallel_loop3A_477 = vector.shape_cast %parallel_loop3A_471 : vector<16xf32> to vector<1x1x16xf32>
            tpu.vector_store %arg13[%parallel_loop3A_472, %parallel_loop3A_473, %parallel_loop3A_474], %parallel_loop3A_477 {strides = array<i32>} : memref<2x128x64xf32, #tpu.memory_space<vmem>>, vector<1x1x16xf32>,
            %parallel_loop3A_478 = vector.extract_strided_slice %parallel_loop3A_367 {offsets = [2], sizes = [1], strides = [1]} : vector<16xf32> to vector<1xf32>
            %parallel_loop3A_479 = vector.extract %parallel_loop3A_478[0] : f32 from vector<1xf32>
            %parallel_loop3A_480 = vector.broadcast %parallel_loop3A_479 : f32 to vector<16xf32>
            %parallel_loop3A_481 = arith.constant 16 : i32
            %parallel_loop3A_482 = arith.muli %parallel_loop3A_360, %parallel_loop3A_481 : i32
            %parallel_loop3A_483 = arith.constant 2 : i32
            %parallel_loop3A_484 = arith.addi %parallel_loop3A_482, %parallel_loop3A_483 : i32
            %parallel_loop3A_485 = arith.index_cast %and3A_319 : i32 to index
            %parallel_loop3A_486 = arith.index_cast %parallel_loop3A_484 : i32 to index
            %parallel_loop3A_487 = arith.constant 0 : index
            %parallel_loop3A_488 = tpu.vector_load %arg13[%parallel_loop3A_485, %parallel_loop3A_486, %parallel_loop3A_487] {strides = array<i32>} : memref<2x128x64xf32, #tpu.memory_space<vmem>>, vector<1x1x16xf32>,
            %parallel_loop3A_489 = vector.shape_cast %parallel_loop3A_488 : vector<1x1x16xf32> to vector<16xf32>
            %parallel_loop3A_490 = arith.mulf %parallel_loop3A_489, %parallel_loop3A_480 : vector<16xf32>
            %parallel_loop3A_491 = arith.index_cast %and3A_319 : i32 to index
            %parallel_loop3A_492 = arith.index_cast %parallel_loop3A_484 : i32 to index
            %parallel_loop3A_493 = arith.constant 0 : index
            %parallel_loop3A_494 = tpu.vector_load %arg13[%parallel_loop3A_491, %parallel_loop3A_492, %parallel_loop3A_493] {strides = array<i32>} : memref<2x128x64xf32, #tpu.memory_space<vmem>>, vector<1x1x16xf32>,
            %parallel_loop3A_495 = vector.shape_cast %parallel_loop3A_494 : vector<1x1x16xf32> to vector<16xf32>
            %parallel_loop3A_496 = vector.shape_cast %parallel_loop3A_490 : vector<16xf32> to vector<1x1x16xf32>
            tpu.vector_store %arg13[%parallel_loop3A_491, %parallel_loop3A_492, %parallel_loop3A_493], %parallel_loop3A_496 {strides = array<i32>} : memref<2x128x64xf32, #tpu.memory_space<vmem>>, vector<1x1x16xf32>,
            %parallel_loop3A_497 = arith.index_cast %and3A_319 : i32 to index
            %parallel_loop3A_498 = arith.index_cast %parallel_loop3A_484 : i32 to index
            %parallel_loop3A_499 = arith.constant 16 : index
            %parallel_loop3A_500 = tpu.vector_load %arg13[%parallel_loop3A_497, %parallel_loop3A_498, %parallel_loop3A_499] {strides = array<i32>} : memref<2x128x64xf32, #tpu.memory_space<vmem>>, vector<1x1x16xf32>,
            %parallel_loop3A_501 = vector.shape_cast %parallel_loop3A_500 : vector<1x1x16xf32> to vector<16xf32>
            %parallel_loop3A_502 = arith.mulf %parallel_loop3A_501, %parallel_loop3A_480 : vector<16xf32>
            %parallel_loop3A_503 = arith.index_cast %and3A_319 : i32 to index
            %parallel_loop3A_504 = arith.index_cast %parallel_loop3A_484 : i32 to index
            %parallel_loop3A_505 = arith.constant 16 : index
            %parallel_loop3A_506 = tpu.vector_load %arg13[%parallel_loop3A_503, %parallel_loop3A_504, %parallel_loop3A_505] {strides = array<i32>} : memref<2x128x64xf32, #tpu.memory_space<vmem>>, vector<1x1x16xf32>,
            %parallel_loop3A_507 = vector.shape_cast %parallel_loop3A_506 : vector<1x1x16xf32> to vector<16xf32>
            %parallel_loop3A_508 = vector.shape_cast %parallel_loop3A_502 : vector<16xf32> to vector<1x1x16xf32>
            tpu.vector_store %arg13[%parallel_loop3A_503, %parallel_loop3A_504, %parallel_loop3A_505], %parallel_loop3A_508 {strides = array<i32>} : memref<2x128x64xf32, #tpu.memory_space<vmem>>, vector<1x1x16xf32>,
            %parallel_loop3A_509 = arith.index_cast %and3A_319 : i32 to index
            %parallel_loop3A_510 = arith.index_cast %parallel_loop3A_484 : i32 to index
            %parallel_loop3A_511 = arith.constant 32 : index
            %parallel_loop3A_512 = tpu.vector_load %arg13[%parallel_loop3A_509, %parallel_loop3A_510, %parallel_loop3A_511] {strides = array<i32>} : memref<2x128x64xf32, #tpu.memory_space<vmem>>, vector<1x1x16xf32>,
            %parallel_loop3A_513 = vector.shape_cast %parallel_loop3A_512 : vector<1x1x16xf32> to vector<16xf32>
            %parallel_loop3A_514 = arith.mulf %parallel_loop3A_513, %parallel_loop3A_480 : vector<16xf32>
            %parallel_loop3A_515 = arith.index_cast %and3A_319 : i32 to index
            %parallel_loop3A_516 = arith.index_cast %parallel_loop3A_484 : i32 to index
            %parallel_loop3A_517 = arith.constant 32 : index
            %parallel_loop3A_518 = tpu.vector_load %arg13[%parallel_loop3A_515, %parallel_loop3A_516, %parallel_loop3A_517] {strides = array<i32>} : memref<2x128x64xf32, #tpu.memory_space<vmem>>, vector<1x1x16xf32>,
            %parallel_loop3A_519 = vector.shape_cast %parallel_loop3A_518 : vector<1x1x16xf32> to vector<16xf32>
            %parallel_loop3A_520 = vector.shape_cast %parallel_loop3A_514 : vector<16xf32> to vector<1x1x16xf32>
            tpu.vector_store %arg13[%parallel_loop3A_515, %parallel_loop3A_516, %parallel_loop3A_517], %parallel_loop3A_520 {strides = array<i32>} : memref<2x128x64xf32, #tpu.memory_space<vmem>>, vector<1x1x16xf32>,
            %parallel_loop3A_521 = arith.index_cast %and3A_319 : i32 to index
            %parallel_loop3A_522 = arith.index_cast %parallel_loop3A_484 : i32 to index
            %parallel_loop3A_523 = arith.constant 48 : index
            %parallel_loop3A_524 = tpu.vector_load %arg13[%parallel_loop3A_521, %parallel_loop3A_522, %parallel_loop3A_523] {strides = array<i32>} : memref<2x128x64xf32, #tpu.memory_space<vmem>>, vector<1x1x16xf32>,
            %parallel_loop3A_525 = vector.shape_cast %parallel_loop3A_524 : vector<1x1x16xf32> to vector<16xf32>
            %parallel_loop3A_526 = arith.mulf %parallel_loop3A_525, %parallel_loop3A_480 : vector<16xf32>
            %parallel_loop3A_527 = arith.index_cast %and3A_319 : i32 to index
            %parallel_loop3A_528 = arith.index_cast %parallel_loop3A_484 : i32 to index
            %parallel_loop3A_529 = arith.constant 48 : index
            %parallel_loop3A_530 = tpu.vector_load %arg13[%parallel_loop3A_527, %parallel_loop3A_528, %parallel_loop3A_529] {strides = array<i32>} : memref<2x128x64xf32, #tpu.memory_space<vmem>>, vector<1x1x16xf32>,
            %parallel_loop3A_531 = vector.shape_cast %parallel_loop3A_530 : vector<1x1x16xf32> to vector<16xf32>
            %parallel_loop3A_532 = vector.shape_cast %parallel_loop3A_526 : vector<16xf32> to vector<1x1x16xf32>
            tpu.vector_store %arg13[%parallel_loop3A_527, %parallel_loop3A_528, %parallel_loop3A_529], %parallel_loop3A_532 {strides = array<i32>} : memref<2x128x64xf32, #tpu.memory_space<vmem>>, vector<1x1x16xf32>,
            %parallel_loop3A_533 = vector.extract_strided_slice %parallel_loop3A_367 {offsets = [3], sizes = [1], strides = [1]} : vector<16xf32> to vector<1xf32>
            %parallel_loop3A_534 = vector.extract %parallel_loop3A_533[0] : f32 from vector<1xf32>
            %parallel_loop3A_535 = vector.broadcast %parallel_loop3A_534 : f32 to vector<16xf32>
            %parallel_loop3A_536 = arith.constant 16 : i32
            %parallel_loop3A_537 = arith.muli %parallel_loop3A_360, %parallel_loop3A_536 : i32
            %parallel_loop3A_538 = arith.constant 3 : i32
            %parallel_loop3A_539 = arith.addi %parallel_loop3A_537, %parallel_loop3A_538 : i32
            %parallel_loop3A_540 = arith.index_cast %and3A_319 : i32 to index
            %parallel_loop3A_541 = arith.index_cast %parallel_loop3A_539 : i32 to index
            %parallel_loop3A_542 = arith.constant 0 : index
            %parallel_loop3A_543 = tpu.vector_load %arg13[%parallel_loop3A_540, %parallel_loop3A_541, %parallel_loop3A_542] {strides = array<i32>} : memref<2x128x64xf32, #tpu.memory_space<vmem>>, vector<1x1x16xf32>,
            %parallel_loop3A_544 = vector.shape_cast %parallel_loop3A_543 : vector<1x1x16xf32> to vector<16xf32>
            %parallel_loop3A_545 = arith.mulf %parallel_loop3A_544, %parallel_loop3A_535 : vector<16xf32>
            %parallel_loop3A_546 = arith.index_cast %and3A_319 : i32 to index
            %parallel_loop3A_547 = arith.index_cast %parallel_loop3A_539 : i32 to index
            %parallel_loop3A_548 = arith.constant 0 : index
            %parallel_loop3A_549 = tpu.vector_load %arg13[%parallel_loop3A_546, %parallel_loop3A_547, %parallel_loop3A_548] {strides = array<i32>} : memref<2x128x64xf32, #tpu.memory_space<vmem>>, vector<1x1x16xf32>,
            %parallel_loop3A_550 = vector.shape_cast %parallel_loop3A_549 : vector<1x1x16xf32> to vector<16xf32>
            %parallel_loop3A_551 = vector.shape_cast %parallel_loop3A_545 : vector<16xf32> to vector<1x1x16xf32>
            tpu.vector_store %arg13[%parallel_loop3A_546, %parallel_loop3A_547, %parallel_loop3A_548], %parallel_loop3A_551 {strides = array<i32>} : memref<2x128x64xf32, #tpu.memory_space<vmem>>, vector<1x1x16xf32>,
            %parallel_loop3A_552 = arith.index_cast %and3A_319 : i32 to index
            %parallel_loop3A_553 = arith.index_cast %parallel_loop3A_539 : i32 to index
            %parallel_loop3A_554 = arith.constant 16 : index
            %parallel_loop3A_555 = tpu.vector_load %arg13[%parallel_loop3A_552, %parallel_loop3A_553, %parallel_loop3A_554] {strides = array<i32>} : memref<2x128x64xf32, #tpu.memory_space<vmem>>, vector<1x1x16xf32>,
            %parallel_loop3A_556 = vector.shape_cast %parallel_loop3A_555 : vector<1x1x16xf32> to vector<16xf32>
            %parallel_loop3A_557 = arith.mulf %parallel_loop3A_556, %parallel_loop3A_535 : vector<16xf32>
            %parallel_loop3A_558 = arith.index_cast %and3A_319 : i32 to index
            %parallel_loop3A_559 = arith.index_cast %parallel_loop3A_539 : i32 to index
            %parallel_loop3A_560 = arith.constant 16 : index
            %parallel_loop3A_561 = tpu.vector_load %arg13[%parallel_loop3A_558, %parallel_loop3A_559, %parallel_loop3A_560] {strides = array<i32>} : memref<2x128x64xf32, #tpu.memory_space<vmem>>, vector<1x1x16xf32>,
            %parallel_loop3A_562 = vector.shape_cast %parallel_loop3A_561 : vector<1x1x16xf32> to vector<16xf32>
            %parallel_loop3A_563 = vector.shape_cast %parallel_loop3A_557 : vector<16xf32> to vector<1x1x16xf32>
            tpu.vector_store %arg13[%parallel_loop3A_558, %parallel_loop3A_559, %parallel_loop3A_560], %parallel_loop3A_563 {strides = array<i32>} : memref<2x128x64xf32, #tpu.memory_space<vmem>>, vector<1x1x16xf32>,
            %parallel_loop3A_564 = arith.index_cast %and3A_319 : i32 to index
            %parallel_loop3A_565 = arith.index_cast %parallel_loop3A_539 : i32 to index
            %parallel_loop3A_566 = arith.constant 32 : index
            %parallel_loop3A_567 = tpu.vector_load %arg13[%parallel_loop3A_564, %parallel_loop3A_565, %parallel_loop3A_566] {strides = array<i32>} : memref<2x128x64xf32, #tpu.memory_space<vmem>>, vector<1x1x16xf32>,
            %parallel_loop3A_568 = vector.shape_cast %parallel_loop3A_567 : vector<1x1x16xf32> to vector<16xf32>
            %parallel_loop3A_569 = arith.mulf %parallel_loop3A_568, %parallel_loop3A_535 : vector<16xf32>
            %parallel_loop3A_570 = arith.index_cast %and3A_319 : i32 to index
            %parallel_loop3A_571 = arith.index_cast %parallel_loop3A_539 : i32 to index
            %parallel_loop3A_572 = arith.constant 32 : index
            %parallel_loop3A_573 = tpu.vector_load %arg13[%parallel_loop3A_570, %parallel_loop3A_571, %parallel_loop3A_572] {strides = array<i32>} : memref<2x128x64xf32, #tpu.memory_space<vmem>>, vector<1x1x16xf32>,
            %parallel_loop3A_574 = vector.shape_cast %parallel_loop3A_573 : vector<1x1x16xf32> to vector<16xf32>
            %parallel_loop3A_575 = vector.shape_cast %parallel_loop3A_569 : vector<16xf32> to vector<1x1x16xf32>
            tpu.vector_store %arg13[%parallel_loop3A_570, %parallel_loop3A_571, %parallel_loop3A_572], %parallel_loop3A_575 {strides = array<i32>} : memref<2x128x64xf32, #tpu.memory_space<vmem>>, vector<1x1x16xf32>,
            %parallel_loop3A_576 = arith.index_cast %and3A_319 : i32 to index
            %parallel_loop3A_577 = arith.index_cast %parallel_loop3A_539 : i32 to index
            %parallel_loop3A_578 = arith.constant 48 : index
            %parallel_loop3A_579 = tpu.vector_load %arg13[%parallel_loop3A_576, %parallel_loop3A_577, %parallel_loop3A_578] {strides = array<i32>} : memref<2x128x64xf32, #tpu.memory_space<vmem>>, vector<1x1x16xf32>,
            %parallel_loop3A_580 = vector.shape_cast %parallel_loop3A_579 : vector<1x1x16xf32> to vector<16xf32>
            %parallel_loop3A_581 = arith.mulf %parallel_loop3A_580, %parallel_loop3A_535 : vector<16xf32>
            %parallel_loop3A_582 = arith.index_cast %and3A_319 : i32 to index
            %parallel_loop3A_583 = arith.index_cast %parallel_loop3A_539 : i32 to index
            %parallel_loop3A_584 = arith.constant 48 : index
            %parallel_loop3A_585 = tpu.vector_load %arg13[%parallel_loop3A_582, %parallel_loop3A_583, %parallel_loop3A_584] {strides = array<i32>} : memref<2x128x64xf32, #tpu.memory_space<vmem>>, vector<1x1x16xf32>,
            %parallel_loop3A_586 = vector.shape_cast %parallel_loop3A_585 : vector<1x1x16xf32> to vector<16xf32>
            %parallel_loop3A_587 = vector.shape_cast %parallel_loop3A_581 : vector<16xf32> to vector<1x1x16xf32>
            tpu.vector_store %arg13[%parallel_loop3A_582, %parallel_loop3A_583, %parallel_loop3A_584], %parallel_loop3A_587 {strides = array<i32>} : memref<2x128x64xf32, #tpu.memory_space<vmem>>, vector<1x1x16xf32>,
            %parallel_loop3A_588 = vector.extract_strided_slice %parallel_loop3A_367 {offsets = [4], sizes = [1], strides = [1]} : vector<16xf32> to vector<1xf32>
            %parallel_loop3A_589 = vector.extract %parallel_loop3A_588[0] : f32 from vector<1xf32>
            %parallel_loop3A_590 = vector.broadcast %parallel_loop3A_589 : f32 to vector<16xf32>
            %parallel_loop3A_591 = arith.constant 16 : i32
            %parallel_loop3A_592 = arith.muli %parallel_loop3A_360, %parallel_loop3A_591 : i32
            %parallel_loop3A_593 = arith.constant 4 : i32
            %parallel_loop3A_594 = arith.addi %parallel_loop3A_592, %parallel_loop3A_593 : i32
            %parallel_loop3A_595 = arith.index_cast %and3A_319 : i32 to index
            %parallel_loop3A_596 = arith.index_cast %parallel_loop3A_594 : i32 to index
            %parallel_loop3A_597 = arith.constant 0 : index
            %parallel_loop3A_598 = tpu.vector_load %arg13[%parallel_loop3A_595, %parallel_loop3A_596, %parallel_loop3A_597] {strides = array<i32>} : memref<2x128x64xf32, #tpu.memory_space<vmem>>, vector<1x1x16xf32>,
            %parallel_loop3A_599 = vector.shape_cast %parallel_loop3A_598 : vector<1x1x16xf32> to vector<16xf32>
            %parallel_loop3A_600 = arith.mulf %parallel_loop3A_599, %parallel_loop3A_590 : vector<16xf32>
            %parallel_loop3A_601 = arith.index_cast %and3A_319 : i32 to index
            %parallel_loop3A_602 = arith.index_cast %parallel_loop3A_594 : i32 to index
            %parallel_loop3A_603 = arith.constant 0 : index
            %parallel_loop3A_604 = tpu.vector_load %arg13[%parallel_loop3A_601, %parallel_loop3A_602, %parallel_loop3A_603] {strides = array<i32>} : memref<2x128x64xf32, #tpu.memory_space<vmem>>, vector<1x1x16xf32>,
            %parallel_loop3A_605 = vector.shape_cast %parallel_loop3A_604 : vector<1x1x16xf32> to vector<16xf32>
            %parallel_loop3A_606 = vector.shape_cast %parallel_loop3A_600 : vector<16xf32> to vector<1x1x16xf32>
            tpu.vector_store %arg13[%parallel_loop3A_601, %parallel_loop3A_602, %parallel_loop3A_603], %parallel_loop3A_606 {strides = array<i32>} : memref<2x128x64xf32, #tpu.memory_space<vmem>>, vector<1x1x16xf32>,
            %parallel_loop3A_607 = arith.index_cast %and3A_319 : i32 to index
            %parallel_loop3A_608 = arith.index_cast %parallel_loop3A_594 : i32 to index
            %parallel_loop3A_609 = arith.constant 16 : index
            %parallel_loop3A_610 = tpu.vector_load %arg13[%parallel_loop3A_607, %parallel_loop3A_608, %parallel_loop3A_609] {strides = array<i32>} : memref<2x128x64xf32, #tpu.memory_space<vmem>>, vector<1x1x16xf32>,
            %parallel_loop3A_611 = vector.shape_cast %parallel_loop3A_610 : vector<1x1x16xf32> to vector<16xf32>
            %parallel_loop3A_612 = arith.mulf %parallel_loop3A_611, %parallel_loop3A_590 : vector<16xf32>
            %parallel_loop3A_613 = arith.index_cast %and3A_319 : i32 to index
            %parallel_loop3A_614 = arith.index_cast %parallel_loop3A_594 : i32 to index
            %parallel_loop3A_615 = arith.constant 16 : index
            %parallel_loop3A_616 = tpu.vector_load %arg13[%parallel_loop3A_613, %parallel_loop3A_614, %parallel_loop3A_615] {strides = array<i32>} : memref<2x128x64xf32, #tpu.memory_space<vmem>>, vector<1x1x16xf32>,
            %parallel_loop3A_617 = vector.shape_cast %parallel_loop3A_616 : vector<1x1x16xf32> to vector<16xf32>
            %parallel_loop3A_618 = vector.shape_cast %parallel_loop3A_612 : vector<16xf32> to vector<1x1x16xf32>
            tpu.vector_store %arg13[%parallel_loop3A_613, %parallel_loop3A_614, %parallel_loop3A_615], %parallel_loop3A_618 {strides = array<i32>} : memref<2x128x64xf32, #tpu.memory_space<vmem>>, vector<1x1x16xf32>,
            %parallel_loop3A_619 = arith.index_cast %and3A_319 : i32 to index
            %parallel_loop3A_620 = arith.index_cast %parallel_loop3A_594 : i32 to index
            %parallel_loop3A_621 = arith.constant 32 : index
            %parallel_loop3A_622 = tpu.vector_load %arg13[%parallel_loop3A_619, %parallel_loop3A_620, %parallel_loop3A_621] {strides = array<i32>} : memref<2x128x64xf32, #tpu.memory_space<vmem>>, vector<1x1x16xf32>,
            %parallel_loop3A_623 = vector.shape_cast %parallel_loop3A_622 : vector<1x1x16xf32> to vector<16xf32>
            %parallel_loop3A_624 = arith.mulf %parallel_loop3A_623, %parallel_loop3A_590 : vector<16xf32>
            %parallel_loop3A_625 = arith.index_cast %and3A_319 : i32 to index
            %parallel_loop3A_626 = arith.index_cast %parallel_loop3A_594 : i32 to index
            %parallel_loop3A_627 = arith.constant 32 : index
            %parallel_loop3A_628 = tpu.vector_load %arg13[%parallel_loop3A_625, %parallel_loop3A_626, %parallel_loop3A_627] {strides = array<i32>} : memref<2x128x64xf32, #tpu.memory_space<vmem>>, vector<1x1x16xf32>,
            %parallel_loop3A_629 = vector.shape_cast %parallel_loop3A_628 : vector<1x1x16xf32> to vector<16xf32>
            %parallel_loop3A_630 = vector.shape_cast %parallel_loop3A_624 : vector<16xf32> to vector<1x1x16xf32>
            tpu.vector_store %arg13[%parallel_loop3A_625, %parallel_loop3A_626, %parallel_loop3A_627], %parallel_loop3A_630 {strides = array<i32>} : memref<2x128x64xf32, #tpu.memory_space<vmem>>, vector<1x1x16xf32>,
            %parallel_loop3A_631 = arith.index_cast %and3A_319 : i32 to index
            %parallel_loop3A_632 = arith.index_cast %parallel_loop3A_594 : i32 to index
            %parallel_loop3A_633 = arith.constant 48 : index
            %parallel_loop3A_634 = tpu.vector_load %arg13[%parallel_loop3A_631, %parallel_loop3A_632, %parallel_loop3A_633] {strides = array<i32>} : memref<2x128x64xf32, #tpu.memory_space<vmem>>, vector<1x1x16xf32>,
            %parallel_loop3A_635 = vector.shape_cast %parallel_loop3A_634 : vector<1x1x16xf32> to vector<16xf32>
            %parallel_loop3A_636 = arith.mulf %parallel_loop3A_635, %parallel_loop3A_590 : vector<16xf32>
            %parallel_loop3A_637 = arith.index_cast %and3A_319 : i32 to index
            %parallel_loop3A_638 = arith.index_cast %parallel_loop3A_594 : i32 to index
            %parallel_loop3A_639 = arith.constant 48 : index
            %parallel_loop3A_640 = tpu.vector_load %arg13[%parallel_loop3A_637, %parallel_loop3A_638, %parallel_loop3A_639] {strides = array<i32>} : memref<2x128x64xf32, #tpu.memory_space<vmem>>, vector<1x1x16xf32>,
            %parallel_loop3A_641 = vector.shape_cast %parallel_loop3A_640 : vector<1x1x16xf32> to vector<16xf32>
            %parallel_loop3A_642 = vector.shape_cast %parallel_loop3A_636 : vector<16xf32> to vector<1x1x16xf32>
            tpu.vector_store %arg13[%parallel_loop3A_637, %parallel_loop3A_638, %parallel_loop3A_639], %parallel_loop3A_642 {strides = array<i32>} : memref<2x128x64xf32, #tpu.memory_space<vmem>>, vector<1x1x16xf32>,
            %parallel_loop3A_643 = vector.extract_strided_slice %parallel_loop3A_367 {offsets = [5], sizes = [1], strides = [1]} : vector<16xf32> to vector<1xf32>
            %parallel_loop3A_644 = vector.extract %parallel_loop3A_643[0] : f32 from vector<1xf32>
            %parallel_loop3A_645 = vector.broadcast %parallel_loop3A_644 : f32 to vector<16xf32>
            %parallel_loop3A_646 = arith.constant 16 : i32
            %parallel_loop3A_647 = arith.muli %parallel_loop3A_360, %parallel_loop3A_646 : i32
            %parallel_loop3A_648 = arith.constant 5 : i32
            %parallel_loop3A_649 = arith.addi %parallel_loop3A_647, %parallel_loop3A_648 : i32
            %parallel_loop3A_650 = arith.index_cast %and3A_319 : i32 to index
            %parallel_loop3A_651 = arith.index_cast %parallel_loop3A_649 : i32 to index
            %parallel_loop3A_652 = arith.constant 0 : index
            %parallel_loop3A_653 = tpu.vector_load %arg13[%parallel_loop3A_650, %parallel_loop3A_651, %parallel_loop3A_652] {strides = array<i32>} : memref<2x128x64xf32, #tpu.memory_space<vmem>>, vector<1x1x16xf32>,
            %parallel_loop3A_654 = vector.shape_cast %parallel_loop3A_653 : vector<1x1x16xf32> to vector<16xf32>
            %parallel_loop3A_655 = arith.mulf %parallel_loop3A_654, %parallel_loop3A_645 : vector<16xf32>
            %parallel_loop3A_656 = arith.index_cast %and3A_319 : i32 to index
            %parallel_loop3A_657 = arith.index_cast %parallel_loop3A_649 : i32 to index
            %parallel_loop3A_658 = arith.constant 0 : index
            %parallel_loop3A_659 = tpu.vector_load %arg13[%parallel_loop3A_656, %parallel_loop3A_657, %parallel_loop3A_658] {strides = array<i32>} : memref<2x128x64xf32, #tpu.memory_space<vmem>>, vector<1x1x16xf32>,
            %parallel_loop3A_660 = vector.shape_cast %parallel_loop3A_659 : vector<1x1x16xf32> to vector<16xf32>
            %parallel_loop3A_661 = vector.shape_cast %parallel_loop3A_655 : vector<16xf32> to vector<1x1x16xf32>
            tpu.vector_store %arg13[%parallel_loop3A_656, %parallel_loop3A_657, %parallel_loop3A_658], %parallel_loop3A_661 {strides = array<i32>} : memref<2x128x64xf32, #tpu.memory_space<vmem>>, vector<1x1x16xf32>,
            %parallel_loop3A_662 = arith.index_cast %and3A_319 : i32 to index
            %parallel_loop3A_663 = arith.index_cast %parallel_loop3A_649 : i32 to index
            %parallel_loop3A_664 = arith.constant 16 : index
            %parallel_loop3A_665 = tpu.vector_load %arg13[%parallel_loop3A_662, %parallel_loop3A_663, %parallel_loop3A_664] {strides = array<i32>} : memref<2x128x64xf32, #tpu.memory_space<vmem>>, vector<1x1x16xf32>,
            %parallel_loop3A_666 = vector.shape_cast %parallel_loop3A_665 : vector<1x1x16xf32> to vector<16xf32>
            %parallel_loop3A_667 = arith.mulf %parallel_loop3A_666, %parallel_loop3A_645 : vector<16xf32>
            %parallel_loop3A_668 = arith.index_cast %and3A_319 : i32 to index
            %parallel_loop3A_669 = arith.index_cast %parallel_loop3A_649 : i32 to index
            %parallel_loop3A_670 = arith.constant 16 : index
            %parallel_loop3A_671 = tpu.vector_load %arg13[%parallel_loop3A_668, %parallel_loop3A_669, %parallel_loop3A_670] {strides = array<i32>} : memref<2x128x64xf32, #tpu.memory_space<vmem>>, vector<1x1x16xf32>,
            %parallel_loop3A_672 = vector.shape_cast %parallel_loop3A_671 : vector<1x1x16xf32> to vector<16xf32>
            %parallel_loop3A_673 = vector.shape_cast %parallel_loop3A_667 : vector<16xf32> to vector<1x1x16xf32>
            tpu.vector_store %arg13[%parallel_loop3A_668, %parallel_loop3A_669, %parallel_loop3A_670], %parallel_loop3A_673 {strides = array<i32>} : memref<2x128x64xf32, #tpu.memory_space<vmem>>, vector<1x1x16xf32>,
            %parallel_loop3A_674 = arith.index_cast %and3A_319 : i32 to index
            %parallel_loop3A_675 = arith.index_cast %parallel_loop3A_649 : i32 to index
            %parallel_loop3A_676 = arith.constant 32 : index
            %parallel_loop3A_677 = tpu.vector_load %arg13[%parallel_loop3A_674, %parallel_loop3A_675, %parallel_loop3A_676] {strides = array<i32>} : memref<2x128x64xf32, #tpu.memory_space<vmem>>, vector<1x1x16xf32>,
            %parallel_loop3A_678 = vector.shape_cast %parallel_loop3A_677 : vector<1x1x16xf32> to vector<16xf32>
            %parallel_loop3A_679 = arith.mulf %parallel_loop3A_678, %parallel_loop3A_645 : vector<16xf32>
            %parallel_loop3A_680 = arith.index_cast %and3A_319 : i32 to index
            %parallel_loop3A_681 = arith.index_cast %parallel_loop3A_649 : i32 to index
            %parallel_loop3A_682 = arith.constant 32 : index
            %parallel_loop3A_683 = tpu.vector_load %arg13[%parallel_loop3A_680, %parallel_loop3A_681, %parallel_loop3A_682] {strides = array<i32>} : memref<2x128x64xf32, #tpu.memory_space<vmem>>, vector<1x1x16xf32>,
            %parallel_loop3A_684 = vector.shape_cast %parallel_loop3A_683 : vector<1x1x16xf32> to vector<16xf32>
            %parallel_loop3A_685 = vector.shape_cast %parallel_loop3A_679 : vector<16xf32> to vector<1x1x16xf32>
            tpu.vector_store %arg13[%parallel_loop3A_680, %parallel_loop3A_681, %parallel_loop3A_682], %parallel_loop3A_685 {strides = array<i32>} : memref<2x128x64xf32, #tpu.memory_space<vmem>>, vector<1x1x16xf32>,
            %parallel_loop3A_686 = arith.index_cast %and3A_319 : i32 to index
            %parallel_loop3A_687 = arith.index_cast %parallel_loop3A_649 : i32 to index
            %parallel_loop3A_688 = arith.constant 48 : index
            %parallel_loop3A_689 = tpu.vector_load %arg13[%parallel_loop3A_686, %parallel_loop3A_687, %parallel_loop3A_688] {strides = array<i32>} : memref<2x128x64xf32, #tpu.memory_space<vmem>>, vector<1x1x16xf32>,
            %parallel_loop3A_690 = vector.shape_cast %parallel_loop3A_689 : vector<1x1x16xf32> to vector<16xf32>
            %parallel_loop3A_691 = arith.mulf %parallel_loop3A_690, %parallel_loop3A_645 : vector<16xf32>
            %parallel_loop3A_692 = arith.index_cast %and3A_319 : i32 to index
            %parallel_loop3A_693 = arith.index_cast %parallel_loop3A_649 : i32 to index
            %parallel_loop3A_694 = arith.constant 48 : index
            %parallel_loop3A_695 = tpu.vector_load %arg13[%parallel_loop3A_692, %parallel_loop3A_693, %parallel_loop3A_694] {strides = array<i32>} : memref<2x128x64xf32, #tpu.memory_space<vmem>>, vector<1x1x16xf32>,
            %parallel_loop3A_696 = vector.shape_cast %parallel_loop3A_695 : vector<1x1x16xf32> to vector<16xf32>
            %parallel_loop3A_697 = vector.shape_cast %parallel_loop3A_691 : vector<16xf32> to vector<1x1x16xf32>
            tpu.vector_store %arg13[%parallel_loop3A_692, %parallel_loop3A_693, %parallel_loop3A_694], %parallel_loop3A_697 {strides = array<i32>} : memref<2x128x64xf32, #tpu.memory_space<vmem>>, vector<1x1x16xf32>,
            %parallel_loop3A_698 = vector.extract_strided_slice %parallel_loop3A_367 {offsets = [6], sizes = [1], strides = [1]} : vector<16xf32> to vector<1xf32>
            %parallel_loop3A_699 = vector.extract %parallel_loop3A_698[0] : f32 from vector<1xf32>
            %parallel_loop3A_700 = vector.broadcast %parallel_loop3A_699 : f32 to vector<16xf32>
            %parallel_loop3A_701 = arith.constant 16 : i32
            %parallel_loop3A_702 = arith.muli %parallel_loop3A_360, %parallel_loop3A_701 : i32
            %parallel_loop3A_703 = arith.constant 6 : i32
            %parallel_loop3A_704 = arith.addi %parallel_loop3A_702, %parallel_loop3A_703 : i32
            %parallel_loop3A_705 = arith.index_cast %and3A_319 : i32 to index
            %parallel_loop3A_706 = arith.index_cast %parallel_loop3A_704 : i32 to index
            %parallel_loop3A_707 = arith.constant 0 : index
            %parallel_loop3A_708 = tpu.vector_load %arg13[%parallel_loop3A_705, %parallel_loop3A_706, %parallel_loop3A_707] {strides = array<i32>} : memref<2x128x64xf32, #tpu.memory_space<vmem>>, vector<1x1x16xf32>,
            %parallel_loop3A_709 = vector.shape_cast %parallel_loop3A_708 : vector<1x1x16xf32> to vector<16xf32>
            %parallel_loop3A_710 = arith.mulf %parallel_loop3A_709, %parallel_loop3A_700 : vector<16xf32>
            %parallel_loop3A_711 = arith.index_cast %and3A_319 : i32 to index
            %parallel_loop3A_712 = arith.index_cast %parallel_loop3A_704 : i32 to index
            %parallel_loop3A_713 = arith.constant 0 : index
            %parallel_loop3A_714 = tpu.vector_load %arg13[%parallel_loop3A_711, %parallel_loop3A_712, %parallel_loop3A_713] {strides = array<i32>} : memref<2x128x64xf32, #tpu.memory_space<vmem>>, vector<1x1x16xf32>,
            %parallel_loop3A_715 = vector.shape_cast %parallel_loop3A_714 : vector<1x1x16xf32> to vector<16xf32>
            %parallel_loop3A_716 = vector.shape_cast %parallel_loop3A_710 : vector<16xf32> to vector<1x1x16xf32>
            tpu.vector_store %arg13[%parallel_loop3A_711, %parallel_loop3A_712, %parallel_loop3A_713], %parallel_loop3A_716 {strides = array<i32>} : memref<2x128x64xf32, #tpu.memory_space<vmem>>, vector<1x1x16xf32>,
            %parallel_loop3A_717 = arith.index_cast %and3A_319 : i32 to index
            %parallel_loop3A_718 = arith.index_cast %parallel_loop3A_704 : i32 to index
            %parallel_loop3A_719 = arith.constant 16 : index
            %parallel_loop3A_720 = tpu.vector_load %arg13[%parallel_loop3A_717, %parallel_loop3A_718, %parallel_loop3A_719] {strides = array<i32>} : memref<2x128x64xf32, #tpu.memory_space<vmem>>, vector<1x1x16xf32>,
            %parallel_loop3A_721 = vector.shape_cast %parallel_loop3A_720 : vector<1x1x16xf32> to vector<16xf32>
            %parallel_loop3A_722 = arith.mulf %parallel_loop3A_721, %parallel_loop3A_700 : vector<16xf32>
            %parallel_loop3A_723 = arith.index_cast %and3A_319 : i32 to index
            %parallel_loop3A_724 = arith.index_cast %parallel_loop3A_704 : i32 to index
            %parallel_loop3A_725 = arith.constant 16 : index
            %parallel_loop3A_726 = tpu.vector_load %arg13[%parallel_loop3A_723, %parallel_loop3A_724, %parallel_loop3A_725] {strides = array<i32>} : memref<2x128x64xf32, #tpu.memory_space<vmem>>, vector<1x1x16xf32>,
            %parallel_loop3A_727 = vector.shape_cast %parallel_loop3A_726 : vector<1x1x16xf32> to vector<16xf32>
            %parallel_loop3A_728 = vector.shape_cast %parallel_loop3A_722 : vector<16xf32> to vector<1x1x16xf32>
            tpu.vector_store %arg13[%parallel_loop3A_723, %parallel_loop3A_724, %parallel_loop3A_725], %parallel_loop3A_728 {strides = array<i32>} : memref<2x128x64xf32, #tpu.memory_space<vmem>>, vector<1x1x16xf32>,
            %parallel_loop3A_729 = arith.index_cast %and3A_319 : i32 to index
            %parallel_loop3A_730 = arith.index_cast %parallel_loop3A_704 : i32 to index
            %parallel_loop3A_731 = arith.constant 32 : index
            %parallel_loop3A_732 = tpu.vector_load %arg13[%parallel_loop3A_729, %parallel_loop3A_730, %parallel_loop3A_731] {strides = array<i32>} : memref<2x128x64xf32, #tpu.memory_space<vmem>>, vector<1x1x16xf32>,
            %parallel_loop3A_733 = vector.shape_cast %parallel_loop3A_732 : vector<1x1x16xf32> to vector<16xf32>
            %parallel_loop3A_734 = arith.mulf %parallel_loop3A_733, %parallel_loop3A_700 : vector<16xf32>
            %parallel_loop3A_735 = arith.index_cast %and3A_319 : i32 to index
            %parallel_loop3A_736 = arith.index_cast %parallel_loop3A_704 : i32 to index
            %parallel_loop3A_737 = arith.constant 32 : index
            %parallel_loop3A_738 = tpu.vector_load %arg13[%parallel_loop3A_735, %parallel_loop3A_736, %parallel_loop3A_737] {strides = array<i32>} : memref<2x128x64xf32, #tpu.memory_space<vmem>>, vector<1x1x16xf32>,
            %parallel_loop3A_739 = vector.shape_cast %parallel_loop3A_738 : vector<1x1x16xf32> to vector<16xf32>
            %parallel_loop3A_740 = vector.shape_cast %parallel_loop3A_734 : vector<16xf32> to vector<1x1x16xf32>
            tpu.vector_store %arg13[%parallel_loop3A_735, %parallel_loop3A_736, %parallel_loop3A_737], %parallel_loop3A_740 {strides = array<i32>} : memref<2x128x64xf32, #tpu.memory_space<vmem>>, vector<1x1x16xf32>,
            %parallel_loop3A_741 = arith.index_cast %and3A_319 : i32 to index
            %parallel_loop3A_742 = arith.index_cast %parallel_loop3A_704 : i32 to index
            %parallel_loop3A_743 = arith.constant 48 : index
            %parallel_loop3A_744 = tpu.vector_load %arg13[%parallel_loop3A_741, %parallel_loop3A_742, %parallel_loop3A_743] {strides = array<i32>} : memref<2x128x64xf32, #tpu.memory_space<vmem>>, vector<1x1x16xf32>,
            %parallel_loop3A_745 = vector.shape_cast %parallel_loop3A_744 : vector<1x1x16xf32> to vector<16xf32>
            %parallel_loop3A_746 = arith.mulf %parallel_loop3A_745, %parallel_loop3A_700 : vector<16xf32>
            %parallel_loop3A_747 = arith.index_cast %and3A_319 : i32 to index
            %parallel_loop3A_748 = arith.index_cast %parallel_loop3A_704 : i32 to index
            %parallel_loop3A_749 = arith.constant 48 : index
            %parallel_loop3A_750 = tpu.vector_load %arg13[%parallel_loop3A_747, %parallel_loop3A_748, %parallel_loop3A_749] {strides = array<i32>} : memref<2x128x64xf32, #tpu.memory_space<vmem>>, vector<1x1x16xf32>,
            %parallel_loop3A_751 = vector.shape_cast %parallel_loop3A_750 : vector<1x1x16xf32> to vector<16xf32>
            %parallel_loop3A_752 = vector.shape_cast %parallel_loop3A_746 : vector<16xf32> to vector<1x1x16xf32>
            tpu.vector_store %arg13[%parallel_loop3A_747, %parallel_loop3A_748, %parallel_loop3A_749], %parallel_loop3A_752 {strides = array<i32>} : memref<2x128x64xf32, #tpu.memory_space<vmem>>, vector<1x1x16xf32>,
            %parallel_loop3A_753 = vector.extract_strided_slice %parallel_loop3A_367 {offsets = [7], sizes = [1], strides = [1]} : vector<16xf32> to vector<1xf32>
            %parallel_loop3A_754 = vector.extract %parallel_loop3A_753[0] : f32 from vector<1xf32>
            %parallel_loop3A_755 = vector.broadcast %parallel_loop3A_754 : f32 to vector<16xf32>
            %parallel_loop3A_756 = arith.constant 16 : i32
            %parallel_loop3A_757 = arith.muli %parallel_loop3A_360, %parallel_loop3A_756 : i32
            %parallel_loop3A_758 = arith.constant 7 : i32
            %parallel_loop3A_759 = arith.addi %parallel_loop3A_757, %parallel_loop3A_758 : i32
            %parallel_loop3A_760 = arith.index_cast %and3A_319 : i32 to index
            %parallel_loop3A_761 = arith.index_cast %parallel_loop3A_759 : i32 to index
            %parallel_loop3A_762 = arith.constant 0 : index
            %parallel_loop3A_763 = tpu.vector_load %arg13[%parallel_loop3A_760, %parallel_loop3A_761, %parallel_loop3A_762] {strides = array<i32>} : memref<2x128x64xf32, #tpu.memory_space<vmem>>, vector<1x1x16xf32>,
            %parallel_loop3A_764 = vector.shape_cast %parallel_loop3A_763 : vector<1x1x16xf32> to vector<16xf32>
            %parallel_loop3A_765 = arith.mulf %parallel_loop3A_764, %parallel_loop3A_755 : vector<16xf32>
            %parallel_loop3A_766 = arith.index_cast %and3A_319 : i32 to index
            %parallel_loop3A_767 = arith.index_cast %parallel_loop3A_759 : i32 to index
            %parallel_loop3A_768 = arith.constant 0 : index
            %parallel_loop3A_769 = tpu.vector_load %arg13[%parallel_loop3A_766, %parallel_loop3A_767, %parallel_loop3A_768] {strides = array<i32>} : memref<2x128x64xf32, #tpu.memory_space<vmem>>, vector<1x1x16xf32>,
            %parallel_loop3A_770 = vector.shape_cast %parallel_loop3A_769 : vector<1x1x16xf32> to vector<16xf32>
            %parallel_loop3A_771 = vector.shape_cast %parallel_loop3A_765 : vector<16xf32> to vector<1x1x16xf32>
            tpu.vector_store %arg13[%parallel_loop3A_766, %parallel_loop3A_767, %parallel_loop3A_768], %parallel_loop3A_771 {strides = array<i32>} : memref<2x128x64xf32, #tpu.memory_space<vmem>>, vector<1x1x16xf32>,
            %parallel_loop3A_772 = arith.index_cast %and3A_319 : i32 to index
            %parallel_loop3A_773 = arith.index_cast %parallel_loop3A_759 : i32 to index
            %parallel_loop3A_774 = arith.constant 16 : index
            %parallel_loop3A_775 = tpu.vector_load %arg13[%parallel_loop3A_772, %parallel_loop3A_773, %parallel_loop3A_774] {strides = array<i32>} : memref<2x128x64xf32, #tpu.memory_space<vmem>>, vector<1x1x16xf32>,
            %parallel_loop3A_776 = vector.shape_cast %parallel_loop3A_775 : vector<1x1x16xf32> to vector<16xf32>
            %parallel_loop3A_777 = arith.mulf %parallel_loop3A_776, %parallel_loop3A_755 : vector<16xf32>
            %parallel_loop3A_778 = arith.index_cast %and3A_319 : i32 to index
            %parallel_loop3A_779 = arith.index_cast %parallel_loop3A_759 : i32 to index
            %parallel_loop3A_780 = arith.constant 16 : index
            %parallel_loop3A_781 = tpu.vector_load %arg13[%parallel_loop3A_778, %parallel_loop3A_779, %parallel_loop3A_780] {strides = array<i32>} : memref<2x128x64xf32, #tpu.memory_space<vmem>>, vector<1x1x16xf32>,
            %parallel_loop3A_782 = vector.shape_cast %parallel_loop3A_781 : vector<1x1x16xf32> to vector<16xf32>
            %parallel_loop3A_783 = vector.shape_cast %parallel_loop3A_777 : vector<16xf32> to vector<1x1x16xf32>
            tpu.vector_store %arg13[%parallel_loop3A_778, %parallel_loop3A_779, %parallel_loop3A_780], %parallel_loop3A_783 {strides = array<i32>} : memref<2x128x64xf32, #tpu.memory_space<vmem>>, vector<1x1x16xf32>,
            %parallel_loop3A_784 = arith.index_cast %and3A_319 : i32 to index
            %parallel_loop3A_785 = arith.index_cast %parallel_loop3A_759 : i32 to index
            %parallel_loop3A_786 = arith.constant 32 : index
            %parallel_loop3A_787 = tpu.vector_load %arg13[%parallel_loop3A_784, %parallel_loop3A_785, %parallel_loop3A_786] {strides = array<i32>} : memref<2x128x64xf32, #tpu.memory_space<vmem>>, vector<1x1x16xf32>,
            %parallel_loop3A_788 = vector.shape_cast %parallel_loop3A_787 : vector<1x1x16xf32> to vector<16xf32>
            %parallel_loop3A_789 = arith.mulf %parallel_loop3A_788, %parallel_loop3A_755 : vector<16xf32>
            %parallel_loop3A_790 = arith.index_cast %and3A_319 : i32 to index
            %parallel_loop3A_791 = arith.index_cast %parallel_loop3A_759 : i32 to index
            %parallel_loop3A_792 = arith.constant 32 : index
            %parallel_loop3A_793 = tpu.vector_load %arg13[%parallel_loop3A_790, %parallel_loop3A_791, %parallel_loop3A_792] {strides = array<i32>} : memref<2x128x64xf32, #tpu.memory_space<vmem>>, vector<1x1x16xf32>,
            %parallel_loop3A_794 = vector.shape_cast %parallel_loop3A_793 : vector<1x1x16xf32> to vector<16xf32>
            %parallel_loop3A_795 = vector.shape_cast %parallel_loop3A_789 : vector<16xf32> to vector<1x1x16xf32>
            tpu.vector_store %arg13[%parallel_loop3A_790, %parallel_loop3A_791, %parallel_loop3A_792], %parallel_loop3A_795 {strides = array<i32>} : memref<2x128x64xf32, #tpu.memory_space<vmem>>, vector<1x1x16xf32>,
            %parallel_loop3A_796 = arith.index_cast %and3A_319 : i32 to index
            %parallel_loop3A_797 = arith.index_cast %parallel_loop3A_759 : i32 to index
            %parallel_loop3A_798 = arith.constant 48 : index
            %parallel_loop3A_799 = tpu.vector_load %arg13[%parallel_loop3A_796, %parallel_loop3A_797, %parallel_loop3A_798] {strides = array<i32>} : memref<2x128x64xf32, #tpu.memory_space<vmem>>, vector<1x1x16xf32>,
            %parallel_loop3A_800 = vector.shape_cast %parallel_loop3A_799 : vector<1x1x16xf32> to vector<16xf32>
            %parallel_loop3A_801 = arith.mulf %parallel_loop3A_800, %parallel_loop3A_755 : vector<16xf32>
            %parallel_loop3A_802 = arith.index_cast %and3A_319 : i32 to index
            %parallel_loop3A_803 = arith.index_cast %parallel_loop3A_759 : i32 to index
            %parallel_loop3A_804 = arith.constant 48 : index
            %parallel_loop3A_805 = tpu.vector_load %arg13[%parallel_loop3A_802, %parallel_loop3A_803, %parallel_loop3A_804] {strides = array<i32>} : memref<2x128x64xf32, #tpu.memory_space<vmem>>, vector<1x1x16xf32>,
            %parallel_loop3A_806 = vector.shape_cast %parallel_loop3A_805 : vector<1x1x16xf32> to vector<16xf32>
            %parallel_loop3A_807 = vector.shape_cast %parallel_loop3A_801 : vector<16xf32> to vector<1x1x16xf32>
            tpu.vector_store %arg13[%parallel_loop3A_802, %parallel_loop3A_803, %parallel_loop3A_804], %parallel_loop3A_807 {strides = array<i32>} : memref<2x128x64xf32, #tpu.memory_space<vmem>>, vector<1x1x16xf32>,
            %parallel_loop3A_808 = vector.extract_strided_slice %parallel_loop3A_367 {offsets = [8], sizes = [1], strides = [1]} : vector<16xf32> to vector<1xf32>
            %parallel_loop3A_809 = vector.extract %parallel_loop3A_808[0] : f32 from vector<1xf32>
            %parallel_loop3A_810 = vector.broadcast %parallel_loop3A_809 : f32 to vector<16xf32>
            %parallel_loop3A_811 = arith.constant 16 : i32
            %parallel_loop3A_812 = arith.muli %parallel_loop3A_360, %parallel_loop3A_811 : i32
            %parallel_loop3A_813 = arith.constant 8 : i32
            %parallel_loop3A_814 = arith.addi %parallel_loop3A_812, %parallel_loop3A_813 : i32
            %parallel_loop3A_815 = arith.index_cast %and3A_319 : i32 to index
            %parallel_loop3A_816 = arith.index_cast %parallel_loop3A_814 : i32 to index
            %parallel_loop3A_817 = arith.constant 0 : index
            %parallel_loop3A_818 = tpu.vector_load %arg13[%parallel_loop3A_815, %parallel_loop3A_816, %parallel_loop3A_817] {strides = array<i32>} : memref<2x128x64xf32, #tpu.memory_space<vmem>>, vector<1x1x16xf32>,
            %parallel_loop3A_819 = vector.shape_cast %parallel_loop3A_818 : vector<1x1x16xf32> to vector<16xf32>
            %parallel_loop3A_820 = arith.mulf %parallel_loop3A_819, %parallel_loop3A_810 : vector<16xf32>
            %parallel_loop3A_821 = arith.index_cast %and3A_319 : i32 to index
            %parallel_loop3A_822 = arith.index_cast %parallel_loop3A_814 : i32 to index
            %parallel_loop3A_823 = arith.constant 0 : index
            %parallel_loop3A_824 = tpu.vector_load %arg13[%parallel_loop3A_821, %parallel_loop3A_822, %parallel_loop3A_823] {strides = array<i32>} : memref<2x128x64xf32, #tpu.memory_space<vmem>>, vector<1x1x16xf32>,
            %parallel_loop3A_825 = vector.shape_cast %parallel_loop3A_824 : vector<1x1x16xf32> to vector<16xf32>
            %parallel_loop3A_826 = vector.shape_cast %parallel_loop3A_820 : vector<16xf32> to vector<1x1x16xf32>
            tpu.vector_store %arg13[%parallel_loop3A_821, %parallel_loop3A_822, %parallel_loop3A_823], %parallel_loop3A_826 {strides = array<i32>} : memref<2x128x64xf32, #tpu.memory_space<vmem>>, vector<1x1x16xf32>,
            %parallel_loop3A_827 = arith.index_cast %and3A_319 : i32 to index
            %parallel_loop3A_828 = arith.index_cast %parallel_loop3A_814 : i32 to index
            %parallel_loop3A_829 = arith.constant 16 : index
            %parallel_loop3A_830 = tpu.vector_load %arg13[%parallel_loop3A_827, %parallel_loop3A_828, %parallel_loop3A_829] {strides = array<i32>} : memref<2x128x64xf32, #tpu.memory_space<vmem>>, vector<1x1x16xf32>,
            %parallel_loop3A_831 = vector.shape_cast %parallel_loop3A_830 : vector<1x1x16xf32> to vector<16xf32>
            %parallel_loop3A_832 = arith.mulf %parallel_loop3A_831, %parallel_loop3A_810 : vector<16xf32>
            %parallel_loop3A_833 = arith.index_cast %and3A_319 : i32 to index
            %parallel_loop3A_834 = arith.index_cast %parallel_loop3A_814 : i32 to index
            %parallel_loop3A_835 = arith.constant 16 : index
            %parallel_loop3A_836 = tpu.vector_load %arg13[%parallel_loop3A_833, %parallel_loop3A_834, %parallel_loop3A_835] {strides = array<i32>} : memref<2x128x64xf32, #tpu.memory_space<vmem>>, vector<1x1x16xf32>,
            %parallel_loop3A_837 = vector.shape_cast %parallel_loop3A_836 : vector<1x1x16xf32> to vector<16xf32>
            %parallel_loop3A_838 = vector.shape_cast %parallel_loop3A_832 : vector<16xf32> to vector<1x1x16xf32>
            tpu.vector_store %arg13[%parallel_loop3A_833, %parallel_loop3A_834, %parallel_loop3A_835], %parallel_loop3A_838 {strides = array<i32>} : memref<2x128x64xf32, #tpu.memory_space<vmem>>, vector<1x1x16xf32>,
            %parallel_loop3A_839 = arith.index_cast %and3A_319 : i32 to index
            %parallel_loop3A_840 = arith.index_cast %parallel_loop3A_814 : i32 to index
            %parallel_loop3A_841 = arith.constant 32 : index
            %parallel_loop3A_842 = tpu.vector_load %arg13[%parallel_loop3A_839, %parallel_loop3A_840, %parallel_loop3A_841] {strides = array<i32>} : memref<2x128x64xf32, #tpu.memory_space<vmem>>, vector<1x1x16xf32>,
            %parallel_loop3A_843 = vector.shape_cast %parallel_loop3A_842 : vector<1x1x16xf32> to vector<16xf32>
            %parallel_loop3A_844 = arith.mulf %parallel_loop3A_843, %parallel_loop3A_810 : vector<16xf32>
            %parallel_loop3A_845 = arith.index_cast %and3A_319 : i32 to index
            %parallel_loop3A_846 = arith.index_cast %parallel_loop3A_814 : i32 to index
            %parallel_loop3A_847 = arith.constant 32 : index
            %parallel_loop3A_848 = tpu.vector_load %arg13[%parallel_loop3A_845, %parallel_loop3A_846, %parallel_loop3A_847] {strides = array<i32>} : memref<2x128x64xf32, #tpu.memory_space<vmem>>, vector<1x1x16xf32>,
            %parallel_loop3A_849 = vector.shape_cast %parallel_loop3A_848 : vector<1x1x16xf32> to vector<16xf32>
            %parallel_loop3A_850 = vector.shape_cast %parallel_loop3A_844 : vector<16xf32> to vector<1x1x16xf32>
            tpu.vector_store %arg13[%parallel_loop3A_845, %parallel_loop3A_846, %parallel_loop3A_847], %parallel_loop3A_850 {strides = array<i32>} : memref<2x128x64xf32, #tpu.memory_space<vmem>>, vector<1x1x16xf32>,
            %parallel_loop3A_851 = arith.index_cast %and3A_319 : i32 to index
            %parallel_loop3A_852 = arith.index_cast %parallel_loop3A_814 : i32 to index
            %parallel_loop3A_853 = arith.constant 48 : index
            %parallel_loop3A_854 = tpu.vector_load %arg13[%parallel_loop3A_851, %parallel_loop3A_852, %parallel_loop3A_853] {strides = array<i32>} : memref<2x128x64xf32, #tpu.memory_space<vmem>>, vector<1x1x16xf32>,
            %parallel_loop3A_855 = vector.shape_cast %parallel_loop3A_854 : vector<1x1x16xf32> to vector<16xf32>
            %parallel_loop3A_856 = arith.mulf %parallel_loop3A_855, %parallel_loop3A_810 : vector<16xf32>
            %parallel_loop3A_857 = arith.index_cast %and3A_319 : i32 to index
            %parallel_loop3A_858 = arith.index_cast %parallel_loop3A_814 : i32 to index
            %parallel_loop3A_859 = arith.constant 48 : index
            %parallel_loop3A_860 = tpu.vector_load %arg13[%parallel_loop3A_857, %parallel_loop3A_858, %parallel_loop3A_859] {strides = array<i32>} : memref<2x128x64xf32, #tpu.memory_space<vmem>>, vector<1x1x16xf32>,
            %parallel_loop3A_861 = vector.shape_cast %parallel_loop3A_860 : vector<1x1x16xf32> to vector<16xf32>
            %parallel_loop3A_862 = vector.shape_cast %parallel_loop3A_856 : vector<16xf32> to vector<1x1x16xf32>
            tpu.vector_store %arg13[%parallel_loop3A_857, %parallel_loop3A_858, %parallel_loop3A_859], %parallel_loop3A_862 {strides = array<i32>} : memref<2x128x64xf32, #tpu.memory_space<vmem>>, vector<1x1x16xf32>,
            %parallel_loop3A_863 = vector.extract_strided_slice %parallel_loop3A_367 {offsets = [9], sizes = [1], strides = [1]} : vector<16xf32> to vector<1xf32>
            %parallel_loop3A_864 = vector.extract %parallel_loop3A_863[0] : f32 from vector<1xf32>
            %parallel_loop3A_865 = vector.broadcast %parallel_loop3A_864 : f32 to vector<16xf32>
            %parallel_loop3A_866 = arith.constant 16 : i32
            %parallel_loop3A_867 = arith.muli %parallel_loop3A_360, %parallel_loop3A_866 : i32
            %parallel_loop3A_868 = arith.constant 9 : i32
            %parallel_loop3A_869 = arith.addi %parallel_loop3A_867, %parallel_loop3A_868 : i32
            %parallel_loop3A_870 = arith.index_cast %and3A_319 : i32 to index
            %parallel_loop3A_871 = arith.index_cast %parallel_loop3A_869 : i32 to index
            %parallel_loop3A_872 = arith.constant 0 : index
            %parallel_loop3A_873 = tpu.vector_load %arg13[%parallel_loop3A_870, %parallel_loop3A_871, %parallel_loop3A_872] {strides = array<i32>} : memref<2x128x64xf32, #tpu.memory_space<vmem>>, vector<1x1x16xf32>,
            %parallel_loop3A_874 = vector.shape_cast %parallel_loop3A_873 : vector<1x1x16xf32> to vector<16xf32>
            %parallel_loop3A_875 = arith.mulf %parallel_loop3A_874, %parallel_loop3A_865 : vector<16xf32>
            %parallel_loop3A_876 = arith.index_cast %and3A_319 : i32 to index
            %parallel_loop3A_877 = arith.index_cast %parallel_loop3A_869 : i32 to index
            %parallel_loop3A_878 = arith.constant 0 : index
            %parallel_loop3A_879 = tpu.vector_load %arg13[%parallel_loop3A_876, %parallel_loop3A_877, %parallel_loop3A_878] {strides = array<i32>} : memref<2x128x64xf32, #tpu.memory_space<vmem>>, vector<1x1x16xf32>,
            %parallel_loop3A_880 = vector.shape_cast %parallel_loop3A_879 : vector<1x1x16xf32> to vector<16xf32>
            %parallel_loop3A_881 = vector.shape_cast %parallel_loop3A_875 : vector<16xf32> to vector<1x1x16xf32>
            tpu.vector_store %arg13[%parallel_loop3A_876, %parallel_loop3A_877, %parallel_loop3A_878], %parallel_loop3A_881 {strides = array<i32>} : memref<2x128x64xf32, #tpu.memory_space<vmem>>, vector<1x1x16xf32>,
            %parallel_loop3A_882 = arith.index_cast %and3A_319 : i32 to index
            %parallel_loop3A_883 = arith.index_cast %parallel_loop3A_869 : i32 to index
            %parallel_loop3A_884 = arith.constant 16 : index
            %parallel_loop3A_885 = tpu.vector_load %arg13[%parallel_loop3A_882, %parallel_loop3A_883, %parallel_loop3A_884] {strides = array<i32>} : memref<2x128x64xf32, #tpu.memory_space<vmem>>, vector<1x1x16xf32>,
            %parallel_loop3A_886 = vector.shape_cast %parallel_loop3A_885 : vector<1x1x16xf32> to vector<16xf32>
            %parallel_loop3A_887 = arith.mulf %parallel_loop3A_886, %parallel_loop3A_865 : vector<16xf32>
            %parallel_loop3A_888 = arith.index_cast %and3A_319 : i32 to index
            %parallel_loop3A_889 = arith.index_cast %parallel_loop3A_869 : i32 to index
            %parallel_loop3A_890 = arith.constant 16 : index
            %parallel_loop3A_891 = tpu.vector_load %arg13[%parallel_loop3A_888, %parallel_loop3A_889, %parallel_loop3A_890] {strides = array<i32>} : memref<2x128x64xf32, #tpu.memory_space<vmem>>, vector<1x1x16xf32>,
            %parallel_loop3A_892 = vector.shape_cast %parallel_loop3A_891 : vector<1x1x16xf32> to vector<16xf32>
            %parallel_loop3A_893 = vector.shape_cast %parallel_loop3A_887 : vector<16xf32> to vector<1x1x16xf32>
            tpu.vector_store %arg13[%parallel_loop3A_888, %parallel_loop3A_889, %parallel_loop3A_890], %parallel_loop3A_893 {strides = array<i32>} : memref<2x128x64xf32, #tpu.memory_space<vmem>>, vector<1x1x16xf32>,
            %parallel_loop3A_894 = arith.index_cast %and3A_319 : i32 to index
            %parallel_loop3A_895 = arith.index_cast %parallel_loop3A_869 : i32 to index
            %parallel_loop3A_896 = arith.constant 32 : index
            %parallel_loop3A_897 = tpu.vector_load %arg13[%parallel_loop3A_894, %parallel_loop3A_895, %parallel_loop3A_896] {strides = array<i32>} : memref<2x128x64xf32, #tpu.memory_space<vmem>>, vector<1x1x16xf32>,
            %parallel_loop3A_898 = vector.shape_cast %parallel_loop3A_897 : vector<1x1x16xf32> to vector<16xf32>
            %parallel_loop3A_899 = arith.mulf %parallel_loop3A_898, %parallel_loop3A_865 : vector<16xf32>
            %parallel_loop3A_900 = arith.index_cast %and3A_319 : i32 to index
            %parallel_loop3A_901 = arith.index_cast %parallel_loop3A_869 : i32 to index
            %parallel_loop3A_902 = arith.constant 32 : index
            %parallel_loop3A_903 = tpu.vector_load %arg13[%parallel_loop3A_900, %parallel_loop3A_901, %parallel_loop3A_902] {strides = array<i32>} : memref<2x128x64xf32, #tpu.memory_space<vmem>>, vector<1x1x16xf32>,
            %parallel_loop3A_904 = vector.shape_cast %parallel_loop3A_903 : vector<1x1x16xf32> to vector<16xf32>
            %parallel_loop3A_905 = vector.shape_cast %parallel_loop3A_899 : vector<16xf32> to vector<1x1x16xf32>
            tpu.vector_store %arg13[%parallel_loop3A_900, %parallel_loop3A_901, %parallel_loop3A_902], %parallel_loop3A_905 {strides = array<i32>} : memref<2x128x64xf32, #tpu.memory_space<vmem>>, vector<1x1x16xf32>,
            %parallel_loop3A_906 = arith.index_cast %and3A_319 : i32 to index
            %parallel_loop3A_907 = arith.index_cast %parallel_loop3A_869 : i32 to index
            %parallel_loop3A_908 = arith.constant 48 : index
            %parallel_loop3A_909 = tpu.vector_load %arg13[%parallel_loop3A_906, %parallel_loop3A_907, %parallel_loop3A_908] {strides = array<i32>} : memref<2x128x64xf32, #tpu.memory_space<vmem>>, vector<1x1x16xf32>,
            %parallel_loop3A_910 = vector.shape_cast %parallel_loop3A_909 : vector<1x1x16xf32> to vector<16xf32>
            %parallel_loop3A_911 = arith.mulf %parallel_loop3A_910, %parallel_loop3A_865 : vector<16xf32>
            %parallel_loop3A_912 = arith.index_cast %and3A_319 : i32 to index
            %parallel_loop3A_913 = arith.index_cast %parallel_loop3A_869 : i32 to index
            %parallel_loop3A_914 = arith.constant 48 : index
            %parallel_loop3A_915 = tpu.vector_load %arg13[%parallel_loop3A_912, %parallel_loop3A_913, %parallel_loop3A_914] {strides = array<i32>} : memref<2x128x64xf32, #tpu.memory_space<vmem>>, vector<1x1x16xf32>,
            %parallel_loop3A_916 = vector.shape_cast %parallel_loop3A_915 : vector<1x1x16xf32> to vector<16xf32>
            %parallel_loop3A_917 = vector.shape_cast %parallel_loop3A_911 : vector<16xf32> to vector<1x1x16xf32>
            tpu.vector_store %arg13[%parallel_loop3A_912, %parallel_loop3A_913, %parallel_loop3A_914], %parallel_loop3A_917 {strides = array<i32>} : memref<2x128x64xf32, #tpu.memory_space<vmem>>, vector<1x1x16xf32>,
            %parallel_loop3A_918 = vector.extract_strided_slice %parallel_loop3A_367 {offsets = [10], sizes = [1], strides = [1]} : vector<16xf32> to vector<1xf32>
            %parallel_loop3A_919 = vector.extract %parallel_loop3A_918[0] : f32 from vector<1xf32>
            %parallel_loop3A_920 = vector.broadcast %parallel_loop3A_919 : f32 to vector<16xf32>
            %parallel_loop3A_921 = arith.constant 16 : i32
            %parallel_loop3A_922 = arith.muli %parallel_loop3A_360, %parallel_loop3A_921 : i32
            %parallel_loop3A_923 = arith.constant 10 : i32
            %parallel_loop3A_924 = arith.addi %parallel_loop3A_922, %parallel_loop3A_923 : i32
            %parallel_loop3A_925 = arith.index_cast %and3A_319 : i32 to index
            %parallel_loop3A_926 = arith.index_cast %parallel_loop3A_924 : i32 to index
            %parallel_loop3A_927 = arith.constant 0 : index
            %parallel_loop3A_928 = tpu.vector_load %arg13[%parallel_loop3A_925, %parallel_loop3A_926, %parallel_loop3A_927] {strides = array<i32>} : memref<2x128x64xf32, #tpu.memory_space<vmem>>, vector<1x1x16xf32>,
            %parallel_loop3A_929 = vector.shape_cast %parallel_loop3A_928 : vector<1x1x16xf32> to vector<16xf32>
            %parallel_loop3A_930 = arith.mulf %parallel_loop3A_929, %parallel_loop3A_920 : vector<16xf32>
            %parallel_loop3A_931 = arith.index_cast %and3A_319 : i32 to index
            %parallel_loop3A_932 = arith.index_cast %parallel_loop3A_924 : i32 to index
            %parallel_loop3A_933 = arith.constant 0 : index
            %parallel_loop3A_934 = tpu.vector_load %arg13[%parallel_loop3A_931, %parallel_loop3A_932, %parallel_loop3A_933] {strides = array<i32>} : memref<2x128x64xf32, #tpu.memory_space<vmem>>, vector<1x1x16xf32>,
            %parallel_loop3A_935 = vector.shape_cast %parallel_loop3A_934 : vector<1x1x16xf32> to vector<16xf32>
            %parallel_loop3A_936 = vector.shape_cast %parallel_loop3A_930 : vector<16xf32> to vector<1x1x16xf32>
            tpu.vector_store %arg13[%parallel_loop3A_931, %parallel_loop3A_932, %parallel_loop3A_933], %parallel_loop3A_936 {strides = array<i32>} : memref<2x128x64xf32, #tpu.memory_space<vmem>>, vector<1x1x16xf32>,
            %parallel_loop3A_937 = arith.index_cast %and3A_319 : i32 to index
            %parallel_loop3A_938 = arith.index_cast %parallel_loop3A_924 : i32 to index
            %parallel_loop3A_939 = arith.constant 16 : index
            %parallel_loop3A_940 = tpu.vector_load %arg13[%parallel_loop3A_937, %parallel_loop3A_938, %parallel_loop3A_939] {strides = array<i32>} : memref<2x128x64xf32, #tpu.memory_space<vmem>>, vector<1x1x16xf32>,
            %parallel_loop3A_941 = vector.shape_cast %parallel_loop3A_940 : vector<1x1x16xf32> to vector<16xf32>
            %parallel_loop3A_942 = arith.mulf %parallel_loop3A_941, %parallel_loop3A_920 : vector<16xf32>
            %parallel_loop3A_943 = arith.index_cast %and3A_319 : i32 to index
            %parallel_loop3A_944 = arith.index_cast %parallel_loop3A_924 : i32 to index
            %parallel_loop3A_945 = arith.constant 16 : index
            %parallel_loop3A_946 = tpu.vector_load %arg13[%parallel_loop3A_943, %parallel_loop3A_944, %parallel_loop3A_945] {strides = array<i32>} : memref<2x128x64xf32, #tpu.memory_space<vmem>>, vector<1x1x16xf32>,
            %parallel_loop3A_947 = vector.shape_cast %parallel_loop3A_946 : vector<1x1x16xf32> to vector<16xf32>
            %parallel_loop3A_948 = vector.shape_cast %parallel_loop3A_942 : vector<16xf32> to vector<1x1x16xf32>
            tpu.vector_store %arg13[%parallel_loop3A_943, %parallel_loop3A_944, %parallel_loop3A_945], %parallel_loop3A_948 {strides = array<i32>} : memref<2x128x64xf32, #tpu.memory_space<vmem>>, vector<1x1x16xf32>,
            %parallel_loop3A_949 = arith.index_cast %and3A_319 : i32 to index
            %parallel_loop3A_950 = arith.index_cast %parallel_loop3A_924 : i32 to index
            %parallel_loop3A_951 = arith.constant 32 : index
            %parallel_loop3A_952 = tpu.vector_load %arg13[%parallel_loop3A_949, %parallel_loop3A_950, %parallel_loop3A_951] {strides = array<i32>} : memref<2x128x64xf32, #tpu.memory_space<vmem>>, vector<1x1x16xf32>,
            %parallel_loop3A_953 = vector.shape_cast %parallel_loop3A_952 : vector<1x1x16xf32> to vector<16xf32>
            %parallel_loop3A_954 = arith.mulf %parallel_loop3A_953, %parallel_loop3A_920 : vector<16xf32>
            %parallel_loop3A_955 = arith.index_cast %and3A_319 : i32 to index
            %parallel_loop3A_956 = arith.index_cast %parallel_loop3A_924 : i32 to index
            %parallel_loop3A_957 = arith.constant 32 : index
            %parallel_loop3A_958 = tpu.vector_load %arg13[%parallel_loop3A_955, %parallel_loop3A_956, %parallel_loop3A_957] {strides = array<i32>} : memref<2x128x64xf32, #tpu.memory_space<vmem>>, vector<1x1x16xf32>,
            %parallel_loop3A_959 = vector.shape_cast %parallel_loop3A_958 : vector<1x1x16xf32> to vector<16xf32>
            %parallel_loop3A_960 = vector.shape_cast %parallel_loop3A_954 : vector<16xf32> to vector<1x1x16xf32>
            tpu.vector_store %arg13[%parallel_loop3A_955, %parallel_loop3A_956, %parallel_loop3A_957], %parallel_loop3A_960 {strides = array<i32>} : memref<2x128x64xf32, #tpu.memory_space<vmem>>, vector<1x1x16xf32>,
            %parallel_loop3A_961 = arith.index_cast %and3A_319 : i32 to index
            %parallel_loop3A_962 = arith.index_cast %parallel_loop3A_924 : i32 to index
            %parallel_loop3A_963 = arith.constant 48 : index
            %parallel_loop3A_964 = tpu.vector_load %arg13[%parallel_loop3A_961, %parallel_loop3A_962, %parallel_loop3A_963] {strides = array<i32>} : memref<2x128x64xf32, #tpu.memory_space<vmem>>, vector<1x1x16xf32>,
            %parallel_loop3A_965 = vector.shape_cast %parallel_loop3A_964 : vector<1x1x16xf32> to vector<16xf32>
            %parallel_loop3A_966 = arith.mulf %parallel_loop3A_965, %parallel_loop3A_920 : vector<16xf32>
            %parallel_loop3A_967 = arith.index_cast %and3A_319 : i32 to index
            %parallel_loop3A_968 = arith.index_cast %parallel_loop3A_924 : i32 to index
            %parallel_loop3A_969 = arith.constant 48 : index
            %parallel_loop3A_970 = tpu.vector_load %arg13[%parallel_loop3A_967, %parallel_loop3A_968, %parallel_loop3A_969] {strides = array<i32>} : memref<2x128x64xf32, #tpu.memory_space<vmem>>, vector<1x1x16xf32>,
            %parallel_loop3A_971 = vector.shape_cast %parallel_loop3A_970 : vector<1x1x16xf32> to vector<16xf32>
            %parallel_loop3A_972 = vector.shape_cast %parallel_loop3A_966 : vector<16xf32> to vector<1x1x16xf32>
            tpu.vector_store %arg13[%parallel_loop3A_967, %parallel_loop3A_968, %parallel_loop3A_969], %parallel_loop3A_972 {strides = array<i32>} : memref<2x128x64xf32, #tpu.memory_space<vmem>>, vector<1x1x16xf32>,
            %parallel_loop3A_973 = vector.extract_strided_slice %parallel_loop3A_367 {offsets = [11], sizes = [1], strides = [1]} : vector<16xf32> to vector<1xf32>
            %parallel_loop3A_974 = vector.extract %parallel_loop3A_973[0] : f32 from vector<1xf32>
            %parallel_loop3A_975 = vector.broadcast %parallel_loop3A_974 : f32 to vector<16xf32>
            %parallel_loop3A_976 = arith.constant 16 : i32
            %parallel_loop3A_977 = arith.muli %parallel_loop3A_360, %parallel_loop3A_976 : i32
            %parallel_loop3A_978 = arith.constant 11 : i32
            %parallel_loop3A_979 = arith.addi %parallel_loop3A_977, %parallel_loop3A_978 : i32
            %parallel_loop3A_980 = arith.index_cast %and3A_319 : i32 to index
            %parallel_loop3A_981 = arith.index_cast %parallel_loop3A_979 : i32 to index
            %parallel_loop3A_982 = arith.constant 0 : index
            %parallel_loop3A_983 = tpu.vector_load %arg13[%parallel_loop3A_980, %parallel_loop3A_981, %parallel_loop3A_982] {strides = array<i32>} : memref<2x128x64xf32, #tpu.memory_space<vmem>>, vector<1x1x16xf32>,
            %parallel_loop3A_984 = vector.shape_cast %parallel_loop3A_983 : vector<1x1x16xf32> to vector<16xf32>
            %parallel_loop3A_985 = arith.mulf %parallel_loop3A_984, %parallel_loop3A_975 : vector<16xf32>
            %parallel_loop3A_986 = arith.index_cast %and3A_319 : i32 to index
            %parallel_loop3A_987 = arith.index_cast %parallel_loop3A_979 : i32 to index
            %parallel_loop3A_988 = arith.constant 0 : index
            %parallel_loop3A_989 = tpu.vector_load %arg13[%parallel_loop3A_986, %parallel_loop3A_987, %parallel_loop3A_988] {strides = array<i32>} : memref<2x128x64xf32, #tpu.memory_space<vmem>>, vector<1x1x16xf32>,
            %parallel_loop3A_990 = vector.shape_cast %parallel_loop3A_989 : vector<1x1x16xf32> to vector<16xf32>
            %parallel_loop3A_991 = vector.shape_cast %parallel_loop3A_985 : vector<16xf32> to vector<1x1x16xf32>
            tpu.vector_store %arg13[%parallel_loop3A_986, %parallel_loop3A_987, %parallel_loop3A_988], %parallel_loop3A_991 {strides = array<i32>} : memref<2x128x64xf32, #tpu.memory_space<vmem>>, vector<1x1x16xf32>,
            %parallel_loop3A_992 = arith.index_cast %and3A_319 : i32 to index
            %parallel_loop3A_993 = arith.index_cast %parallel_loop3A_979 : i32 to index
            %parallel_loop3A_994 = arith.constant 16 : index
            %parallel_loop3A_995 = tpu.vector_load %arg13[%parallel_loop3A_992, %parallel_loop3A_993, %parallel_loop3A_994] {strides = array<i32>} : memref<2x128x64xf32, #tpu.memory_space<vmem>>, vector<1x1x16xf32>,
            %parallel_loop3A_996 = vector.shape_cast %parallel_loop3A_995 : vector<1x1x16xf32> to vector<16xf32>
            %parallel_loop3A_997 = arith.mulf %parallel_loop3A_996, %parallel_loop3A_975 : vector<16xf32>
            %parallel_loop3A_998 = arith.index_cast %and3A_319 : i32 to index
            %parallel_loop3A_999 = arith.index_cast %parallel_loop3A_979 : i32 to index
            %parallel_loop3A_1000 = arith.constant 16 : index
            %parallel_loop3A_1001 = tpu.vector_load %arg13[%parallel_loop3A_998, %parallel_loop3A_999, %parallel_loop3A_1000] {strides = array<i32>} : memref<2x128x64xf32, #tpu.memory_space<vmem>>, vector<1x1x16xf32>,
            %parallel_loop3A_1002 = vector.shape_cast %parallel_loop3A_1001 : vector<1x1x16xf32> to vector<16xf32>
            %parallel_loop3A_1003 = vector.shape_cast %parallel_loop3A_997 : vector<16xf32> to vector<1x1x16xf32>
            tpu.vector_store %arg13[%parallel_loop3A_998, %parallel_loop3A_999, %parallel_loop3A_1000], %parallel_loop3A_1003 {strides = array<i32>} : memref<2x128x64xf32, #tpu.memory_space<vmem>>, vector<1x1x16xf32>,
            %parallel_loop3A_1004 = arith.index_cast %and3A_319 : i32 to index
            %parallel_loop3A_1005 = arith.index_cast %parallel_loop3A_979 : i32 to index
            %parallel_loop3A_1006 = arith.constant 32 : index
            %parallel_loop3A_1007 = tpu.vector_load %arg13[%parallel_loop3A_1004, %parallel_loop3A_1005, %parallel_loop3A_1006] {strides = array<i32>} : memref<2x128x64xf32, #tpu.memory_space<vmem>>, vector<1x1x16xf32>,
            %parallel_loop3A_1008 = vector.shape_cast %parallel_loop3A_1007 : vector<1x1x16xf32> to vector<16xf32>
            %parallel_loop3A_1009 = arith.mulf %parallel_loop3A_1008, %parallel_loop3A_975 : vector<16xf32>
            %parallel_loop3A_1010 = arith.index_cast %and3A_319 : i32 to index
            %parallel_loop3A_1011 = arith.index_cast %parallel_loop3A_979 : i32 to index
            %parallel_loop3A_1012 = arith.constant 32 : index
            %parallel_loop3A_1013 = tpu.vector_load %arg13[%parallel_loop3A_1010, %parallel_loop3A_1011, %parallel_loop3A_1012] {strides = array<i32>} : memref<2x128x64xf32, #tpu.memory_space<vmem>>, vector<1x1x16xf32>,
            %parallel_loop3A_1014 = vector.shape_cast %parallel_loop3A_1013 : vector<1x1x16xf32> to vector<16xf32>
            %parallel_loop3A_1015 = vector.shape_cast %parallel_loop3A_1009 : vector<16xf32> to vector<1x1x16xf32>
            tpu.vector_store %arg13[%parallel_loop3A_1010, %parallel_loop3A_1011, %parallel_loop3A_1012], %parallel_loop3A_1015 {strides = array<i32>} : memref<2x128x64xf32, #tpu.memory_space<vmem>>, vector<1x1x16xf32>,
            %parallel_loop3A_1016 = arith.index_cast %and3A_319 : i32 to index
            %parallel_loop3A_1017 = arith.index_cast %parallel_loop3A_979 : i32 to index
            %parallel_loop3A_1018 = arith.constant 48 : index
            %parallel_loop3A_1019 = tpu.vector_load %arg13[%parallel_loop3A_1016, %parallel_loop3A_1017, %parallel_loop3A_1018] {strides = array<i32>} : memref<2x128x64xf32, #tpu.memory_space<vmem>>, vector<1x1x16xf32>,
            %parallel_loop3A_1020 = vector.shape_cast %parallel_loop3A_1019 : vector<1x1x16xf32> to vector<16xf32>
            %parallel_loop3A_1021 = arith.mulf %parallel_loop3A_1020, %parallel_loop3A_975 : vector<16xf32>
            %parallel_loop3A_1022 = arith.index_cast %and3A_319 : i32 to index
            %parallel_loop3A_1023 = arith.index_cast %parallel_loop3A_979 : i32 to index
            %parallel_loop3A_1024 = arith.constant 48 : index
            %parallel_loop3A_1025 = tpu.vector_load %arg13[%parallel_loop3A_1022, %parallel_loop3A_1023, %parallel_loop3A_1024] {strides = array<i32>} : memref<2x128x64xf32, #tpu.memory_space<vmem>>, vector<1x1x16xf32>,
            %parallel_loop3A_1026 = vector.shape_cast %parallel_loop3A_1025 : vector<1x1x16xf32> to vector<16xf32>
            %parallel_loop3A_1027 = vector.shape_cast %parallel_loop3A_1021 : vector<16xf32> to vector<1x1x16xf32>
            tpu.vector_store %arg13[%parallel_loop3A_1022, %parallel_loop3A_1023, %parallel_loop3A_1024], %parallel_loop3A_1027 {strides = array<i32>} : memref<2x128x64xf32, #tpu.memory_space<vmem>>, vector<1x1x16xf32>,
            %parallel_loop3A_1028 = vector.extract_strided_slice %parallel_loop3A_367 {offsets = [12], sizes = [1], strides = [1]} : vector<16xf32> to vector<1xf32>
            %parallel_loop3A_1029 = vector.extract %parallel_loop3A_1028[0] : f32 from vector<1xf32>
            %parallel_loop3A_1030 = vector.broadcast %parallel_loop3A_1029 : f32 to vector<16xf32>
            %parallel_loop3A_1031 = arith.constant 16 : i32
            %parallel_loop3A_1032 = arith.muli %parallel_loop3A_360, %parallel_loop3A_1031 : i32
            %parallel_loop3A_1033 = arith.constant 12 : i32
            %parallel_loop3A_1034 = arith.addi %parallel_loop3A_1032, %parallel_loop3A_1033 : i32
            %parallel_loop3A_1035 = arith.index_cast %and3A_319 : i32 to index
            %parallel_loop3A_1036 = arith.index_cast %parallel_loop3A_1034 : i32 to index
            %parallel_loop3A_1037 = arith.constant 0 : index
            %parallel_loop3A_1038 = tpu.vector_load %arg13[%parallel_loop3A_1035, %parallel_loop3A_1036, %parallel_loop3A_1037] {strides = array<i32>} : memref<2x128x64xf32, #tpu.memory_space<vmem>>, vector<1x1x16xf32>,
            %parallel_loop3A_1039 = vector.shape_cast %parallel_loop3A_1038 : vector<1x1x16xf32> to vector<16xf32>
            %parallel_loop3A_1040 = arith.mulf %parallel_loop3A_1039, %parallel_loop3A_1030 : vector<16xf32>
            %parallel_loop3A_1041 = arith.index_cast %and3A_319 : i32 to index
            %parallel_loop3A_1042 = arith.index_cast %parallel_loop3A_1034 : i32 to index
            %parallel_loop3A_1043 = arith.constant 0 : index
            %parallel_loop3A_1044 = tpu.vector_load %arg13[%parallel_loop3A_1041, %parallel_loop3A_1042, %parallel_loop3A_1043] {strides = array<i32>} : memref<2x128x64xf32, #tpu.memory_space<vmem>>, vector<1x1x16xf32>,
            %parallel_loop3A_1045 = vector.shape_cast %parallel_loop3A_1044 : vector<1x1x16xf32> to vector<16xf32>
            %parallel_loop3A_1046 = vector.shape_cast %parallel_loop3A_1040 : vector<16xf32> to vector<1x1x16xf32>
            tpu.vector_store %arg13[%parallel_loop3A_1041, %parallel_loop3A_1042, %parallel_loop3A_1043], %parallel_loop3A_1046 {strides = array<i32>} : memref<2x128x64xf32, #tpu.memory_space<vmem>>, vector<1x1x16xf32>,
            %parallel_loop3A_1047 = arith.index_cast %and3A_319 : i32 to index
            %parallel_loop3A_1048 = arith.index_cast %parallel_loop3A_1034 : i32 to index
            %parallel_loop3A_1049 = arith.constant 16 : index
            %parallel_loop3A_1050 = tpu.vector_load %arg13[%parallel_loop3A_1047, %parallel_loop3A_1048, %parallel_loop3A_1049] {strides = array<i32>} : memref<2x128x64xf32, #tpu.memory_space<vmem>>, vector<1x1x16xf32>,
            %parallel_loop3A_1051 = vector.shape_cast %parallel_loop3A_1050 : vector<1x1x16xf32> to vector<16xf32>
            %parallel_loop3A_1052 = arith.mulf %parallel_loop3A_1051, %parallel_loop3A_1030 : vector<16xf32>
            %parallel_loop3A_1053 = arith.index_cast %and3A_319 : i32 to index
            %parallel_loop3A_1054 = arith.index_cast %parallel_loop3A_1034 : i32 to index
            %parallel_loop3A_1055 = arith.constant 16 : index
            %parallel_loop3A_1056 = tpu.vector_load %arg13[%parallel_loop3A_1053, %parallel_loop3A_1054, %parallel_loop3A_1055] {strides = array<i32>} : memref<2x128x64xf32, #tpu.memory_space<vmem>>, vector<1x1x16xf32>,
            %parallel_loop3A_1057 = vector.shape_cast %parallel_loop3A_1056 : vector<1x1x16xf32> to vector<16xf32>
            %parallel_loop3A_1058 = vector.shape_cast %parallel_loop3A_1052 : vector<16xf32> to vector<1x1x16xf32>
            tpu.vector_store %arg13[%parallel_loop3A_1053, %parallel_loop3A_1054, %parallel_loop3A_1055], %parallel_loop3A_1058 {strides = array<i32>} : memref<2x128x64xf32, #tpu.memory_space<vmem>>, vector<1x1x16xf32>,
            %parallel_loop3A_1059 = arith.index_cast %and3A_319 : i32 to index
            %parallel_loop3A_1060 = arith.index_cast %parallel_loop3A_1034 : i32 to index
            %parallel_loop3A_1061 = arith.constant 32 : index
            %parallel_loop3A_1062 = tpu.vector_load %arg13[%parallel_loop3A_1059, %parallel_loop3A_1060, %parallel_loop3A_1061] {strides = array<i32>} : memref<2x128x64xf32, #tpu.memory_space<vmem>>, vector<1x1x16xf32>,
            %parallel_loop3A_1063 = vector.shape_cast %parallel_loop3A_1062 : vector<1x1x16xf32> to vector<16xf32>
            %parallel_loop3A_1064 = arith.mulf %parallel_loop3A_1063, %parallel_loop3A_1030 : vector<16xf32>
            %parallel_loop3A_1065 = arith.index_cast %and3A_319 : i32 to index
            %parallel_loop3A_1066 = arith.index_cast %parallel_loop3A_1034 : i32 to index
            %parallel_loop3A_1067 = arith.constant 32 : index
            %parallel_loop3A_1068 = tpu.vector_load %arg13[%parallel_loop3A_1065, %parallel_loop3A_1066, %parallel_loop3A_1067] {strides = array<i32>} : memref<2x128x64xf32, #tpu.memory_space<vmem>>, vector<1x1x16xf32>,
            %parallel_loop3A_1069 = vector.shape_cast %parallel_loop3A_1068 : vector<1x1x16xf32> to vector<16xf32>
            %parallel_loop3A_1070 = vector.shape_cast %parallel_loop3A_1064 : vector<16xf32> to vector<1x1x16xf32>
            tpu.vector_store %arg13[%parallel_loop3A_1065, %parallel_loop3A_1066, %parallel_loop3A_1067], %parallel_loop3A_1070 {strides = array<i32>} : memref<2x128x64xf32, #tpu.memory_space<vmem>>, vector<1x1x16xf32>,
            %parallel_loop3A_1071 = arith.index_cast %and3A_319 : i32 to index
            %parallel_loop3A_1072 = arith.index_cast %parallel_loop3A_1034 : i32 to index
            %parallel_loop3A_1073 = arith.constant 48 : index
            %parallel_loop3A_1074 = tpu.vector_load %arg13[%parallel_loop3A_1071, %parallel_loop3A_1072, %parallel_loop3A_1073] {strides = array<i32>} : memref<2x128x64xf32, #tpu.memory_space<vmem>>, vector<1x1x16xf32>,
            %parallel_loop3A_1075 = vector.shape_cast %parallel_loop3A_1074 : vector<1x1x16xf32> to vector<16xf32>
            %parallel_loop3A_1076 = arith.mulf %parallel_loop3A_1075, %parallel_loop3A_1030 : vector<16xf32>
            %parallel_loop3A_1077 = arith.index_cast %and3A_319 : i32 to index
            %parallel_loop3A_1078 = arith.index_cast %parallel_loop3A_1034 : i32 to index
            %parallel_loop3A_1079 = arith.constant 48 : index
            %parallel_loop3A_1080 = tpu.vector_load %arg13[%parallel_loop3A_1077, %parallel_loop3A_1078, %parallel_loop3A_1079] {strides = array<i32>} : memref<2x128x64xf32, #tpu.memory_space<vmem>>, vector<1x1x16xf32>,
            %parallel_loop3A_1081 = vector.shape_cast %parallel_loop3A_1080 : vector<1x1x16xf32> to vector<16xf32>
            %parallel_loop3A_1082 = vector.shape_cast %parallel_loop3A_1076 : vector<16xf32> to vector<1x1x16xf32>
            tpu.vector_store %arg13[%parallel_loop3A_1077, %parallel_loop3A_1078, %parallel_loop3A_1079], %parallel_loop3A_1082 {strides = array<i32>} : memref<2x128x64xf32, #tpu.memory_space<vmem>>, vector<1x1x16xf32>,
            %parallel_loop3A_1083 = vector.extract_strided_slice %parallel_loop3A_367 {offsets = [13], sizes = [1], strides = [1]} : vector<16xf32> to vector<1xf32>
            %parallel_loop3A_1084 = vector.extract %parallel_loop3A_1083[0] : f32 from vector<1xf32>
            %parallel_loop3A_1085 = vector.broadcast %parallel_loop3A_1084 : f32 to vector<16xf32>
            %parallel_loop3A_1086 = arith.constant 16 : i32
            %parallel_loop3A_1087 = arith.muli %parallel_loop3A_360, %parallel_loop3A_1086 : i32
            %parallel_loop3A_1088 = arith.constant 13 : i32
            %parallel_loop3A_1089 = arith.addi %parallel_loop3A_1087, %parallel_loop3A_1088 : i32
            %parallel_loop3A_1090 = arith.index_cast %and3A_319 : i32 to index
            %parallel_loop3A_1091 = arith.index_cast %parallel_loop3A_1089 : i32 to index
            %parallel_loop3A_1092 = arith.constant 0 : index
            %parallel_loop3A_1093 = tpu.vector_load %arg13[%parallel_loop3A_1090, %parallel_loop3A_1091, %parallel_loop3A_1092] {strides = array<i32>} : memref<2x128x64xf32, #tpu.memory_space<vmem>>, vector<1x1x16xf32>,
            %parallel_loop3A_1094 = vector.shape_cast %parallel_loop3A_1093 : vector<1x1x16xf32> to vector<16xf32>
            %parallel_loop3A_1095 = arith.mulf %parallel_loop3A_1094, %parallel_loop3A_1085 : vector<16xf32>
            %parallel_loop3A_1096 = arith.index_cast %and3A_319 : i32 to index
            %parallel_loop3A_1097 = arith.index_cast %parallel_loop3A_1089 : i32 to index
            %parallel_loop3A_1098 = arith.constant 0 : index
            %parallel_loop3A_1099 = tpu.vector_load %arg13[%parallel_loop3A_1096, %parallel_loop3A_1097, %parallel_loop3A_1098] {strides = array<i32>} : memref<2x128x64xf32, #tpu.memory_space<vmem>>, vector<1x1x16xf32>,
            %parallel_loop3A_1100 = vector.shape_cast %parallel_loop3A_1099 : vector<1x1x16xf32> to vector<16xf32>
            %parallel_loop3A_1101 = vector.shape_cast %parallel_loop3A_1095 : vector<16xf32> to vector<1x1x16xf32>
            tpu.vector_store %arg13[%parallel_loop3A_1096, %parallel_loop3A_1097, %parallel_loop3A_1098], %parallel_loop3A_1101 {strides = array<i32>} : memref<2x128x64xf32, #tpu.memory_space<vmem>>, vector<1x1x16xf32>,
            %parallel_loop3A_1102 = arith.index_cast %and3A_319 : i32 to index
            %parallel_loop3A_1103 = arith.index_cast %parallel_loop3A_1089 : i32 to index
            %parallel_loop3A_1104 = arith.constant 16 : index
            %parallel_loop3A_1105 = tpu.vector_load %arg13[%parallel_loop3A_1102, %parallel_loop3A_1103, %parallel_loop3A_1104] {strides = array<i32>} : memref<2x128x64xf32, #tpu.memory_space<vmem>>, vector<1x1x16xf32>,
            %parallel_loop3A_1106 = vector.shape_cast %parallel_loop3A_1105 : vector<1x1x16xf32> to vector<16xf32>
            %parallel_loop3A_1107 = arith.mulf %parallel_loop3A_1106, %parallel_loop3A_1085 : vector<16xf32>
            %parallel_loop3A_1108 = arith.index_cast %and3A_319 : i32 to index
            %parallel_loop3A_1109 = arith.index_cast %parallel_loop3A_1089 : i32 to index
            %parallel_loop3A_1110 = arith.constant 16 : index
            %parallel_loop3A_1111 = tpu.vector_load %arg13[%parallel_loop3A_1108, %parallel_loop3A_1109, %parallel_loop3A_1110] {strides = array<i32>} : memref<2x128x64xf32, #tpu.memory_space<vmem>>, vector<1x1x16xf32>,
            %parallel_loop3A_1112 = vector.shape_cast %parallel_loop3A_1111 : vector<1x1x16xf32> to vector<16xf32>
            %parallel_loop3A_1113 = vector.shape_cast %parallel_loop3A_1107 : vector<16xf32> to vector<1x1x16xf32>
            tpu.vector_store %arg13[%parallel_loop3A_1108, %parallel_loop3A_1109, %parallel_loop3A_1110], %parallel_loop3A_1113 {strides = array<i32>} : memref<2x128x64xf32, #tpu.memory_space<vmem>>, vector<1x1x16xf32>,
            %parallel_loop3A_1114 = arith.index_cast %and3A_319 : i32 to index
            %parallel_loop3A_1115 = arith.index_cast %parallel_loop3A_1089 : i32 to index
            %parallel_loop3A_1116 = arith.constant 32 : index
            %parallel_loop3A_1117 = tpu.vector_load %arg13[%parallel_loop3A_1114, %parallel_loop3A_1115, %parallel_loop3A_1116] {strides = array<i32>} : memref<2x128x64xf32, #tpu.memory_space<vmem>>, vector<1x1x16xf32>,
            %parallel_loop3A_1118 = vector.shape_cast %parallel_loop3A_1117 : vector<1x1x16xf32> to vector<16xf32>
            %parallel_loop3A_1119 = arith.mulf %parallel_loop3A_1118, %parallel_loop3A_1085 : vector<16xf32>
            %parallel_loop3A_1120 = arith.index_cast %and3A_319 : i32 to index
            %parallel_loop3A_1121 = arith.index_cast %parallel_loop3A_1089 : i32 to index
            %parallel_loop3A_1122 = arith.constant 32 : index
            %parallel_loop3A_1123 = tpu.vector_load %arg13[%parallel_loop3A_1120, %parallel_loop3A_1121, %parallel_loop3A_1122] {strides = array<i32>} : memref<2x128x64xf32, #tpu.memory_space<vmem>>, vector<1x1x16xf32>,
            %parallel_loop3A_1124 = vector.shape_cast %parallel_loop3A_1123 : vector<1x1x16xf32> to vector<16xf32>
            %parallel_loop3A_1125 = vector.shape_cast %parallel_loop3A_1119 : vector<16xf32> to vector<1x1x16xf32>
            tpu.vector_store %arg13[%parallel_loop3A_1120, %parallel_loop3A_1121, %parallel_loop3A_1122], %parallel_loop3A_1125 {strides = array<i32>} : memref<2x128x64xf32, #tpu.memory_space<vmem>>, vector<1x1x16xf32>,
            %parallel_loop3A_1126 = arith.index_cast %and3A_319 : i32 to index
            %parallel_loop3A_1127 = arith.index_cast %parallel_loop3A_1089 : i32 to index
            %parallel_loop3A_1128 = arith.constant 48 : index
            %parallel_loop3A_1129 = tpu.vector_load %arg13[%parallel_loop3A_1126, %parallel_loop3A_1127, %parallel_loop3A_1128] {strides = array<i32>} : memref<2x128x64xf32, #tpu.memory_space<vmem>>, vector<1x1x16xf32>,
            %parallel_loop3A_1130 = vector.shape_cast %parallel_loop3A_1129 : vector<1x1x16xf32> to vector<16xf32>
            %parallel_loop3A_1131 = arith.mulf %parallel_loop3A_1130, %parallel_loop3A_1085 : vector<16xf32>
            %parallel_loop3A_1132 = arith.index_cast %and3A_319 : i32 to index
            %parallel_loop3A_1133 = arith.index_cast %parallel_loop3A_1089 : i32 to index
            %parallel_loop3A_1134 = arith.constant 48 : index
            %parallel_loop3A_1135 = tpu.vector_load %arg13[%parallel_loop3A_1132, %parallel_loop3A_1133, %parallel_loop3A_1134] {strides = array<i32>} : memref<2x128x64xf32, #tpu.memory_space<vmem>>, vector<1x1x16xf32>,
            %parallel_loop3A_1136 = vector.shape_cast %parallel_loop3A_1135 : vector<1x1x16xf32> to vector<16xf32>
            %parallel_loop3A_1137 = vector.shape_cast %parallel_loop3A_1131 : vector<16xf32> to vector<1x1x16xf32>
            tpu.vector_store %arg13[%parallel_loop3A_1132, %parallel_loop3A_1133, %parallel_loop3A_1134], %parallel_loop3A_1137 {strides = array<i32>} : memref<2x128x64xf32, #tpu.memory_space<vmem>>, vector<1x1x16xf32>,
            %parallel_loop3A_1138 = vector.extract_strided_slice %parallel_loop3A_367 {offsets = [14], sizes = [1], strides = [1]} : vector<16xf32> to vector<1xf32>
            %parallel_loop3A_1139 = vector.extract %parallel_loop3A_1138[0] : f32 from vector<1xf32>
            %parallel_loop3A_1140 = vector.broadcast %parallel_loop3A_1139 : f32 to vector<16xf32>
            %parallel_loop3A_1141 = arith.constant 16 : i32
            %parallel_loop3A_1142 = arith.muli %parallel_loop3A_360, %parallel_loop3A_1141 : i32
            %parallel_loop3A_1143 = arith.constant 14 : i32
            %parallel_loop3A_1144 = arith.addi %parallel_loop3A_1142, %parallel_loop3A_1143 : i32
            %parallel_loop3A_1145 = arith.index_cast %and3A_319 : i32 to index
            %parallel_loop3A_1146 = arith.index_cast %parallel_loop3A_1144 : i32 to index
            %parallel_loop3A_1147 = arith.constant 0 : index
            %parallel_loop3A_1148 = tpu.vector_load %arg13[%parallel_loop3A_1145, %parallel_loop3A_1146, %parallel_loop3A_1147] {strides = array<i32>} : memref<2x128x64xf32, #tpu.memory_space<vmem>>, vector<1x1x16xf32>,
            %parallel_loop3A_1149 = vector.shape_cast %parallel_loop3A_1148 : vector<1x1x16xf32> to vector<16xf32>
            %parallel_loop3A_1150 = arith.mulf %parallel_loop3A_1149, %parallel_loop3A_1140 : vector<16xf32>
            %parallel_loop3A_1151 = arith.index_cast %and3A_319 : i32 to index
            %parallel_loop3A_1152 = arith.index_cast %parallel_loop3A_1144 : i32 to index
            %parallel_loop3A_1153 = arith.constant 0 : index
            %parallel_loop3A_1154 = tpu.vector_load %arg13[%parallel_loop3A_1151, %parallel_loop3A_1152, %parallel_loop3A_1153] {strides = array<i32>} : memref<2x128x64xf32, #tpu.memory_space<vmem>>, vector<1x1x16xf32>,
            %parallel_loop3A_1155 = vector.shape_cast %parallel_loop3A_1154 : vector<1x1x16xf32> to vector<16xf32>
            %parallel_loop3A_1156 = vector.shape_cast %parallel_loop3A_1150 : vector<16xf32> to vector<1x1x16xf32>
            tpu.vector_store %arg13[%parallel_loop3A_1151, %parallel_loop3A_1152, %parallel_loop3A_1153], %parallel_loop3A_1156 {strides = array<i32>} : memref<2x128x64xf32, #tpu.memory_space<vmem>>, vector<1x1x16xf32>,
            %parallel_loop3A_1157 = arith.index_cast %and3A_319 : i32 to index
            %parallel_loop3A_1158 = arith.index_cast %parallel_loop3A_1144 : i32 to index
            %parallel_loop3A_1159 = arith.constant 16 : index
            %parallel_loop3A_1160 = tpu.vector_load %arg13[%parallel_loop3A_1157, %parallel_loop3A_1158, %parallel_loop3A_1159] {strides = array<i32>} : memref<2x128x64xf32, #tpu.memory_space<vmem>>, vector<1x1x16xf32>,
            %parallel_loop3A_1161 = vector.shape_cast %parallel_loop3A_1160 : vector<1x1x16xf32> to vector<16xf32>
            %parallel_loop3A_1162 = arith.mulf %parallel_loop3A_1161, %parallel_loop3A_1140 : vector<16xf32>
            %parallel_loop3A_1163 = arith.index_cast %and3A_319 : i32 to index
            %parallel_loop3A_1164 = arith.index_cast %parallel_loop3A_1144 : i32 to index
            %parallel_loop3A_1165 = arith.constant 16 : index
            %parallel_loop3A_1166 = tpu.vector_load %arg13[%parallel_loop3A_1163, %parallel_loop3A_1164, %parallel_loop3A_1165] {strides = array<i32>} : memref<2x128x64xf32, #tpu.memory_space<vmem>>, vector<1x1x16xf32>,
            %parallel_loop3A_1167 = vector.shape_cast %parallel_loop3A_1166 : vector<1x1x16xf32> to vector<16xf32>
            %parallel_loop3A_1168 = vector.shape_cast %parallel_loop3A_1162 : vector<16xf32> to vector<1x1x16xf32>
            tpu.vector_store %arg13[%parallel_loop3A_1163, %parallel_loop3A_1164, %parallel_loop3A_1165], %parallel_loop3A_1168 {strides = array<i32>} : memref<2x128x64xf32, #tpu.memory_space<vmem>>, vector<1x1x16xf32>,
            %parallel_loop3A_1169 = arith.index_cast %and3A_319 : i32 to index
            %parallel_loop3A_1170 = arith.index_cast %parallel_loop3A_1144 : i32 to index
            %parallel_loop3A_1171 = arith.constant 32 : index
            %parallel_loop3A_1172 = tpu.vector_load %arg13[%parallel_loop3A_1169, %parallel_loop3A_1170, %parallel_loop3A_1171] {strides = array<i32>} : memref<2x128x64xf32, #tpu.memory_space<vmem>>, vector<1x1x16xf32>,
            %parallel_loop3A_1173 = vector.shape_cast %parallel_loop3A_1172 : vector<1x1x16xf32> to vector<16xf32>
            %parallel_loop3A_1174 = arith.mulf %parallel_loop3A_1173, %parallel_loop3A_1140 : vector<16xf32>
            %parallel_loop3A_1175 = arith.index_cast %and3A_319 : i32 to index
            %parallel_loop3A_1176 = arith.index_cast %parallel_loop3A_1144 : i32 to index
            %parallel_loop3A_1177 = arith.constant 32 : index
            %parallel_loop3A_1178 = tpu.vector_load %arg13[%parallel_loop3A_1175, %parallel_loop3A_1176, %parallel_loop3A_1177] {strides = array<i32>} : memref<2x128x64xf32, #tpu.memory_space<vmem>>, vector<1x1x16xf32>,
            %parallel_loop3A_1179 = vector.shape_cast %parallel_loop3A_1178 : vector<1x1x16xf32> to vector<16xf32>
            %parallel_loop3A_1180 = vector.shape_cast %parallel_loop3A_1174 : vector<16xf32> to vector<1x1x16xf32>
            tpu.vector_store %arg13[%parallel_loop3A_1175, %parallel_loop3A_1176, %parallel_loop3A_1177], %parallel_loop3A_1180 {strides = array<i32>} : memref<2x128x64xf32, #tpu.memory_space<vmem>>, vector<1x1x16xf32>,
            %parallel_loop3A_1181 = arith.index_cast %and3A_319 : i32 to index
            %parallel_loop3A_1182 = arith.index_cast %parallel_loop3A_1144 : i32 to index
            %parallel_loop3A_1183 = arith.constant 48 : index
            %parallel_loop3A_1184 = tpu.vector_load %arg13[%parallel_loop3A_1181, %parallel_loop3A_1182, %parallel_loop3A_1183] {strides = array<i32>} : memref<2x128x64xf32, #tpu.memory_space<vmem>>, vector<1x1x16xf32>,
            %parallel_loop3A_1185 = vector.shape_cast %parallel_loop3A_1184 : vector<1x1x16xf32> to vector<16xf32>
            %parallel_loop3A_1186 = arith.mulf %parallel_loop3A_1185, %parallel_loop3A_1140 : vector<16xf32>
            %parallel_loop3A_1187 = arith.index_cast %and3A_319 : i32 to index
            %parallel_loop3A_1188 = arith.index_cast %parallel_loop3A_1144 : i32 to index
            %parallel_loop3A_1189 = arith.constant 48 : index
            %parallel_loop3A_1190 = tpu.vector_load %arg13[%parallel_loop3A_1187, %parallel_loop3A_1188, %parallel_loop3A_1189] {strides = array<i32>} : memref<2x128x64xf32, #tpu.memory_space<vmem>>, vector<1x1x16xf32>,
            %parallel_loop3A_1191 = vector.shape_cast %parallel_loop3A_1190 : vector<1x1x16xf32> to vector<16xf32>
            %parallel_loop3A_1192 = vector.shape_cast %parallel_loop3A_1186 : vector<16xf32> to vector<1x1x16xf32>
            tpu.vector_store %arg13[%parallel_loop3A_1187, %parallel_loop3A_1188, %parallel_loop3A_1189], %parallel_loop3A_1192 {strides = array<i32>} : memref<2x128x64xf32, #tpu.memory_space<vmem>>, vector<1x1x16xf32>,
            %parallel_loop3A_1193 = vector.extract_strided_slice %parallel_loop3A_367 {offsets = [15], sizes = [1], strides = [1]} : vector<16xf32> to vector<1xf32>
            %parallel_loop3A_1194 = vector.extract %parallel_loop3A_1193[0] : f32 from vector<1xf32>
            %parallel_loop3A_1195 = vector.broadcast %parallel_loop3A_1194 : f32 to vector<16xf32>
            %parallel_loop3A_1196 = arith.constant 16 : i32
            %parallel_loop3A_1197 = arith.muli %parallel_loop3A_360, %parallel_loop3A_1196 : i32
            %parallel_loop3A_1198 = arith.constant 15 : i32
            %parallel_loop3A_1199 = arith.addi %parallel_loop3A_1197, %parallel_loop3A_1198 : i32
            %parallel_loop3A_1200 = arith.index_cast %and3A_319 : i32 to index
            %parallel_loop3A_1201 = arith.index_cast %parallel_loop3A_1199 : i32 to index
            %parallel_loop3A_1202 = arith.constant 0 : index
            %parallel_loop3A_1203 = tpu.vector_load %arg13[%parallel_loop3A_1200, %parallel_loop3A_1201, %parallel_loop3A_1202] {strides = array<i32>} : memref<2x128x64xf32, #tpu.memory_space<vmem>>, vector<1x1x16xf32>,
            %parallel_loop3A_1204 = vector.shape_cast %parallel_loop3A_1203 : vector<1x1x16xf32> to vector<16xf32>
            %parallel_loop3A_1205 = arith.mulf %parallel_loop3A_1204, %parallel_loop3A_1195 : vector<16xf32>
            %parallel_loop3A_1206 = arith.index_cast %and3A_319 : i32 to index
            %parallel_loop3A_1207 = arith.index_cast %parallel_loop3A_1199 : i32 to index
            %parallel_loop3A_1208 = arith.constant 0 : index
            %parallel_loop3A_1209 = tpu.vector_load %arg13[%parallel_loop3A_1206, %parallel_loop3A_1207, %parallel_loop3A_1208] {strides = array<i32>} : memref<2x128x64xf32, #tpu.memory_space<vmem>>, vector<1x1x16xf32>,
            %parallel_loop3A_1210 = vector.shape_cast %parallel_loop3A_1209 : vector<1x1x16xf32> to vector<16xf32>
            %parallel_loop3A_1211 = vector.shape_cast %parallel_loop3A_1205 : vector<16xf32> to vector<1x1x16xf32>
            tpu.vector_store %arg13[%parallel_loop3A_1206, %parallel_loop3A_1207, %parallel_loop3A_1208], %parallel_loop3A_1211 {strides = array<i32>} : memref<2x128x64xf32, #tpu.memory_space<vmem>>, vector<1x1x16xf32>,
            %parallel_loop3A_1212 = arith.index_cast %and3A_319 : i32 to index
            %parallel_loop3A_1213 = arith.index_cast %parallel_loop3A_1199 : i32 to index
            %parallel_loop3A_1214 = arith.constant 16 : index
            %parallel_loop3A_1215 = tpu.vector_load %arg13[%parallel_loop3A_1212, %parallel_loop3A_1213, %parallel_loop3A_1214] {strides = array<i32>} : memref<2x128x64xf32, #tpu.memory_space<vmem>>, vector<1x1x16xf32>,
            %parallel_loop3A_1216 = vector.shape_cast %parallel_loop3A_1215 : vector<1x1x16xf32> to vector<16xf32>
            %parallel_loop3A_1217 = arith.mulf %parallel_loop3A_1216, %parallel_loop3A_1195 : vector<16xf32>
            %parallel_loop3A_1218 = arith.index_cast %and3A_319 : i32 to index
            %parallel_loop3A_1219 = arith.index_cast %parallel_loop3A_1199 : i32 to index
            %parallel_loop3A_1220 = arith.constant 16 : index
            %parallel_loop3A_1221 = tpu.vector_load %arg13[%parallel_loop3A_1218, %parallel_loop3A_1219, %parallel_loop3A_1220] {strides = array<i32>} : memref<2x128x64xf32, #tpu.memory_space<vmem>>, vector<1x1x16xf32>,
            %parallel_loop3A_1222 = vector.shape_cast %parallel_loop3A_1221 : vector<1x1x16xf32> to vector<16xf32>
            %parallel_loop3A_1223 = vector.shape_cast %parallel_loop3A_1217 : vector<16xf32> to vector<1x1x16xf32>
            tpu.vector_store %arg13[%parallel_loop3A_1218, %parallel_loop3A_1219, %parallel_loop3A_1220], %parallel_loop3A_1223 {strides = array<i32>} : memref<2x128x64xf32, #tpu.memory_space<vmem>>, vector<1x1x16xf32>,
            %parallel_loop3A_1224 = arith.index_cast %and3A_319 : i32 to index
            %parallel_loop3A_1225 = arith.index_cast %parallel_loop3A_1199 : i32 to index
            %parallel_loop3A_1226 = arith.constant 32 : index
            %parallel_loop3A_1227 = tpu.vector_load %arg13[%parallel_loop3A_1224, %parallel_loop3A_1225, %parallel_loop3A_1226] {strides = array<i32>} : memref<2x128x64xf32, #tpu.memory_space<vmem>>, vector<1x1x16xf32>,
            %parallel_loop3A_1228 = vector.shape_cast %parallel_loop3A_1227 : vector<1x1x16xf32> to vector<16xf32>
            %parallel_loop3A_1229 = arith.mulf %parallel_loop3A_1228, %parallel_loop3A_1195 : vector<16xf32>
            %parallel_loop3A_1230 = arith.index_cast %and3A_319 : i32 to index
            %parallel_loop3A_1231 = arith.index_cast %parallel_loop3A_1199 : i32 to index
            %parallel_loop3A_1232 = arith.constant 32 : index
            %parallel_loop3A_1233 = tpu.vector_load %arg13[%parallel_loop3A_1230, %parallel_loop3A_1231, %parallel_loop3A_1232] {strides = array<i32>} : memref<2x128x64xf32, #tpu.memory_space<vmem>>, vector<1x1x16xf32>,
            %parallel_loop3A_1234 = vector.shape_cast %parallel_loop3A_1233 : vector<1x1x16xf32> to vector<16xf32>
            %parallel_loop3A_1235 = vector.shape_cast %parallel_loop3A_1229 : vector<16xf32> to vector<1x1x16xf32>
            tpu.vector_store %arg13[%parallel_loop3A_1230, %parallel_loop3A_1231, %parallel_loop3A_1232], %parallel_loop3A_1235 {strides = array<i32>} : memref<2x128x64xf32, #tpu.memory_space<vmem>>, vector<1x1x16xf32>,
            %parallel_loop3A_1236 = arith.index_cast %and3A_319 : i32 to index
            %parallel_loop3A_1237 = arith.index_cast %parallel_loop3A_1199 : i32 to index
            %parallel_loop3A_1238 = arith.constant 48 : index
            %parallel_loop3A_1239 = tpu.vector_load %arg13[%parallel_loop3A_1236, %parallel_loop3A_1237, %parallel_loop3A_1238] {strides = array<i32>} : memref<2x128x64xf32, #tpu.memory_space<vmem>>, vector<1x1x16xf32>,
            %parallel_loop3A_1240 = vector.shape_cast %parallel_loop3A_1239 : vector<1x1x16xf32> to vector<16xf32>
            %parallel_loop3A_1241 = arith.mulf %parallel_loop3A_1240, %parallel_loop3A_1195 : vector<16xf32>
            %parallel_loop3A_1242 = arith.index_cast %and3A_319 : i32 to index
            %parallel_loop3A_1243 = arith.index_cast %parallel_loop3A_1199 : i32 to index
            %parallel_loop3A_1244 = arith.constant 48 : index
            %parallel_loop3A_1245 = tpu.vector_load %arg13[%parallel_loop3A_1242, %parallel_loop3A_1243, %parallel_loop3A_1244] {strides = array<i32>} : memref<2x128x64xf32, #tpu.memory_space<vmem>>, vector<1x1x16xf32>,
            %parallel_loop3A_1246 = vector.shape_cast %parallel_loop3A_1245 : vector<1x1x16xf32> to vector<16xf32>
            %parallel_loop3A_1247 = vector.shape_cast %parallel_loop3A_1241 : vector<16xf32> to vector<1x1x16xf32>
            tpu.vector_store %arg13[%parallel_loop3A_1242, %parallel_loop3A_1243, %parallel_loop3A_1244], %parallel_loop3A_1247 {strides = array<i32>} : memref<2x128x64xf32, #tpu.memory_space<vmem>>, vector<1x1x16xf32>,
          } {sc.loop_unroll_factor = 1 : i64, sc.parallel_access}
          %dma_start3A_347 = arith.constant 0 : i32
          %dma_start3A_348 = arith.constant 0 : i32
          %dma_start3A_349 = tpu.memref_slice %arg13[%and3A_319, %dma_start3A_347, %dma_start3A_348] : memref<2x128x64xf32, #tpu.memory_space<vmem>> -> memref<1x128x64xf32, #tpu.memory_space<vmem>>
          %dma_start3A_350 = tpu.memref_squeeze %dma_start3A_349 : memref<1x128x64xf32, #tpu.memory_space<vmem>> -> memref<128x64xf32, #tpu.memory_space<vmem>>
          %dma_start3A_351 = arith.constant 0 : i32
          %dma_start3A_352 = tpu.memref_slice %arg11[%and3A_196, %scan3A_316, %dma_start3A_351] : memref<2x8x128xi32, #tpu.memory_space<vmem>> -> memref<1x1x128xi32, #tpu.memory_space<vmem>>
          %dma_start3A_353 = tpu.memref_squeeze %dma_start3A_352 : memref<1x1x128xi32, #tpu.memory_space<vmem>> -> memref<128xi32, #tpu.memory_space<vmem>>
          %dma_start3A_354 = arith.constant 0 : i32
          %dma_start3A_355 = arith.constant 0 : i32
          %dma_start3A_356 = tpu.memref_slice %arg9[%dma_start3A_354, %dma_start3A_355] : memref<10240x64xf32, #tpu.memory_space<vmem_shared>> -> memref<10240x64xf32, #tpu.memory_space<vmem_shared>>
          %dma_start3A_357 = tpu.memref_slice %arg19[%and3A_319] : memref<2x!tpu.dma_semaphore, #tpu.memory_space<semaphore_mem>> -> memref<1x!tpu.dma_semaphore, #tpu.memory_space<semaphore_mem>>
          %dma_start3A_358 = tpu.memref_squeeze %dma_start3A_357 : memref<1x!tpu.dma_semaphore, #tpu.memory_space<semaphore_mem>> -> memref<!tpu.dma_semaphore, #tpu.memory_space<semaphore_mem>>
          tpu.enqueue_indirect_dma source(%dma_start3A_350 : memref<128x64xf32, #tpu.memory_space<vmem>>) target(%dma_start3A_356 : memref<10240x64xf32, #tpu.memory_space<vmem_shared>>) offsets(%dma_start3A_353 : memref<128xi32, #tpu.memory_space<vmem>>) semaphore(%dma_start3A_358 : memref<!tpu.dma_semaphore, #tpu.memory_space<semaphore_mem>>) {add = true}
          %scan3A_359 = arith.constant 0 : i32
          scf.yield %scan3A_359 : i32
        }
        %scan3A_314 = arith.constant 8 : i32
        %scan3A_315 = arith.constant 0 : i32
        scf.yield %scan3A_315 : i32
      }
      %scan3A_108 = arith.constant 20 : i32
      %and3A = arith.constant 20 : i32
      %and3A_109 = arith.constant 1 : i32
      %and3A_110 = arith.andi %and3A, %and3A_109 : i32
      %dma_wait3A = arith.constant 20 : i32
      %dma_wait3A_111 = arith.constant 0 : i32
      %dma_wait3A_112 = arith.constant 0 : i32
      %dma_wait3A_113 = tpu.memref_slice %arg10[%and3A_110, %dma_wait3A_111, %dma_wait3A_112] : memref<2x8x128xi32, #tpu.memory_space<vmem>> -> memref<1x8x128xi32, #tpu.memory_space<vmem>>
      %dma_wait3A_114 = tpu.memref_squeeze %dma_wait3A_113 : memref<1x8x128xi32, #tpu.memory_space<vmem>> -> memref<8x128xi32, #tpu.memory_space<vmem>>
      %dma_wait3A_115 = arith.constant 0 : i32
      %dma_wait3A_116 = arith.constant 0 : i32
      %dma_wait3A_117 = tpu.memref_slice %arg3[%arg1, %dma_wait3A, %dma_wait3A_115, %dma_wait3A_116] : memref<16x21x8x128xi32, #tpu.memory_space<hbm>> -> memref<1x1x8x128xi32, #tpu.memory_space<hbm>>
      %dma_wait3A_118 = tpu.memref_squeeze %dma_wait3A_117 : memref<1x1x8x128xi32, #tpu.memory_space<hbm>> -> memref<8x128xi32, #tpu.memory_space<hbm>>
      %dma_wait3A_119 = tpu.memref_slice %arg17[%and3A_110] : memref<2x!tpu.dma_semaphore, #tpu.memory_space<semaphore_mem>> -> memref<1x!tpu.dma_semaphore, #tpu.memory_space<semaphore_mem>>
      %dma_wait3A_120 = tpu.memref_squeeze %dma_wait3A_119 : memref<1x!tpu.dma_semaphore, #tpu.memory_space<semaphore_mem>> -> memref<!tpu.dma_semaphore, #tpu.memory_space<semaphore_mem>>
      %dma_wait3A_121 = arith.constant 0 : i32
      %dma_wait3A_122 = arith.constant 0 : i32
      %dma_wait3A_123 = tpu.memref_slice %arg10[%and3A_110, %dma_wait3A_121, %dma_wait3A_122] : memref<2x8x128xi32, #tpu.memory_space<vmem>> -> memref<1x8x128xi32, #tpu.memory_space<vmem>>
      %dma_wait3A_124 = tpu.memref_squeeze %dma_wait3A_123 : memref<1x8x128xi32, #tpu.memory_space<vmem>> -> memref<8x128xi32, #tpu.memory_space<vmem>>
      %dma_wait3A_125 = arith.constant 0 : i32
      %dma_wait3A_126 = arith.constant 0 : i32
      %dma_wait3A_127 = tpu.memref_slice %arg3[%arg1, %dma_wait3A, %dma_wait3A_125, %dma_wait3A_126] : memref<16x21x8x128xi32, #tpu.memory_space<hbm>> -> memref<1x1x8x128xi32, #tpu.memory_space<hbm>>
      %dma_wait3A_128 = tpu.memref_squeeze %dma_wait3A_127 : memref<1x1x8x128xi32, #tpu.memory_space<hbm>> -> memref<8x128xi32, #tpu.memory_space<hbm>>
      tpu.wait_dma2 semaphore(%dma_wait3A_120 : memref<!tpu.dma_semaphore, #tpu.memory_space<semaphore_mem>>) src(%dma_wait3A_128 : memref<8x128xi32, #tpu.memory_space<hbm>>) dst(%dma_wait3A_124 : memref<8x128xi32, #tpu.memory_space<vmem>>)
      %dma_wait3A_129 = arith.constant 20 : i32
      %dma_wait3A_130 = arith.constant 0 : i32
      %dma_wait3A_131 = arith.constant 0 : i32
      %dma_wait3A_132 = tpu.memref_slice %arg11[%and3A_110, %dma_wait3A_130, %dma_wait3A_131] : memref<2x8x128xi32, #tpu.memory_space<vmem>> -> memref<1x8x128xi32, #tpu.memory_space<vmem>>
      %dma_wait3A_133 = tpu.memref_squeeze %dma_wait3A_132 : memref<1x8x128xi32, #tpu.memory_space<vmem>> -> memref<8x128xi32, #tpu.memory_space<vmem>>
      %dma_wait3A_134 = arith.constant 0 : i32
      %dma_wait3A_135 = arith.constant 0 : i32
      %dma_wait3A_136 = tpu.memref_slice %arg4[%arg1, %dma_wait3A_129, %dma_wait3A_134, %dma_wait3A_135] : memref<16x21x8x128xi32, #tpu.memory_space<hbm>> -> memref<1x1x8x128xi32, #tpu.memory_space<hbm>>
      %dma_wait3A_137 = tpu.memref_squeeze %dma_wait3A_136 : memref<1x1x8x128xi32, #tpu.memory_space<hbm>> -> memref<8x128xi32, #tpu.memory_space<hbm>>
      %dma_wait3A_138 = tpu.memref_slice %arg17[%and3A_110] : memref<2x!tpu.dma_semaphore, #tpu.memory_space<semaphore_mem>> -> memref<1x!tpu.dma_semaphore, #tpu.memory_space<semaphore_mem>>
      %dma_wait3A_139 = tpu.memref_squeeze %dma_wait3A_138 : memref<1x!tpu.dma_semaphore, #tpu.memory_space<semaphore_mem>> -> memref<!tpu.dma_semaphore, #tpu.memory_space<semaphore_mem>>
      %dma_wait3A_140 = arith.constant 0 : i32
      %dma_wait3A_141 = arith.constant 0 : i32
      %dma_wait3A_142 = tpu.memref_slice %arg11[%and3A_110, %dma_wait3A_140, %dma_wait3A_141] : memref<2x8x128xi32, #tpu.memory_space<vmem>> -> memref<1x8x128xi32, #tpu.memory_space<vmem>>
      %dma_wait3A_143 = tpu.memref_squeeze %dma_wait3A_142 : memref<1x8x128xi32, #tpu.memory_space<vmem>> -> memref<8x128xi32, #tpu.memory_space<vmem>>
      %dma_wait3A_144 = arith.constant 0 : i32
      %dma_wait3A_145 = arith.constant 0 : i32
      %dma_wait3A_146 = tpu.memref_slice %arg4[%arg1, %dma_wait3A_129, %dma_wait3A_144, %dma_wait3A_145] : memref<16x21x8x128xi32, #tpu.memory_space<hbm>> -> memref<1x1x8x128xi32, #tpu.memory_space<hbm>>
      %dma_wait3A_147 = tpu.memref_squeeze %dma_wait3A_146 : memref<1x1x8x128xi32, #tpu.memory_space<hbm>> -> memref<8x128xi32, #tpu.memory_space<hbm>>
      tpu.wait_dma2 semaphore(%dma_wait3A_139 : memref<!tpu.dma_semaphore, #tpu.memory_space<semaphore_mem>>) src(%dma_wait3A_147 : memref<8x128xi32, #tpu.memory_space<hbm>>) dst(%dma_wait3A_143 : memref<8x128xi32, #tpu.memory_space<vmem>>)
      %dma_wait3A_148 = arith.constant 20 : i32
      %dma_wait3A_149 = arith.constant 0 : i32
      %dma_wait3A_150 = arith.constant 0 : i32
      %dma_wait3A_151 = tpu.memref_slice %arg12[%and3A_110, %dma_wait3A_149, %dma_wait3A_150] : memref<2x8x128xf32, #tpu.memory_space<vmem>> -> memref<1x8x128xf32, #tpu.memory_space<vmem>>
      %dma_wait3A_152 = tpu.memref_squeeze %dma_wait3A_151 : memref<1x8x128xf32, #tpu.memory_space<vmem>> -> memref<8x128xf32, #tpu.memory_space<vmem>>
      %dma_wait3A_153 = arith.constant 0 : i32
      %dma_wait3A_154 = arith.constant 0 : i32
      %dma_wait3A_155 = tpu.memref_slice %arg5[%arg1, %dma_wait3A_148, %dma_wait3A_153, %dma_wait3A_154] : memref<16x21x8x128xf32, #tpu.memory_space<hbm>> -> memref<1x1x8x128xf32, #tpu.memory_space<hbm>>
      %dma_wait3A_156 = tpu.memref_squeeze %dma_wait3A_155 : memref<1x1x8x128xf32, #tpu.memory_space<hbm>> -> memref<8x128xf32, #tpu.memory_space<hbm>>
      %dma_wait3A_157 = tpu.memref_slice %arg17[%and3A_110] : memref<2x!tpu.dma_semaphore, #tpu.memory_space<semaphore_mem>> -> memref<1x!tpu.dma_semaphore, #tpu.memory_space<semaphore_mem>>
      %dma_wait3A_158 = tpu.memref_squeeze %dma_wait3A_157 : memref<1x!tpu.dma_semaphore, #tpu.memory_space<semaphore_mem>> -> memref<!tpu.dma_semaphore, #tpu.memory_space<semaphore_mem>>
      %dma_wait3A_159 = arith.constant 0 : i32
      %dma_wait3A_160 = arith.constant 0 : i32
      %dma_wait3A_161 = tpu.memref_slice %arg12[%and3A_110, %dma_wait3A_159, %dma_wait3A_160] : memref<2x8x128xf32, #tpu.memory_space<vmem>> -> memref<1x8x128xf32, #tpu.memory_space<vmem>>
      %dma_wait3A_162 = tpu.memref_squeeze %dma_wait3A_161 : memref<1x8x128xf32, #tpu.memory_space<vmem>> -> memref<8x128xf32, #tpu.memory_space<vmem>>
      %dma_wait3A_163 = arith.constant 0 : i32
      %dma_wait3A_164 = arith.constant 0 : i32
      %dma_wait3A_165 = tpu.memref_slice %arg5[%arg1, %dma_wait3A_148, %dma_wait3A_163, %dma_wait3A_164] : memref<16x21x8x128xf32, #tpu.memory_space<hbm>> -> memref<1x1x8x128xf32, #tpu.memory_space<hbm>>
      %dma_wait3A_166 = tpu.memref_squeeze %dma_wait3A_165 : memref<1x1x8x128xf32, #tpu.memory_space<hbm>> -> memref<8x128xf32, #tpu.memory_space<hbm>>
      tpu.wait_dma2 semaphore(%dma_wait3A_158 : memref<!tpu.dma_semaphore, #tpu.memory_space<semaphore_mem>>) src(%dma_wait3A_166 : memref<8x128xf32, #tpu.memory_space<hbm>>) dst(%dma_wait3A_162 : memref<8x128xf32, #tpu.memory_space<vmem>>)
      %and3A_167 = arith.constant 159 : i32
      %and3A_168 = arith.constant 1 : i32
      %and3A_169 = arith.andi %and3A_167, %and3A_168 : i32
      %dma_wait3A_170 = arith.constant 0 : i32
      %dma_wait3A_171 = arith.constant 0 : i32
      %dma_wait3A_172 = arith.constant 0 : i32
      %dma_wait3A_173 = arith.constant 0 : i32
      %dma_wait3A_174 = tpu.memref_slice %arg13[%and3A_169, %dma_wait3A_172, %dma_wait3A_173] : memref<2x128x64xf32, #tpu.memory_space<vmem>> -> memref<1x128x64xf32, #tpu.memory_space<vmem>>
      %dma_wait3A_175 = tpu.memref_squeeze %dma_wait3A_174 : memref<1x128x64xf32, #tpu.memory_space<vmem>> -> memref<128x64xf32, #tpu.memory_space<vmem>>
      %dma_wait3A_176 = arith.constant 0 : i32
      %dma_wait3A_177 = tpu.memref_slice %arg11[%dma_wait3A_170, %dma_wait3A_171, %dma_wait3A_176] : memref<2x8x128xi32, #tpu.memory_space<vmem>> -> memref<1x1x128xi32, #tpu.memory_space<vmem>>
      %dma_wait3A_178 = tpu.memref_squeeze %dma_wait3A_177 : memref<1x1x128xi32, #tpu.memory_space<vmem>> -> memref<128xi32, #tpu.memory_space<vmem>>
      %dma_wait3A_179 = arith.constant 0 : i32
      %dma_wait3A_180 = arith.constant 0 : i32
      %dma_wait3A_181 = tpu.memref_slice %arg9[%dma_wait3A_179, %dma_wait3A_180] : memref<10240x64xf32, #tpu.memory_space<vmem_shared>> -> memref<10240x64xf32, #tpu.memory_space<vmem_shared>>
      %dma_wait3A_182 = tpu.memref_slice %arg19[%and3A_169] : memref<2x!tpu.dma_semaphore, #tpu.memory_space<semaphore_mem>> -> memref<1x!tpu.dma_semaphore, #tpu.memory_space<semaphore_mem>>
      %dma_wait3A_183 = tpu.memref_squeeze %dma_wait3A_182 : memref<1x!tpu.dma_semaphore, #tpu.memory_space<semaphore_mem>> -> memref<!tpu.dma_semaphore, #tpu.memory_space<semaphore_mem>>
      tpu.wait_indirect_dma semaphore(%dma_wait3A_183 : memref<!tpu.dma_semaphore, #tpu.memory_space<semaphore_mem>>) src(%dma_wait3A_175 : memref<128x64xf32, #tpu.memory_space<vmem>>) dst(%dma_wait3A_181 : memref<10240x64xf32, #tpu.memory_space<vmem_shared>>)
      %barrier3A_184 = arith.constant 0 : index
      tpu.barrier barrier_id(%barrier3A_184)
      %scan3A_185 = arith.constant 0 : i32
      %scan3A_186 = arith.constant 0 : i32
      %scan3A_187 = arith.constant 5 : i32
      %scan3A_188 = arith.addi %scan3A_186, %scan3A_187 : i32
      %scan3A_189 = arith.constant 1 : i32
      %scan3A_190 = scf.for %scan3A_193 = %scan3A_186 to %scan3A_188 step %scan3A_189 iter_args(%scan3A_194 = %scan3A_185) -> (i32)  : i32 {
        %mul3A_195 = arith.constant 128 : i32
        %mul3A_196 = arith.muli %scan3A_193, %mul3A_195 : i32
        %add3A_197 = arith.addi %mul3A_0, %mul3A_196 : i32
        "tpu.region"() ({
          %run_scoped3A = tpu.sem_alloc : memref<!tpu.dma_semaphore, #tpu.memory_space<semaphore_mem>>
          %dma_start3A_206 = arith.constant 0 : i32
          %dma_start3A_207 = tpu.memref_slice %arg8[%add3A_197, %dma_start3A_206] : memref<10240x64xf32, #tpu.memory_space<vmem_shared>> -> memref<128x64xf32, #tpu.memory_space<vmem_shared>>
          %dma_start3A_208 = arith.constant 0 : i32
          %dma_start3A_209 = tpu.memref_slice %arg8[%add3A_197, %dma_start3A_208] : memref<10240x64xf32, #tpu.memory_space<vmem_shared>> -> memref<128x64xf32, #tpu.memory_space<vmem_shared>>
          tpu.enqueue_dma source(%dma_start3A_209 : memref<128x64xf32, #tpu.memory_space<vmem_shared>>) target(%arg14 : memref<128x64xf32, #tpu.memory_space<vmem>>) target_semaphore(%run_scoped3A : memref<!tpu.dma_semaphore, #tpu.memory_space<semaphore_mem>>)
          %dma_wait3A_210 = arith.constant 0 : i32
          %dma_wait3A_211 = tpu.memref_slice %arg8[%add3A_197, %dma_wait3A_210] : memref<10240x64xf32, #tpu.memory_space<vmem_shared>> -> memref<128x64xf32, #tpu.memory_space<vmem_shared>>
          %dma_wait3A_212 = arith.constant 0 : i32
          %dma_wait3A_213 = tpu.memref_slice %arg8[%add3A_197, %dma_wait3A_212] : memref<10240x64xf32, #tpu.memory_space<vmem_shared>> -> memref<128x64xf32, #tpu.memory_space<vmem_shared>>
          tpu.wait_dma2 semaphore(%run_scoped3A : memref<!tpu.dma_semaphore, #tpu.memory_space<semaphore_mem>>) src(%dma_wait3A_213 : memref<128x64xf32, #tpu.memory_space<vmem_shared>>) dst(%arg14 : memref<128x64xf32, #tpu.memory_space<vmem>>)
          tpu.yield
        }) : () -> ()
        "tpu.region"() ({
          %run_scoped3A = tpu.sem_alloc : memref<!tpu.dma_semaphore, #tpu.memory_space<semaphore_mem>>
          %dma_start3A_206 = arith.constant 0 : i32
          %dma_start3A_207 = tpu.memref_slice %arg9[%add3A_197, %dma_start3A_206] : memref<10240x64xf32, #tpu.memory_space<vmem_shared>> -> memref<128x64xf32, #tpu.memory_space<vmem_shared>>
          %dma_start3A_208 = arith.constant 0 : i32
          %dma_start3A_209 = tpu.memref_slice %arg9[%add3A_197, %dma_start3A_208] : memref<10240x64xf32, #tpu.memory_space<vmem_shared>> -> memref<128x64xf32, #tpu.memory_space<vmem_shared>>
          tpu.enqueue_dma source(%dma_start3A_209 : memref<128x64xf32, #tpu.memory_space<vmem_shared>>) target(%arg15 : memref<128x64xf32, #tpu.memory_space<vmem>>) target_semaphore(%run_scoped3A : memref<!tpu.dma_semaphore, #tpu.memory_space<semaphore_mem>>)
          %dma_wait3A_210 = arith.constant 0 : i32
          %dma_wait3A_211 = tpu.memref_slice %arg9[%add3A_197, %dma_wait3A_210] : memref<10240x64xf32, #tpu.memory_space<vmem_shared>> -> memref<128x64xf32, #tpu.memory_space<vmem_shared>>
          %dma_wait3A_212 = arith.constant 0 : i32
          %dma_wait3A_213 = tpu.memref_slice %arg9[%add3A_197, %dma_wait3A_212] : memref<10240x64xf32, #tpu.memory_space<vmem_shared>> -> memref<128x64xf32, #tpu.memory_space<vmem_shared>>
          tpu.wait_dma2 semaphore(%run_scoped3A : memref<!tpu.dma_semaphore, #tpu.memory_space<semaphore_mem>>) src(%dma_wait3A_213 : memref<128x64xf32, #tpu.memory_space<vmem_shared>>) dst(%arg15 : memref<128x64xf32, #tpu.memory_space<vmem>>)
          tpu.yield
        }) : () -> ()
        %scan3A_198 = arith.constant 0 : i32
        %scan3A_199 = arith.constant 0 : i32
        %scan3A_200 = arith.constant 128 : i32
        %scan3A_201 = arith.addi %scan3A_199, %scan3A_200 : i32
        %scan3A_202 = arith.constant 1 : i32
        %scan3A_203 = scf.for %scan3A_206 = %scan3A_199 to %scan3A_201 step %scan3A_202 iter_args(%scan3A_207 = %scan3A_198) -> (i32)  : i32 {
          %get3A_208 = arith.index_cast %scan3A_206 : i32 to index
          %get3A_209 = arith.constant 0 : index
          %get3A_210 = tpu.vector_load %arg14[%get3A_208, %get3A_209] {strides = array<i32>} : memref<128x64xf32, #tpu.memory_space<vmem>>, vector<1x16xf32>,
          %get3A_211 = vector.shape_cast %get3A_210 : vector<1x16xf32> to vector<16xf32>
          %get3A_212 = arith.index_cast %scan3A_206 : i32 to index
          %get3A_213 = arith.constant 0 : index
          %get3A_214 = tpu.vector_load %arg15[%get3A_212, %get3A_213] {strides = array<i32>} : memref<128x64xf32, #tpu.memory_space<vmem>>, vector<1x16xf32>,
          %get3A_215 = vector.shape_cast %get3A_214 : vector<1x16xf32> to vector<16xf32>
          %sub3A = arith.subf %get3A_215, %get3A_211 : vector<16xf32>
          %mul3A_216 = arith.mulf %div3A_11, %sub3A : vector<16xf32>
          %add3A_217 = arith.addf %get3A_211, %mul3A_216 : vector<16xf32>
          %swap3A = arith.index_cast %scan3A_206 : i32 to index
          %swap3A_218 = arith.constant 0 : index
          %swap3A_219 = tpu.vector_load %arg14[%swap3A, %swap3A_218] {strides = array<i32>} : memref<128x64xf32, #tpu.memory_space<vmem>>, vector<1x16xf32>,
          %swap3A_220 = vector.shape_cast %swap3A_219 : vector<1x16xf32> to vector<16xf32>
          %swap3A_221 = vector.shape_cast %add3A_217 : vector<16xf32> to vector<1x16xf32>
          tpu.vector_store %arg14[%swap3A, %swap3A_218], %swap3A_221 {strides = array<i32>} : memref<128x64xf32, #tpu.memory_space<vmem>>, vector<1x16xf32>,
          %swap3A_222 = arith.index_cast %scan3A_206 : i32 to index
          %swap3A_223 = arith.constant 0 : index
          %swap3A_224 = tpu.vector_load %arg15[%swap3A_222, %swap3A_223] {strides = array<i32>} : memref<128x64xf32, #tpu.memory_space<vmem>>, vector<1x16xf32>,
          %swap3A_225 = vector.shape_cast %swap3A_224 : vector<1x16xf32> to vector<16xf32>
          %swap3A_226 = vector.shape_cast %broadcast_in_dim3A_12 : vector<16xf32> to vector<1x16xf32>
          tpu.vector_store %arg15[%swap3A_222, %swap3A_223], %swap3A_226 {strides = array<i32>} : memref<128x64xf32, #tpu.memory_space<vmem>>, vector<1x16xf32>,
          %get3A_227 = arith.index_cast %scan3A_206 : i32 to index
          %get3A_228 = arith.constant 16 : index
          %get3A_229 = tpu.vector_load %arg14[%get3A_227, %get3A_228] {strides = array<i32>} : memref<128x64xf32, #tpu.memory_space<vmem>>, vector<1x16xf32>,
          %get3A_230 = vector.shape_cast %get3A_229 : vector<1x16xf32> to vector<16xf32>
          %get3A_231 = arith.index_cast %scan3A_206 : i32 to index
          %get3A_232 = arith.constant 16 : index
          %get3A_233 = tpu.vector_load %arg15[%get3A_231, %get3A_232] {strides = array<i32>} : memref<128x64xf32, #tpu.memory_space<vmem>>, vector<1x16xf32>,
          %get3A_234 = vector.shape_cast %get3A_233 : vector<1x16xf32> to vector<16xf32>
          %sub3A_235 = arith.subf %get3A_234, %get3A_230 : vector<16xf32>
          %mul3A_236 = arith.mulf %div3A_11, %sub3A_235 : vector<16xf32>
          %add3A_237 = arith.addf %get3A_230, %mul3A_236 : vector<16xf32>
          %swap3A_238 = arith.index_cast %scan3A_206 : i32 to index
          %swap3A_239 = arith.constant 16 : index
          %swap3A_240 = tpu.vector_load %arg14[%swap3A_238, %swap3A_239] {strides = array<i32>} : memref<128x64xf32, #tpu.memory_space<vmem>>, vector<1x16xf32>,
          %swap3A_241 = vector.shape_cast %swap3A_240 : vector<1x16xf32> to vector<16xf32>
          %swap3A_242 = vector.shape_cast %add3A_237 : vector<16xf32> to vector<1x16xf32>
          tpu.vector_store %arg14[%swap3A_238, %swap3A_239], %swap3A_242 {strides = array<i32>} : memref<128x64xf32, #tpu.memory_space<vmem>>, vector<1x16xf32>,
          %swap3A_243 = arith.index_cast %scan3A_206 : i32 to index
          %swap3A_244 = arith.constant 16 : index
          %swap3A_245 = tpu.vector_load %arg15[%swap3A_243, %swap3A_244] {strides = array<i32>} : memref<128x64xf32, #tpu.memory_space<vmem>>, vector<1x16xf32>,
          %swap3A_246 = vector.shape_cast %swap3A_245 : vector<1x16xf32> to vector<16xf32>
          %swap3A_247 = vector.shape_cast %broadcast_in_dim3A_12 : vector<16xf32> to vector<1x16xf32>
          tpu.vector_store %arg15[%swap3A_243, %swap3A_244], %swap3A_247 {strides = array<i32>} : memref<128x64xf32, #tpu.memory_space<vmem>>, vector<1x16xf32>,
          %get3A_248 = arith.index_cast %scan3A_206 : i32 to index
          %get3A_249 = arith.constant 32 : index
          %get3A_250 = tpu.vector_load %arg14[%get3A_248, %get3A_249] {strides = array<i32>} : memref<128x64xf32, #tpu.memory_space<vmem>>, vector<1x16xf32>,
          %get3A_251 = vector.shape_cast %get3A_250 : vector<1x16xf32> to vector<16xf32>
          %get3A_252 = arith.index_cast %scan3A_206 : i32 to index
          %get3A_253 = arith.constant 32 : index
          %get3A_254 = tpu.vector_load %arg15[%get3A_252, %get3A_253] {strides = array<i32>} : memref<128x64xf32, #tpu.memory_space<vmem>>, vector<1x16xf32>,
          %get3A_255 = vector.shape_cast %get3A_254 : vector<1x16xf32> to vector<16xf32>
          %sub3A_256 = arith.subf %get3A_255, %get3A_251 : vector<16xf32>
          %mul3A_257 = arith.mulf %div3A_11, %sub3A_256 : vector<16xf32>
          %add3A_258 = arith.addf %get3A_251, %mul3A_257 : vector<16xf32>
          %swap3A_259 = arith.index_cast %scan3A_206 : i32 to index
          %swap3A_260 = arith.constant 32 : index
          %swap3A_261 = tpu.vector_load %arg14[%swap3A_259, %swap3A_260] {strides = array<i32>} : memref<128x64xf32, #tpu.memory_space<vmem>>, vector<1x16xf32>,
          %swap3A_262 = vector.shape_cast %swap3A_261 : vector<1x16xf32> to vector<16xf32>
          %swap3A_263 = vector.shape_cast %add3A_258 : vector<16xf32> to vector<1x16xf32>
          tpu.vector_store %arg14[%swap3A_259, %swap3A_260], %swap3A_263 {strides = array<i32>} : memref<128x64xf32, #tpu.memory_space<vmem>>, vector<1x16xf32>,
          %swap3A_264 = arith.index_cast %scan3A_206 : i32 to index
          %swap3A_265 = arith.constant 32 : index
          %swap3A_266 = tpu.vector_load %arg15[%swap3A_264, %swap3A_265] {strides = array<i32>} : memref<128x64xf32, #tpu.memory_space<vmem>>, vector<1x16xf32>,
          %swap3A_267 = vector.shape_cast %swap3A_266 : vector<1x16xf32> to vector<16xf32>
          %swap3A_268 = vector.shape_cast %broadcast_in_dim3A_12 : vector<16xf32> to vector<1x16xf32>
          tpu.vector_store %arg15[%swap3A_264, %swap3A_265], %swap3A_268 {strides = array<i32>} : memref<128x64xf32, #tpu.memory_space<vmem>>, vector<1x16xf32>,
          %get3A_269 = arith.index_cast %scan3A_206 : i32 to index
          %get3A_270 = arith.constant 48 : index
          %get3A_271 = tpu.vector_load %arg14[%get3A_269, %get3A_270] {strides = array<i32>} : memref<128x64xf32, #tpu.memory_space<vmem>>, vector<1x16xf32>,
          %get3A_272 = vector.shape_cast %get3A_271 : vector<1x16xf32> to vector<16xf32>
          %get3A_273 = arith.index_cast %scan3A_206 : i32 to index
          %get3A_274 = arith.constant 48 : index
          %get3A_275 = tpu.vector_load %arg15[%get3A_273, %get3A_274] {strides = array<i32>} : memref<128x64xf32, #tpu.memory_space<vmem>>, vector<1x16xf32>,
          %get3A_276 = vector.shape_cast %get3A_275 : vector<1x16xf32> to vector<16xf32>
          %sub3A_277 = arith.subf %get3A_276, %get3A_272 : vector<16xf32>
          %mul3A_278 = arith.mulf %div3A_11, %sub3A_277 : vector<16xf32>
          %add3A_279 = arith.addf %get3A_272, %mul3A_278 : vector<16xf32>
          %swap3A_280 = arith.index_cast %scan3A_206 : i32 to index
          %swap3A_281 = arith.constant 48 : index
          %swap3A_282 = tpu.vector_load %arg14[%swap3A_280, %swap3A_281] {strides = array<i32>} : memref<128x64xf32, #tpu.memory_space<vmem>>, vector<1x16xf32>,
          %swap3A_283 = vector.shape_cast %swap3A_282 : vector<1x16xf32> to vector<16xf32>
          %swap3A_284 = vector.shape_cast %add3A_279 : vector<16xf32> to vector<1x16xf32>
          tpu.vector_store %arg14[%swap3A_280, %swap3A_281], %swap3A_284 {strides = array<i32>} : memref<128x64xf32, #tpu.memory_space<vmem>>, vector<1x16xf32>,
          %swap3A_285 = arith.index_cast %scan3A_206 : i32 to index
          %swap3A_286 = arith.constant 48 : index
          %swap3A_287 = tpu.vector_load %arg15[%swap3A_285, %swap3A_286] {strides = array<i32>} : memref<128x64xf32, #tpu.memory_space<vmem>>, vector<1x16xf32>,
          %swap3A_288 = vector.shape_cast %swap3A_287 : vector<1x16xf32> to vector<16xf32>
          %swap3A_289 = vector.shape_cast %broadcast_in_dim3A_12 : vector<16xf32> to vector<1x16xf32>
          tpu.vector_store %arg15[%swap3A_285, %swap3A_286], %swap3A_289 {strides = array<i32>} : memref<128x64xf32, #tpu.memory_space<vmem>>, vector<1x16xf32>,
          %scan3A_290 = arith.constant 0 : i32
          scf.yield %scan3A_290 : i32
        }
        %scan3A_204 = arith.constant 128 : i32
        "tpu.region"() ({
          %run_scoped3A = tpu.sem_alloc : memref<!tpu.dma_semaphore, #tpu.memory_space<semaphore_mem>>
          %dma_start3A_206 = arith.constant 0 : i32
          %dma_start3A_207 = tpu.memref_slice %arg8[%add3A_197, %dma_start3A_206] : memref<10240x64xf32, #tpu.memory_space<vmem_shared>> -> memref<128x64xf32, #tpu.memory_space<vmem_shared>>
          %dma_start3A_208 = arith.constant 0 : i32
          %dma_start3A_209 = tpu.memref_slice %arg8[%add3A_197, %dma_start3A_208] : memref<10240x64xf32, #tpu.memory_space<vmem_shared>> -> memref<128x64xf32, #tpu.memory_space<vmem_shared>>
          tpu.enqueue_dma source(%arg14 : memref<128x64xf32, #tpu.memory_space<vmem>>) target(%dma_start3A_209 : memref<128x64xf32, #tpu.memory_space<vmem_shared>>) target_semaphore(%run_scoped3A : memref<!tpu.dma_semaphore, #tpu.memory_space<semaphore_mem>>)
          %dma_wait3A_210 = arith.constant 0 : i32
          %dma_wait3A_211 = tpu.memref_slice %arg8[%add3A_197, %dma_wait3A_210] : memref<10240x64xf32, #tpu.memory_space<vmem_shared>> -> memref<128x64xf32, #tpu.memory_space<vmem_shared>>
          %dma_wait3A_212 = arith.constant 0 : i32
          %dma_wait3A_213 = tpu.memref_slice %arg8[%add3A_197, %dma_wait3A_212] : memref<10240x64xf32, #tpu.memory_space<vmem_shared>> -> memref<128x64xf32, #tpu.memory_space<vmem_shared>>
          tpu.wait_dma2 semaphore(%run_scoped3A : memref<!tpu.dma_semaphore, #tpu.memory_space<semaphore_mem>>) src(%arg14 : memref<128x64xf32, #tpu.memory_space<vmem>>) dst(%dma_wait3A_213 : memref<128x64xf32, #tpu.memory_space<vmem_shared>>)
          tpu.yield
        }) : () -> ()
        "tpu.region"() ({
          %run_scoped3A = tpu.sem_alloc : memref<!tpu.dma_semaphore, #tpu.memory_space<semaphore_mem>>
          %dma_start3A_206 = arith.constant 0 : i32
          %dma_start3A_207 = tpu.memref_slice %arg9[%add3A_197, %dma_start3A_206] : memref<10240x64xf32, #tpu.memory_space<vmem_shared>> -> memref<128x64xf32, #tpu.memory_space<vmem_shared>>
          %dma_start3A_208 = arith.constant 0 : i32
          %dma_start3A_209 = tpu.memref_slice %arg9[%add3A_197, %dma_start3A_208] : memref<10240x64xf32, #tpu.memory_space<vmem_shared>> -> memref<128x64xf32, #tpu.memory_space<vmem_shared>>
          tpu.enqueue_dma source(%arg15 : memref<128x64xf32, #tpu.memory_space<vmem>>) target(%dma_start3A_209 : memref<128x64xf32, #tpu.memory_space<vmem_shared>>) target_semaphore(%run_scoped3A : memref<!tpu.dma_semaphore, #tpu.memory_space<semaphore_mem>>)
          %dma_wait3A_210 = arith.constant 0 : i32
          %dma_wait3A_211 = tpu.memref_slice %arg9[%add3A_197, %dma_wait3A_210] : memref<10240x64xf32, #tpu.memory_space<vmem_shared>> -> memref<128x64xf32, #tpu.memory_space<vmem_shared>>
          %dma_wait3A_212 = arith.constant 0 : i32
          %dma_wait3A_213 = tpu.memref_slice %arg9[%add3A_197, %dma_wait3A_212] : memref<10240x64xf32, #tpu.memory_space<vmem_shared>> -> memref<128x64xf32, #tpu.memory_space<vmem_shared>>
          tpu.wait_dma2 semaphore(%run_scoped3A : memref<!tpu.dma_semaphore, #tpu.memory_space<semaphore_mem>>) src(%arg15 : memref<128x64xf32, #tpu.memory_space<vmem>>) dst(%dma_wait3A_213 : memref<128x64xf32, #tpu.memory_space<vmem_shared>>)
          tpu.yield
        }) : () -> ()
        %scan3A_205 = arith.constant 0 : i32
        scf.yield %scan3A_205 : i32
      }
      %scan3A_191 = arith.constant 5 : i32
      %barrier3A_192 = arith.constant 0 : index
      tpu.barrier barrier_id(%barrier3A_192)
    }
    %scan3A_31 = arith.constant 4 : i32
    %scan3A_32 = arith.constant 0 : i32
    %scan3A_33 = arith.constant 0 : i32
    %scan3A_34 = arith.constant 5 : i32
    %scan3A_35 = arith.addi %scan3A_33, %scan3A_34 : i32
    %scan3A_36 = arith.constant 1 : i32
    %scan3A_37 = scf.for %scan3A_39 = %scan3A_33 to %scan3A_35 step %scan3A_36 iter_args(%scan3A_40 = %scan3A_32) -> (i32)  : i32 {
      %mul3A_41 = arith.constant 128 : i32
      %mul3A_42 = arith.muli %scan3A_39, %mul3A_41 : i32
      %add3A_43 = arith.addi %mul3A_0, %mul3A_42 : i32
      "tpu.region"() ({
        %run_scoped3A = tpu.sem_alloc : memref<!tpu.dma_semaphore, #tpu.memory_space<semaphore_mem>>
        %dma_start3A = arith.constant 0 : i32
        %dma_start3A_48 = tpu.memref_slice %arg8[%add3A_43, %dma_start3A] : memref<10240x64xf32, #tpu.memory_space<vmem_shared>> -> memref<128x64xf32, #tpu.memory_space<vmem_shared>>
        %dma_start3A_49 = arith.constant 0 : i32
        %dma_start3A_50 = tpu.memref_slice %arg8[%add3A_43, %dma_start3A_49] : memref<10240x64xf32, #tpu.memory_space<vmem_shared>> -> memref<128x64xf32, #tpu.memory_space<vmem_shared>>
        tpu.enqueue_dma source(%dma_start3A_50 : memref<128x64xf32, #tpu.memory_space<vmem_shared>>) target(%arg14 : memref<128x64xf32, #tpu.memory_space<vmem>>) target_semaphore(%run_scoped3A : memref<!tpu.dma_semaphore, #tpu.memory_space<semaphore_mem>>)
        %dma_wait3A = arith.constant 0 : i32
        %dma_wait3A_51 = tpu.memref_slice %arg8[%add3A_43, %dma_wait3A] : memref<10240x64xf32, #tpu.memory_space<vmem_shared>> -> memref<128x64xf32, #tpu.memory_space<vmem_shared>>
        %dma_wait3A_52 = arith.constant 0 : i32
        %dma_wait3A_53 = tpu.memref_slice %arg8[%add3A_43, %dma_wait3A_52] : memref<10240x64xf32, #tpu.memory_space<vmem_shared>> -> memref<128x64xf32, #tpu.memory_space<vmem_shared>>
        tpu.wait_dma2 semaphore(%run_scoped3A : memref<!tpu.dma_semaphore, #tpu.memory_space<semaphore_mem>>) src(%dma_wait3A_53 : memref<128x64xf32, #tpu.memory_space<vmem_shared>>) dst(%arg14 : memref<128x64xf32, #tpu.memory_space<vmem>>)
        tpu.yield
      }) : () -> ()
      %mul3A_44 = arith.constant 128 : i32
      %mul3A_45 = arith.muli %scan3A_39, %mul3A_44 : i32
      %add3A_46 = arith.addi %add3A, %mul3A_45 : i32
      "tpu.region"() ({
        %run_scoped3A = tpu.sem_alloc : memref<!tpu.dma_semaphore, #tpu.memory_space<semaphore_mem>>
        %dma_start3A = arith.constant 0 : i32
        %dma_start3A_48 = tpu.memref_slice %arg7[%add3A_46, %dma_start3A] : memref<20480x64xf32, #tpu.memory_space<hbm>> -> memref<128x64xf32, #tpu.memory_space<hbm>>
        %dma_start3A_49 = arith.constant 0 : i32
        %dma_start3A_50 = tpu.memref_slice %arg7[%add3A_46, %dma_start3A_49] : memref<20480x64xf32, #tpu.memory_space<hbm>> -> memref<128x64xf32, #tpu.memory_space<hbm>>
        tpu.enqueue_dma source(%arg14 : memref<128x64xf32, #tpu.memory_space<vmem>>) target(%dma_start3A_50 : memref<128x64xf32, #tpu.memory_space<hbm>>) target_semaphore(%run_scoped3A : memref<!tpu.dma_semaphore, #tpu.memory_space<semaphore_mem>>)
        %dma_wait3A = arith.constant 0 : i32
        %dma_wait3A_51 = tpu.memref_slice %arg7[%add3A_46, %dma_wait3A] : memref<20480x64xf32, #tpu.memory_space<hbm>> -> memref<128x64xf32, #tpu.memory_space<hbm>>
        %dma_wait3A_52 = arith.constant 0 : i32
        %dma_wait3A_53 = tpu.memref_slice %arg7[%add3A_46, %dma_wait3A_52] : memref<20480x64xf32, #tpu.memory_space<hbm>> -> memref<128x64xf32, #tpu.memory_space<hbm>>
        tpu.wait_dma2 semaphore(%run_scoped3A : memref<!tpu.dma_semaphore, #tpu.memory_space<semaphore_mem>>) src(%arg14 : memref<128x64xf32, #tpu.memory_space<vmem>>) dst(%dma_wait3A_53 : memref<128x64xf32, #tpu.memory_space<hbm>>)
        tpu.yield
      }) : () -> ()
      %scan3A_47 = arith.constant 0 : i32
      scf.yield %scan3A_47 : i32
    }
    %scan3A_38 = arith.constant 5 : i32
    return
  }
}

</mosaic_0001>

<sc_bundles>
// kernel: _run.3.cloned.1.call-start
scs
__scs_entry_jumppad:
0x0: {  	(pc) =	sbr.rel $0x88, $3  }
0x1: {  	(tag) =	ssettag $0x0;
	lr =	simm.s32 $0x1  }
0x2: {  	[smem:$0x3F9C] =	sst lr;
	_ =	strace $0xD0000000  }
0x3: {  	_ = 	snop  }
0x4: {  	_ = 	snop  }
0x5: {  	_ = 	snop  }
0x6: {  	_ = 	snop  }
0x7: {  	_ = 	snop  }
__scs_overlays_trampoline_lowered:
0x8: {  	[smem:$0x3FAB] =	sst s0  }
0x9: {  	[smem:$0x3FAC] =	sst s1  }
0xa: {  	[smem:$0x3FAD] =	sst s2  }
0xb: {  	[smem:$0x3FAE] =	sst s3  }
0xc: {  	[smem:$0x3FAF] =	sst s4  }
0xd: {  	[smem:$0x3FB0] =	sst s5  }
0xe: {  	[smem:$0x3FB1] =	sst s6  }
0xf: {  	[smem:$0x3FB2] =	sst s7  }
0x10: {  	[smem:$0x3FB3] =	sst s8  }
0x11: {  	[smem:$0x3FB4] =	sst s9;
	s0 =	simm.s32 @!p0 $0x0  }
0x12: {  	s1 =	sld [smem:$0x3F9A];
	s0 =	simm.s32 @p0 $0x1  }
0x13: {  	[smem:$0x3FB5] =	sst s0;
	s0 =	simm.s32 @!p1 $0x0  }
0x14: {  	s2 =	sld [smem:$0x3F99];
	s0 =	simm.s32 @p1 $0x1  }
0x15: {  	[smem:$0x3FB6] =	sst s0;
	s0 =	simm.s32 @!p2 $0x0  }
0x16: {  	s3 =	sld [smem:$0x3FDB];
	s0 =	simm.s32 @p2 $0x1  }
0x17: {  	s4 =	simm.s32 $0x1BF5;
	[smem:$0x3FB8] =	sst s0  }
0x18: {  	s0 =	sld [smem:$0x3F9B];
	_ =	swait.ge [sflag:s4], $0x0  }
0x19: {  	s7 =	sld [smem:$0x3F9C]  }
0x1a: {  	s8 =	sadd.s32 $0xFFFFE003, lr  }
0x1b: {  	s9 =	sadd.s32 $0xFFFFFEF7, lr;
	s5 =	simm.s32 $0xFFFFFFFF;
	p2 =	slt.u32 s8, $0xFFFFF086  }
0x1c: {  	p1 =	slt.u32 s9, $0xF7A;
	s5 =	simm.s32 @!p2 $0x0  }
0x1d: {  	s5 =	simm.s32 @p1 $0x1;
	p0 =	seq.s32 s7, s2  }
0x1e: {  	s7 =	smul.u32 @!p0 $0xF7A, s2;
	p2 =	seq.s32 @!p0 s5, $0x0  }
0x1f: {  	s9 =	smul.u32 $0xF7A, s1;
	s8 =	simm.s32 @!p0 $0x1BF5;
	p2 =	por !p2, p0  }
0x20: {  	[sflag:s8] =	ssyncset.s32 @!p0 $0xFFFFF086;
	s6 =	sadd.s32 @!p0 s3, s7;
	s7 =	simm.s32 @!p0 $0x108  }
0x21: {  	s3 =	sadd.s32 s3, s9;
	s6 =	sadd.s32 @!p0 $0x88, s6;
	s7 =	simm.s32 @p2 $0x1082  }
0x22: {  	[simem:s7], [sflag:s8] =	dma.local @!p0 [hbm:s6], $0xF7A  }
0x23: {  	s9 =	sor.u32 $0xD0000000, s2;
	s6 =	simm.s32 $0x108;
	_ =	swait.ge @!p0 [sflag:s8], $0x0  }
0x24: {  	s3 =	sadd.s32 $0x88, s3;
	s6 =	simm.s32 @!p1 $0x1082;
	[sflag:s4] =	ssyncset.s32 $0xFFFFF086  }
0x25: {  	[simem:s6], [sflag:s4] =	dma.local [hbm:s3], $0xF7A  }
0x26: {  	[smem:$0x3F9C] =	sst s1;
	(tag) =	ssettag s2;
	_ =	strace s9  }
0x27: {  	s1 =	sld [smem:$0x3FAC]  }
0x28: {  	s2 =	sld [smem:$0x3FAD]  }
0x29: {  	s4 =	sld [smem:$0x3FAF]  }
0x2a: {  	p0 =	seq.s32 s5, $0x0;
	s5 =	sld [smem:$0x3FB0]  }
0x2b: {  	s6 =	sld [smem:$0x3FB1]  }
0x2c: {  	s7 =	sld [smem:$0x3FB2]  }
0x2d: {  	s3 =	simm.s32 $0x108;
	s8 =	sld [smem:$0x3FB3]  }
0x2e: {  	s3 =	simm.s32 @!p0 $0x1082;
	s9 =	sld [smem:$0x3FB4]  }
0x2f: {  	lr =	sadd.s32 s0, s3;
	s0 =	sld [smem:$0x3FAB]  }
0x30: {  	s3 =	sld [smem:$0x3FAE]  }
0x31: {  	[smem:$0x3FB7] =	sst s10  }
0x32: {  	s10 =	sld [smem:$0x3FB5];
	_ =	sdelay $0x3  }
0x33: {  	p0 =	seq.s32 s10, $0x1;
	s10 =	sld [smem:$0x3FB7];
	_ =	sdelay $0x3  }
0x34: {  	[smem:$0x3FB7] =	sst s10  }
0x35: {  	s10 =	sld [smem:$0x3FB6];
	_ =	sdelay $0x3  }
0x36: {  	p1 =	seq.s32 s10, $0x1;
	s10 =	sld [smem:$0x3FB7];
	_ =	sdelay $0x3  }
0x37: {  	[smem:$0x3FB7] =	sst s10  }
0x38: {  	s10 =	sld [smem:$0x3FB8]  }
0x39: {  	_ = 	snop;
	(pc) =	sbr.ind lr, $3  }
0x3a: {  	_ = 	snop  }
0x3b: {  	_ = 	snop  }
0x3c: {  	p2 =	seq.s32 s10, $0x1;
	s10 =	sld [smem:$0x3FB7]  }
0x3d: {  	_ =	shalt  }
0x3e: {  	_ =	shalt  }
0x3f: {  	_ =	shalt  }
0x40: {  	_ =	shalt  }
0x41: {  	_ =	shalt  }
0x42: {  	_ =	shalt  }
0x43: {  	_ =	shalt  }
0x44: {  	_ =	shalt  }
0x45: {  	_ =	shalt  }
0x46: {  	_ =	shalt  }
0x47: {  	_ =	shalt  }
0x48: {  	_ =	shalt  }
0x49: {  	_ =	shalt  }
0x4a: {  	_ =	shalt  }
0x4b: {  	_ =	shalt  }
0x4c: {  	_ =	shalt  }
0x4d: {  	_ =	shalt  }
0x4e: {  	_ =	shalt  }
0x4f: {  	_ =	shalt  }
0x50: {  	_ =	shalt  }
0x51: {  	_ =	shalt  }
0x52: {  	_ =	shalt  }
0x53: {  	_ =	shalt  }
0x54: {  	_ =	shalt  }
0x55: {  	_ =	shalt  }
0x56: {  	_ =	shalt  }
0x57: {  	_ =	shalt  }
0x58: {  	_ =	shalt  }
0x59: {  	_ =	shalt  }
0x5a: {  	_ =	shalt  }
0x5b: {  	_ =	shalt  }
0x5c: {  	_ =	shalt  }
0x5d: {  	_ =	shalt  }
0x5e: {  	_ =	shalt  }
0x5f: {  	_ =	shalt  }
0x60: {  	_ =	shalt  }
0x61: {  	_ =	shalt  }
0x62: {  	_ =	shalt  }
0x63: {  	_ =	shalt  }
0x64: {  	_ =	shalt  }
0x65: {  	_ =	shalt  }
0x66: {  	_ =	shalt  }
0x67: {  	_ =	shalt  }
0x68: {  	_ =	shalt  }
0x69: {  	_ =	shalt  }
0x6a: {  	_ =	shalt  }
0x6b: {  	_ =	shalt  }
0x6c: {  	_ =	shalt  }
0x6d: {  	_ =	shalt  }
0x6e: {  	_ =	shalt  }
0x6f: {  	_ =	shalt  }
0x70: {  	_ =	shalt  }
0x71: {  	_ =	shalt  }
0x72: {  	_ =	shalt  }
0x73: {  	_ =	shalt  }
0x74: {  	_ =	shalt  }
0x75: {  	_ =	shalt  }
0x76: {  	_ =	shalt  }
0x77: {  	_ =	shalt  }
0x78: {  	_ =	shalt  }
0x79: {  	_ =	shalt  }
0x7a: {  	_ =	shalt  }
0x7b: {  	_ =	shalt  }
0x7c: {  	_ =	shalt  }
0x7d: {  	_ =	shalt  }
0x7e: {  	_ =	shalt  }
0x7f: {  	_ =	shalt  }
0x80: {  	_ =	shalt  }
0x81: {  	_ =	shalt  }
0x82: {  	_ =	shalt  }
0x83: {  	_ =	shalt  }
0x84: {  	_ =	shalt  }
0x85: {  	_ =	shalt  }
0x86: {  	_ =	shalt  }
0x87: {  	_ =	shalt  }
.Lfunc_end0:
.L_simem_size_0:
called_computation_lowered:
.L_overlay_start_0:
0x88: {  	s2 =	sld [smem:$0x3FD9]  }
0x89: {  	s3 =	sld [smem:$0x3FFE];
	_ =	sdelay $0x1  }
0x8a: {  	s1 =	srdreg.scid  }
0x8b: {  	s0 =	sand.u32 $0x1, s1  }
0x8c: {  	s17 =	sshll.u32 s0, $0xA;
	s2 =	sadd.s32 s3, s2  }
0x8d: {  	s2 =	sadd.s32 s2, s17  }
0x8e: {  	[smem:$0x3FC3] =	sst s2  }
0x8f: {  	_ = 	snop  }
0x90: {  	s2 =	sld [smem:$0x3FC8]  }
0x91: {  	s18 =	sld [smem:$0x3FC7]  }
0x92: {  	s4 =	sld [smem:$0x3FC6]  }
0x93: {  	s5 =	sld [smem:$0x3FC5]  }
0x94: {  	s6 =	sld [smem:$0x3FD0];
	(tm) =	ssettm $0x1  }
0x95: {  	s7 =	sld [smem:$0x3FFB];
	_ =	sdelay $0x3  }
0x96: {  	_ =	strace s7  }
0x97: {  	s7 =	sld [smem:$0x3FFC];
	_ =	sdelay $0x3  }
0x98: {  	_ =	strace s7  }
0x99: {  	s7 =	sld [smem:$0x3FFD];
	_ =	sdelay $0x3  }
0x9a: {  	_ =	strace s7  }
0x9b: {  	_ =	strace $0x8FFFFFFF  }
0x9c: {  	s19 =	sld [smem:$0x3FDB];
	_ =	sdelay $0x1  }
0x9d: {  	s8 =	simm.s32 $_scs_section_size  }
0x9e: {  	s9 =	simm.s32 $_size__tile_overlayer_lowered;
	s10 =	simm.s32 $_tile_overlayer_lowered  }
0x9f: {  	s22 =	simm.s32 $0x1BFF;
	s21 =	sshll.u32 s10, $0x1;
	s7 =	sadd.s32 s8, s19  }
0xa0: {  	s11 =	simm.s32 $0x0;
	s20 =	sshll.u32 s9, $0x1;
	s9 =	sadd.s32 s21, s7  }
0xa1: {  	[timem:s11], [sflag:s22] =	dma.local [hbm:s9], s20  }
0xa2: {  	_ =	swait.ge [sflag:s22], s20  }
0xa3: {  	s8 =	ssub.s32 $0x0, s20;
	[sflag:s22] =	ssyncset.done $0x0  }
0xa4: {  	[sflag:s22] =	ssyncadd.s32 s8;
	_ =	sdelay $0x1  }
0xa5: {  	s23 =	simm.s32 $0x1B8B  }
0xa6: {  	_ =	swait.ge [sflag:s23], $0x1  }
0xa7: {  	[sflag:s23] =	ssyncset.done $0x0  }
0xa8: {  	s25 =	simm.s32 $0x1B8E;
	s24 =	sld [smem:$0x3FFE];
	[sflag:s23] =	ssyncadd.s32 $0xFFFFFFFF  }
0xa9: {  	s26 =	simm.s32 $execute0_lowered;
	[smem:$0x3FD2] =	sst s25  }
0xaa: {  	s9 =	sshll.u32 s26, $0x1;
	_ =	strace $0x80000046;
	[dreg:$0x1] =	wrdreg $0xFFFFFFFF  }
0xab: {  	s28 =	simm.s32 $_size_execute0_lowered;
	s7 =	sadd.s32 s7, s9;
	[dreg:$0x0] =	wrdreg $0x0  }
0xac: {  	s9 =	sshll.u32 s28, $0x1;
	[dreg:$0x2] =	wrdreg s7  }
0xad: {  	[dreg:$0x3] =	wrdreg s9  }
0xae: {  	[dreg:$0x4] =	wrdreg $0xC0  }
0xaf: {  	_ =	task [dreg:s11], $0x5FFFF  }
0xb0: {  	[dreg:$0x1] =	wrdreg $0xFFFFFFFF  }
0xb1: {  	[dreg:$0x0] =	wrdreg $0x60  }
0xb2: {  	[dreg:$0x2] =	wrdreg s6  }
0xb3: {  	[dreg:$0x3] =	wrdreg s2  }
0xb4: {  	[dreg:$0x4] =	wrdreg s18  }
0xb5: {  	[dreg:$0x5] =	wrdreg s4  }
0xb6: {  	[dreg:$0x6] =	wrdreg s5  }
0xb7: {  	[dreg:$0x7] =	wrdreg s24  }
0xb8: {  	[dreg:$0x8] =	wrdreg $0x0  }
0xb9: {  	[dreg:$0x9] =	wrdreg $0xA0000  }
0xba: {  	[dreg:$0xa] =	wrdreg $0x9  }
0xbb: {  	_ =	task.clear_ibuf [dreg:s11], $0xBFFFF;
	_ =	strace $0x90000046  }
0xbc: {  	s29 =	simm.s32 $0x9;
	_ =	strace $0x80000048  }
0xbd: {  	_ =	swait.ge [sflag:s29], $0x1  }
0xbe: {  	[sflag:s29] =	ssyncadd.s32 $0xFFFFFFFF  }
0xbf: {  	_ =	strace $0x90000048  }
0xc0: {  	_ =	sfence  }
0xc1: {  	s30 =	sld [smem:$0x0];
	_ =	sdelay $0x2  }
0xc2: {  	s31 =	sshll.u32 s1, $0xD;
	s1 =	sshrl.u32 s1, $0x2  }
0xc3: {  	s3 =	sand.u32 $0x4000, s31;
	s1 =	sadd.s32 s1, s30  }
0xc4: {  	s0 =	sor.u32 s3, s0;
	s1 =	sshll.u32 s1, $0x11  }
0xc5: {  	s0 =	sor.u32 s1, s0  }
0xc6: {  	s0 =	sadd.s32 $0x8F2B, s0  }
0xc7: {  	[sflag:s0] =	ssyncadd.remote.s32 $0x1  }
0xc8: {  	_ =	sfence.sel $0xFFFF  }
0xc9: {  	[dreg:$0x0] =	wrdreg $0xFFFFFFFF;
	(pc) =	sbr.abs _section_cstart, $3  }
0xca: {  	[dreg:$0x1] =	wrdreg $0xFFFFFFFF  }
0xcb: {  	_ =	task.clear_ibuf [dreg:s11], $0x2FFFF;
	_ =	strace $0x9FFFFFFF  }
0xcc: {  	(tm) =	ssettm $0x7FFFFFFF  }
0xcd: {  	_ =	shalt  }
tec
execute0_lowered:
.L_overlay_start_1:
0x0: {  	(tag) =	ssettag $0x1  }
0x1: {  	s1 =	rddreg [dreg:$0x0]  }
0x2: {  	s0 =	rddreg [dreg:$0x1]  }
0x3: {  	s2 =	rddreg [dreg:$0x2]  }
0x4: {  	s3 =	rddreg [dreg:$0x3]  }
0x5: {  	s4 =	rddreg [dreg:$0x5]  }
0x6: {  	s6 =	rddreg [dreg:$0x6]  }
0x7: {  	s7 =	rddreg [dreg:$0x7];
	s17 =	stileid.u32  }
0x8: {  	s5 =	srdreg.scid;
	s18 =	simm.s32 $0x0;
	s8 =	smul.u32 $0x280, s17  }
0x9: {  	s5 =	sand.u32 $0x1, s5;
	[smem:$0x7FF] =	sst s18;
	s9 =	smul.u32 $0x5400, s17  }
0xa: {  	s4 =	sadd.s32 $0x400, s4;
	s10 =	smul.u32 $0x2800, s5;
	s5 =	ssub.s32 $0x2, s5  }
0xb: {  	_ =	strace $0x80000047;
	s11 =	sshrl.u32 s5, $0x1;
	s25 =	sshrl.u32 s9, $0x3  }
0xc: {  	s20 =	sshll.u32 s8, $0x6;
	s10 =	sadd.s32 s8, s10;
	s5 =	ssub.s32 s5, s11  }
0xd: {  	s12 =	sadd.s32 s0, s25;
	s24 =	sadd.s32 $0x2000, s20;
	s10 =	sshll.u32 s10, $0x3  }
0xe: {  	[dreg:$0x9] =	wrdreg s12;
	s23 =	smax.u32 s5, $0x1;
	s8 =	sadd.s32 s24, s6  }
0xf: {  	s13 =	sadd.s32 $0x400, s10;
	s14 =	sadd.s32 s1, s10;
	[dreg:$0x15] =	wrdreg s23  }
0x10: {  	s29 =	sadd.s32 $0x800, s10;
	s31 =	sadd.s32 $0xC00, s10;
	[dreg:$0x16] =	wrdreg s8  }
0x11: {  	s16 =	sadd.s32 $0x1000, s10;
	s10 =	sadd.s32 s4, s10;
	[dreg:$0xa] =	wrdreg s14  }
0x12: {  	s28 =	sadd.s32 s1, s13;
	[dreg:$0xf] =	wrdreg s10  }
0x13: {  	s15 =	sadd.s32 s1, s29;
	[dreg:$0xb] =	wrdreg s28  }
0x14: {  	s19 =	sadd.s32 s1, s31;
	[dreg:$0xc] =	wrdreg s15  }
0x15: {  	s1 =	sadd.s32 s1, s16;
	[dreg:$0xd] =	wrdreg s19  }
0x16: {  	s30 =	smul.u32 $0xA000, s17;
	s13 =	sadd.s32 s4, s13;
	[dreg:$0xe] =	wrdreg s1  }
0x17: {  	s21 =	sadd.s32 s2, s25;
	s14 =	sadd.s32 s4, s29;
	[dreg:$0x10] =	wrdreg s13  }
0x18: {  	s22 =	sadd.s32 s3, s25;
	s16 =	sadd.s32 s4, s16;
	[dreg:$0x11] =	wrdreg s14  }
0x19: {  	s25 =	sadd.s32 $0x4000, s20;
	s29 =	sadd.s32 s30, s6;
	[dreg:$0x13] =	wrdreg s16  }
0x1a: {  	s26 =	smul.u32 $0x28000, s17;
	s10 =	sadd.s32 s25, s6;
	[dreg:$0x1e] =	wrdreg s29  }
0x1b: {  	s23 =	simm.s32 $0x6;
	s15 =	sadd.s32 s4, s31;
	[dreg:$0x18] =	wrdreg s10  }
0x1c: {  	s19 =	sshrl.u32 s26, $0x2;
	s4 =	sadd.s32 s24, s7;
	[dreg:$0x12] =	wrdreg s15  }
0x1d: {  	s26 =	sadd.s32 s25, s7;
	s28 =	sadd.s32 $0x6000, s20;
	[dreg:$0x17] =	wrdreg s4  }
0x1e: {  	s31 =	sadd.s32 s30, s7;
	s13 =	simm.s32 $0x7;
	[dreg:$0x19] =	wrdreg s26  }
0x1f: {  	s14 =	simm.s32 $0x19800;
	s1 =	sadd.s32 s19, s6;
	[dreg:$0x1f] =	wrdreg s31  }
0x20: {  	s11 =	sadd.s32 s28, s6;
	s4 =	sadd.s32 s28, s7;
	[dreg:$0x14] =	wrdreg s1  }
0x21: {  	s15 =	simm.s32 $0x1B800;
	[dreg:$0x1b] =	wrdreg s4;
	s1 =	sadd.s32 $0x8000, s20  }
0x22: {  	[dreg:$0x1a] =	wrdreg s11;
	s12 =	sadd.s32 s1, s6;
	s1 =	sadd.s32 s1, s7  }
0x23: {  	s19 =	simm.s32 $0x1;
	s26 =	simm.s32 $0x0;
	[dreg:$0x1d] =	wrdreg s1  }
0x24: {  	v0 =	vimm.f32 $0.0e+00;
	s20 =	simm.s32 $0x80;
	s4 =	simm.s32 $0x0;
	[dreg:$0x1c] =	wrdreg s12  }
.LBB2_1:
0x25: {  	[smem:$0x7FD] =	sst s4  }
0x26: {  	s1 =	rddreg [dreg:$0x4];
	s31 =	simm.s32 $0x1D800  }
0x27: {  	[tilespmem:s31], [sflag:$0x7] =	stream.linear.gather [hbm4b:s1+s18], $0x10, $0x38;
	[tilespmem:$0x1D810] =	vst v63  }
0x28: {  	_ =	swait.ge [sflag:s13], $0x10  }
0x29: {  	[sflag:s13] =	ssyncset.done $0x0  }
0x2a: {  	[sflag:s13] =	ssyncadd.s32 $0xFFFFFFF0  }
0x2b: {  	s4 =	simm.s32 $0x100;
	s1 =	simm.s32 $0x0;
	v1 =	vld [tilespmem:$0x1D800]  }
.LBB2_2:
0x2c: {  	p0 =	sne.s32 s4, $0x7F00;
	[tilespmem:s1+$0x1B830] =	vst v0;
	s5 =	smov.u32 s4;
	s4 =	sadd.s32 $0x100, s4  }
.Ltmp0:
0x2d: {  	[tilespmem:s1+$0x1B820] =	vst v0;
	(pc) =	sbr.rel @p0 .LBB2_2-.Ltmp0, $3  }
0x2e: {  	[tilespmem:s1+$0x1B800] =	vst v0  }
0x2f: {  	[tilespmem:s1+$0x1B810] =	vst v0;
	_ =	sdelay $0x1  }
0x30: {  	s1 =	sshra.s32 s5, $0x2  }
0x31: {  	[tilespmem:s1+$0x1B830] =	vst v0  }
0x32: {  	[tilespmem:s1+$0x1B820] =	vst v0  }
0x33: {  	[tilespmem:s1+$0x1B800] =	vst v0  }
0x34: {  	[tilespmem:s1+$0x1B810] =	vst v0;
	s28 =	rddreg [dreg:$0xa]  }
0x35: {  	[tilespmem:s14], [sflag:$0x7] =	stream.linear.gather [hbm4b:s28+s26], $0x2000, $0x38;
	[tilespmem:$0x1D810] =	vst v63  }
0x36: {  	_ =	swait.ge [sflag:s13], $0x2000  }
0x37: {  	[sflag:s13] =	ssyncset.done $0x0  }
0x38: {  	s31 =	rddreg [dreg:$0x1e];
	[sflag:s13] =	ssyncadd.s32 $0xFFFFE000  }
0x39: {  	[spmem:s31] =	stream.linear.scatter [tilespmem:s14], [sflag:$0x7], $0x2000, $0x38;
	[tilespmem:$0x1D810] =	vst v63  }
0x3a: {  	_ =	swait.ge [sflag:s13], $0x2000  }
0x3b: {  	[sflag:s13] =	ssyncset.done $0x0  }
0x3c: {  	s4 =	rddreg [dreg:$0x1f];
	[sflag:s13] =	ssyncadd.s32 $0xFFFFE000  }
0x3d: {  	[spmem:s4] =	stream.linear.scatter [tilespmem:s15], [sflag:$0x7], $0x2000, $0x38;
	[tilespmem:$0x1D810] =	vst v63  }
0x3e: {  	_ =	swait.ge [sflag:s13], $0x2000  }
0x3f: {  	[sflag:s13] =	ssyncset.done $0x0  }
0x40: {  	s5 =	rddreg [dreg:$0xb];
	[sflag:s13] =	ssyncadd.s32 $0xFFFFE000  }
0x41: {  	[tilespmem:s14], [sflag:$0x7] =	stream.linear.gather [hbm4b:s5+s26], $0x2000, $0x38;
	[tilespmem:$0x1D810] =	vst v63  }
0x42: {  	_ =	swait.ge [sflag:s13], $0x2000  }
0x43: {  	[sflag:s13] =	ssyncset.done $0x0  }
0x44: {  	[sflag:s13] =	ssyncadd.s32 $0xFFFFE000  }
0x45: {  	[spmem:s8] =	stream.linear.scatter [tilespmem:s14], [sflag:$0x7], $0x2000, $0x38;
	[tilespmem:$0x1D810] =	vst v63  }
0x46: {  	_ =	swait.ge [sflag:s13], $0x2000  }
0x47: {  	[sflag:s13] =	ssyncset.done $0x0  }
0x48: {  	s16 =	rddreg [dreg:$0x17];
	[sflag:s13] =	ssyncadd.s32 $0xFFFFE000  }
0x49: {  	[spmem:s16] =	stream.linear.scatter [tilespmem:s15], [sflag:$0x7], $0x2000, $0x38;
	[tilespmem:$0x1D810] =	vst v63  }
0x4a: {  	_ =	swait.ge [sflag:s13], $0x2000  }
0x4b: {  	[sflag:s13] =	ssyncset.done $0x0  }
0x4c: {  	s17 =	rddreg [dreg:$0xc];
	[sflag:s13] =	ssyncadd.s32 $0xFFFFE000  }
0x4d: {  	[tilespmem:s14], [sflag:$0x7] =	stream.linear.gather [hbm4b:s17+s26], $0x2000, $0x38;
	[tilespmem:$0x1D810] =	vst v63  }
0x4e: {  	_ =	swait.ge [sflag:s13], $0x2000  }
0x4f: {  	[sflag:s13] =	ssyncset.done $0x0  }
0x50: {  	[sflag:s13] =	ssyncadd.s32 $0xFFFFE000  }
0x51: {  	[spmem:s10] =	stream.linear.scatter [tilespmem:s14], [sflag:$0x7], $0x2000, $0x38;
	[tilespmem:$0x1D810] =	vst v63  }
0x52: {  	_ =	swait.ge [sflag:s13], $0x2000  }
0x53: {  	[sflag:s13] =	ssyncset.done $0x0  }
0x54: {  	s18 =	rddreg [dreg:$0x19];
	[sflag:s13] =	ssyncadd.s32 $0xFFFFE000  }
0x55: {  	[spmem:s18] =	stream.linear.scatter [tilespmem:s15], [sflag:$0x7], $0x2000, $0x38;
	[tilespmem:$0x1D810] =	vst v63  }
0x56: {  	_ =	swait.ge [sflag:s13], $0x2000  }
0x57: {  	[sflag:s13] =	ssyncset.done $0x0  }
0x58: {  	s24 =	rddreg [dreg:$0xd];
	[sflag:s13] =	ssyncadd.s32 $0xFFFFE000  }
0x59: {  	[tilespmem:s14], [sflag:$0x7] =	stream.linear.gather [hbm4b:s24+s26], $0x2000, $0x38;
	[tilespmem:$0x1D810] =	vst v63  }
0x5a: {  	_ =	swait.ge [sflag:s13], $0x2000  }
0x5b: {  	[sflag:s13] =	ssyncset.done $0x0  }
0x5c: {  	[sflag:s13] =	ssyncadd.s32 $0xFFFFE000  }
0x5d: {  	[spmem:s11] =	stream.linear.scatter [tilespmem:s14], [sflag:$0x7], $0x2000, $0x38;
	[tilespmem:$0x1D810] =	vst v63  }
0x5e: {  	_ =	swait.ge [sflag:s13], $0x2000  }
0x5f: {  	[sflag:s13] =	ssyncset.done $0x0  }
0x60: {  	s25 =	rddreg [dreg:$0x1b];
	[sflag:s13] =	ssyncadd.s32 $0xFFFFE000  }
0x61: {  	[spmem:s25] =	stream.linear.scatter [tilespmem:s15], [sflag:$0x7], $0x2000, $0x38;
	[tilespmem:$0x1D810] =	vst v63  }
0x62: {  	_ =	swait.ge [sflag:s13], $0x2000  }
0x63: {  	[sflag:s13] =	ssyncset.done $0x0  }
0x64: {  	s28 =	rddreg [dreg:$0xe];
	[sflag:s13] =	ssyncadd.s32 $0xFFFFE000  }
0x65: {  	[tilespmem:s14], [sflag:$0x7] =	stream.linear.gather [hbm4b:s28+s26], $0x2000, $0x38;
	[tilespmem:$0x1D810] =	vst v63  }
0x66: {  	_ =	swait.ge [sflag:s13], $0x2000  }
0x67: {  	[sflag:s13] =	ssyncset.done $0x0  }
0x68: {  	[sflag:s13] =	ssyncadd.s32 $0xFFFFE000  }
0x69: {  	[spmem:s12] =	stream.linear.scatter [tilespmem:s14], [sflag:$0x7], $0x2000, $0x38;
	[tilespmem:$0x1D810] =	vst v63  }
0x6a: {  	_ =	swait.ge [sflag:s13], $0x2000  }
0x6b: {  	v1 =	vsub.f32 $0.0e+00, v1;
	[sflag:s13] =	ssyncset.done $0x0  }
0x6c: {  	s31 =	rddreg [dreg:$0x1d];
	[sflag:s13] =	ssyncadd.s32 $0xFFFFE000  }
0x6d: {  	v1 =	vmul.f32 $1.442695020e+00, v1;
	[spmem:s31] =	stream.linear.scatter [tilespmem:s15], [sflag:$0x7], $0x2000, $0x38;
	[tilespmem:$0x1D810] =	vst v63  }
0x6e: {  	_ =	swait.ge [sflag:s13], $0x2000  }
0x6f: {  	(erf) = vpow2.f32 v1;
	_ =	sdelay $0x8  }
0x70: {  	v1 =	vpop (erf)  }
0x71: {  	v1 =	vadd.f32 $1.000000000e+00, v1;
	_ =	sdelay $0x1  }
0x72: {  	(erf) = vrcp.f32 v1;
	_ =	sdelay $0x7  }
0x73: {  	[sflag:s13] =	ssyncset.done $0x0  }
0x74: {  	[sflag:s13] =	ssyncadd.s32 $0xFFFFE000;
	v1 =	vpop (erf)  }
0x75: {  	s29 =	simm.s32 $0x0;
	[bflag:$0x0] =	sbarrier.arrive $0xFFFF  }
.LBB2_4:
0x76: {  	s1 =	rddreg [dreg:$0x9];
	s4 =	simm.s32 $0x14000  }
0x77: {  	[tilespmem:s4], [sflag:$0x1] =	stream.linear.gather [hbm4b:s1+s26], $0x400, $0x38;
	[tilespmem:$0x1D810] =	vst v63  }
0x78: {  	s28 =	simm.s32 $0x14800  }
0x79: {  	[tilespmem:s28], [sflag:$0x1] =	stream.linear.gather [hbm4b:s21+s26], $0x400, $0x38;
	[tilespmem:$0x1D810] =	vst v63  }
0x7a: {  	s31 =	simm.s32 $0x15000;
	p0 =	por $0x0, $0x0;
	s4 =	simm.s32 $0x0  }
0x7b: {  	[tilespmem:s31], [sflag:$0x1] =	stream.linear.gather [hbm4b:s22+s26], $0x400, $0x38;
	[tilespmem:$0x1D810] =	vst v63  }
.LBB2_6:
0x7c: {  	s5 =	sand.u32 $0x1, s4  }
0x7d: {  	s8 =	sadd.s32 $0x1, s5  }
0x7e: {  	_ =	swait.ge [sflag:s8], $0x400  }
0x7f: {  	[sflag:s8] =	ssyncset.done $0x0  }
0x80: {  	[sflag:s8] =	ssyncadd.s32 $0xFFFFFC00  }
0x81: {  	_ =	swait.ge [sflag:s8], $0x400  }
0x82: {  	[sflag:s8] =	ssyncset.done $0x0  }
0x83: {  	s1 =	smov.u32 s4;
	s4 =	sadd.s32 $0x1, s4;
	[sflag:s8] =	ssyncadd.s32 $0xFFFFFC00  }
0x84: {  	s11 =	simm.s32 $0x0;
	s10 =	sshll.u32 s4, $0xA;
	_ =	swait.ge [sflag:s8], $0x400  }
0x85: {  	s18 =	sxor.u32 $0x1, s5;
	s10 =	sadd.s32 s9, s10;
	[sflag:s8] =	ssyncset.done $0x0  }
0x86: {  	s10 =	sshrl.u32 s10, $0x3;
	[sflag:s8] =	ssyncadd.s32 $0xFFFFFC00;
	s8 =	sshll.u32 s18, $0xA  }
0x87: {  	s12 =	sadd.s32 $0x1, s18;
	s17 =	sadd.s32 s0, s10;
	s16 =	sor.u32 $0x14000, s8  }
0x88: {  	[tilespmem:s16], [sflag:s12] =	stream.linear.gather [hbm4b:s17+s11], $0x400, $0x38;
	[tilespmem:$0x1D810] =	vst v63  }
0x89: {  	p1 =	por $0x0, $0x0;
	s5 =	sshll.u32 s5, $0xA;
	s16 =	simm.s32 $0x1  }
0x8a: {  	s25 =	sadd.s32 s2, s10;
	s24 =	sor.u32 $0x14800, s8;
	s16 =	simm.s32 @!p0 $0x0  }
0x8b: {  	[tilespmem:s24], [sflag:s12] =	stream.linear.gather [hbm4b:s25+s11], $0x400, $0x38;
	[tilespmem:$0x1D810] =	vst v63  }
0x8c: {  	s10 =	sadd.s32 s3, s10;
	s8 =	sor.u32 $0x15000, s8;
	s31 =	sshll.u32 s16, $0xA  }
0x8d: {  	[tilespmem:s8], [sflag:s12] =	stream.linear.gather [hbm4b:s10+s11], $0x400, $0x38;
	[tilespmem:$0x1D810] =	vst v63  }
0x8e: {  	s25 =	sor.u32 $0x14800, s5;
	s28 =	sor.u32 $0x15000, s31;
	s12 =	sor.u32 $0x14000, s5  }
.LBB2_7:
0x8f: {  	s5 =	sor.u32 s1, s11  }
0x90: {  	s31 =	sand.u32 $0x1, s11;
	p3 =	seq.s32 s5, $0x0  }
0x91: {  	s5 =	sxor.u32 @!p3 $0x1, s31  }
0x92: {  	p2 =	seq.s32 s11, $0x7;
	s5 =	sadd.s32 @!p3 $0x5, s5  }
0x93: {  	p4 =	sne.s32 @!p2 s11, $0x0;
	_ =	swait.ge @!p3 [sflag:s5], $0x2000  }
0x94: {  	p4 =	por p4, p2;
	[sflag:s5] =	ssyncset.done @!p3 $0x0  }
0x95: {  	s8 =	simm.s32 @!p4 $0x15800;
	[sflag:s5] =	ssyncadd.s32 @!p3 $0xFFFFE000;
	s5 =	simm.s32 @!p4 $0x80  }
0x96: {  	[tilespmem:s8], [sflag:$0x3] =	stream.indirect.gather @!p4 [spmem:s6], $0x40, s12, s5, $0xb8;
	[tilespmem:$0x1D810] =	vst v63  }
0x97: {  	s17 =	simm.s32 @!p2 $0x80;
	s5 =	sshll.u32 @!p2 s11, $0x9;
	s8 =	sxor.u32 @!p2 $0x1, s31  }
0x98: {  	s10 =	sshrl.u32 @!p2 s5, $0x2;
	s16 =	sshll.u32 @!p2 s8, $0xD;
	s5 =	simm.s32 @p2 $0xE00  }
0x99: {  	s8 =	sadd.s32 @!p2 $0x3, s8;
	s10 =	sadd.s32 @!p2 s10, s12;
	s5 =	sshrl.u32 s5, $0x2  }
0x9a: {  	s16 =	sor.u32 @!p2 $0x15800, s16;
	s10 =	sadd.s32 @!p2 $0x80, s10;
	s18 =	sadd.s32 s5, s28  }
0x9b: {  	[tilespmem:s16], [sflag:s8] =	stream.indirect.gather @!p2 [spmem:s6], $0x40, s10, s17, $0xb8;
	[tilespmem:$0x1D810] =	vst v63  }
0x9c: {  	v3 =	vmov s18;
	s18 =	sadd.s32 $0x3, s31;
	s10 =	simm.s32 $0x1  }
0x9d: {  	_ =	swait.ge [sflag:s18], $0x2000;
	s10 =	simm.s32 @!p1 $0x0  }
0x9e: {  	[sflag:s18] =	ssyncset.done $0x0;
	s10 =	sshll.u32 s10, $0xD  }
0x9f: {  	[sflag:s18] =	ssyncadd.s32 $0xFFFFE000;
	s8 =	sor.u32 $0x15A00, s10  }
0xa0: {  	v2 =	vld [tilespmem:s8+$0x1F0]  }
0xa1: {  	v6 =	vld [tilespmem:s8+$0xFFFFFE00]  }
0xa2: {  	v7 =	vld [tilespmem:s8+$0xFFFFFE10]  }
0xa3: {  	v8 =	vld [tilespmem:s8+$0xFFFFFE20]  }
0xa4: {  	v9 =	vld [tilespmem:s8+$0xFFFFFE30]  }
0xa5: {  	v10 =	vld [tilespmem:s8+$0xFFFFFE40]  }
0xa6: {  	s24 =	simm.s32 $0x0;
	v11 =	vld [tilespmem:s8+$0xFFFFFE50]  }
0xa7: {  	v5 =	vld.idx.msk [tilespmem:v3+s24+$0x0 ss:$0x1], $0xffff  }
0xa8: {  	v12 =	vld [tilespmem:s8+$0xFFFFFE60]  }
0xa9: {  	v14 =	vld [tilespmem:s8+$0xFFFFFE80]  }
0xaa: {  	v15 =	vld [tilespmem:s8+$0xFFFFFE90]  }
0xab: {  	v16 =	vld [tilespmem:s8+$0xFFFFFEA0]  }
0xac: {  	v17 =	vld [tilespmem:s8+$0xFFFFFEB0];
	v4 =	vbroadcast v5, $0xF  }
0xad: {  	v18 =	vld [tilespmem:s8+$0xFFFFFEC0];
	v13 =	vbroadcast v5, $0x0  }
0xae: {  	v19 =	vld [tilespmem:s8+$0xFFFFFF50];
	v2 =	vmul.f32 v2, v4  }
0xaf: {  	v27 =	vld [tilespmem:s8+$0xFFFFFF60];
	v6 =	vmul.f32 v13, v6  }
0xb0: {  	v32 =	vld [tilespmem:s8+$0xFFFFFF70];
	v7 =	vmul.f32 v7, v13;
	[tilespmem:s8+$0x1F0] =	vst v2  }
0xb1: {  	v38 =	vld [tilespmem:s8+$0xFFFFFF80];
	v30 =	vbroadcast v5, $0x3;
	v9 =	vmul.f32 v9, v13;
	[tilespmem:s8+$0xFFFFFE00] =	vst v6  }
0xb2: {  	v2 =	vld [tilespmem:s8+$0xFFFFFE70];
	v6 =	vmul.f32 v8, v13;
	[tilespmem:s8+$0xFFFFFE10] =	vst v7;
	v8 =	vbroadcast v5, $0x1  }
0xb3: {  	v18 =	vmul.f32 v18, v30;
	v7 =	vld [tilespmem:s8+$0xFFFFFED0];
	[tilespmem:s8+$0xFFFFFE30] =	vst v9  }
0xb4: {  	v13 =	vld [tilespmem:s8+$0xFFFFFEE0];
	[tilespmem:s8+$0xFFFFFE20] =	vst v6;
	v6 =	vmul.f32 v10, v8  }
0xb5: {  	v39 =	vld [tilespmem:s8+$0xFFFFFF90];
	[tilespmem:s8+$0xFFFFFEC0] =	vst v18;
	v10 =	vmul.f32 v11, v8  }
0xb6: {  	v9 =	vld [tilespmem:s8+$0xFFFFFEF0];
	[tilespmem:s8+$0xFFFFFE40] =	vst v6;
	v6 =	vmul.f32 v12, v8  }
0xb7: {  	v41 =	vld [tilespmem:s8+$0xFFFFFFA0];
	[tilespmem:s8+$0xFFFFFE50] =	vst v10;
	v2 =	vmul.f32 v2, v8  }
0xb8: {  	v42 =	vld [tilespmem:s8+$0xFFFFFFB0];
	v12 =	vbroadcast v5, $0x2;
	v7 =	vmul.f32 v7, v30;
	[tilespmem:s8+$0xFFFFFE60] =	vst v6  }
0xb9: {  	v11 =	vld [tilespmem:s8+$0xFFFFFF00];
	v13 =	vmul.f32 v13, v30;
	[tilespmem:s8+$0xFFFFFE70] =	vst v2  }
0xba: {  	v10 =	vld [tilespmem:s8+$0xFFFFFF10];
	v6 =	vmul.f32 v14, v12;
	[tilespmem:s8+$0xFFFFFED0] =	vst v7  }
0xbb: {  	s17 =	simm.s32 $0x10;
	v8 =	vld [tilespmem:s8+$0xFFFFFF20];
	v9 =	vmul.f32 v9, v30;
	[tilespmem:s8+$0xFFFFFEE0] =	vst v13  }
0xbc: {  	v16 =	vmul.f32 v16, v12;
	[tilespmem:s8+$0xFFFFFE80] =	vst v6;
	v6 =	vld.idx.msk [tilespmem:v3+s17+$0x0 ss:$0x1], $0xffff  }
0xbd: {  	s24 =	sadd.s32 $0x400, s8;
	v40 =	vbroadcast v5, $0x4;
	v14 =	vld [tilespmem:s8+$0xFFFFFF30];
	v2 =	vmul.f32 v15, v12;
	[tilespmem:s8+$0xFFFFFEF0] =	vst v9  }
0xbe: {  	v20 =	vld [tilespmem:s24+$0x1F0];
	v12 =	vmul.f32 v17, v12;
	[tilespmem:s8+$0xFFFFFEA0] =	vst v16  }
0xbf: {  	v21 =	vld [tilespmem:s24+$0xFFFFFE00];
	v11 =	vmul.f32 v11, v40;
	[tilespmem:s8+$0xFFFFFE90] =	vst v2  }
0xc0: {  	v22 =	vld [tilespmem:s24+$0xFFFFFE10];
	[tilespmem:s8+$0xFFFFFEB0] =	vst v12;
	v10 =	vmul.f32 v10, v40  }
0xc1: {  	v23 =	vld [tilespmem:s24+$0xFFFFFE20];
	[tilespmem:s8+$0xFFFFFF00] =	vst v11;
	v8 =	vmul.f32 v8, v40;
	v2 =	vbroadcast v6, $0xF  }
0xc2: {  	v24 =	vld [tilespmem:s24+$0xFFFFFE30];
	[tilespmem:s8+$0xFFFFFF10] =	vst v10;
	v14 =	vmul.f32 v14, v40;
	v28 =	vbroadcast v6, $0x0  }
0xc3: {  	v25 =	vld [tilespmem:s24+$0xFFFFFE40];
	[tilespmem:s8+$0xFFFFFF20] =	vst v8;
	v20 =	vmul.f32 v20, v2  }
0xc4: {  	v26 =	vld [tilespmem:s24+$0xFFFFFE50];
	[tilespmem:s8+$0xFFFFFF30] =	vst v14;
	v21 =	vmul.f32 v28, v21  }
0xc5: {  	v16 =	vld [tilespmem:s24+$0xFFFFFE60];
	v22 =	vmul.f32 v22, v28;
	[tilespmem:s24+$0x1F0] =	vst v20  }
0xc6: {  	v29 =	vld [tilespmem:s24+$0xFFFFFE80];
	v33 =	vbroadcast v6, $0x1;
	v23 =	vmul.f32 v23, v28;
	[tilespmem:s24+$0xFFFFFE00] =	vst v21  }
0xc7: {  	v17 =	vld [tilespmem:s24+$0xFFFFFE90];
	v24 =	vmul.f32 v24, v28;
	[tilespmem:s24+$0xFFFFFE10] =	vst v22  }
0xc8: {  	v31 =	vld [tilespmem:s24+$0xFFFFFEA0];
	v25 =	vmul.f32 v25, v33;
	[tilespmem:s24+$0xFFFFFE20] =	vst v23  }
0xc9: {  	v12 =	vld [tilespmem:s24+$0xFFFFFEB0];
	v45 =	vbroadcast v6, $0x2;
	v26 =	vmul.f32 v26, v33;
	[tilespmem:s24+$0xFFFFFE30] =	vst v24  }
0xca: {  	v18 =	vld [tilespmem:s24+$0xFFFFFEC0];
	v16 =	vmul.f32 v16, v33;
	[tilespmem:s24+$0xFFFFFE40] =	vst v25  }
0xcb: {  	v7 =	vld [tilespmem:s24+$0xFFFFFED0];
	v29 =	vmul.f32 v29, v45;
	[tilespmem:s24+$0xFFFFFE50] =	vst v26  }
0xcc: {  	v13 =	vld [tilespmem:s24+$0xFFFFFEE0];
	v17 =	vmul.f32 v17, v45;
	[tilespmem:s24+$0xFFFFFE60] =	vst v16  }
0xcd: {  	v9 =	vld [tilespmem:s24+$0xFFFFFEF0];
	v49 =	vbroadcast v6, $0x3;
	v31 =	vmul.f32 v31, v45;
	[tilespmem:s24+$0xFFFFFE80] =	vst v29  }
0xce: {  	v11 =	vld [tilespmem:s24+$0xFFFFFF00];
	v12 =	vmul.f32 v12, v45;
	[tilespmem:s24+$0xFFFFFE90] =	vst v17  }
0xcf: {  	v10 =	vld [tilespmem:s24+$0xFFFFFF10];
	v18 =	vmul.f32 v18, v49;
	[tilespmem:s24+$0xFFFFFEA0] =	vst v31  }
0xd0: {  	v43 =	vld [tilespmem:s8+$0xFFFFFFC0];
	v7 =	vmul.f32 v7, v49;
	[tilespmem:s24+$0xFFFFFEB0] =	vst v12  }
0xd1: {  	v44 =	vld [tilespmem:s8+$0xFFFFFFD0];
	v55 =	vbroadcast v6, $0x4;
	v13 =	vmul.f32 v13, v49;
	[tilespmem:s24+$0xFFFFFEC0] =	vst v18  }
0xd2: {  	v46 =	vld [tilespmem:s8+$0xFFFFFFE0];
	v9 =	vmul.f32 v9, v49;
	[tilespmem:s24+$0xFFFFFED0] =	vst v7  }
0xd3: {  	v47 =	vld [tilespmem:s8+$0x0];
	v50 =	vbroadcast v5, $0x6;
	v11 =	vmul.f32 v11, v55;
	[tilespmem:s24+$0xFFFFFEE0] =	vst v13  }
0xd4: {  	v8 =	vld [tilespmem:s24+$0xFFFFFF20];
	v10 =	vmul.f32 v10, v55;
	[tilespmem:s24+$0xFFFFFEF0] =	vst v9  }
0xd5: {  	v14 =	vld [tilespmem:s24+$0xFFFFFF30];
	v12 =	vmul.f32 v38, v50;
	[tilespmem:s24+$0xFFFFFF00] =	vst v11  }
0xd6: {  	v15 =	vld [tilespmem:s8+$0xFFFFFF40];
	v18 =	vmul.f32 v39, v50;
	[tilespmem:s24+$0xFFFFFF10] =	vst v10  }
0xd7: {  	v48 =	vld [tilespmem:s8+$0x10];
	v7 =	vmul.f32 v41, v50;
	[tilespmem:s8+$0xFFFFFF80] =	vst v12  }
0xd8: {  	v51 =	vld [tilespmem:s8+$0x20];
	v24 =	vmul.f32 v42, v50;
	[tilespmem:s8+$0xFFFFFF90] =	vst v18  }
0xd9: {  	v52 =	vld [tilespmem:s8+$0x30];
	v16 =	vbroadcast v5, $0x5;
	v8 =	vmul.f32 v8, v55;
	[tilespmem:s8+$0xFFFFFFA0] =	vst v7  }
0xda: {  	v53 =	vld [tilespmem:s8+$0x40];
	v14 =	vmul.f32 v14, v55;
	[tilespmem:s8+$0xFFFFFFB0] =	vst v24  }
0xdb: {  	v54 =	vld [tilespmem:s8+$0x50];
	v15 =	vmul.f32 v15, v16;
	[tilespmem:s24+$0xFFFFFF20] =	vst v8  }
0xdc: {  	v56 =	vld [tilespmem:s8+$0x60];
	v19 =	vmul.f32 v19, v16;
	[tilespmem:s24+$0xFFFFFF30] =	vst v14  }
0xdd: {  	v57 =	vld [tilespmem:s24+$0xFFFFFFB0];
	v13 =	vbroadcast v5, $0x7;
	v17 =	vmul.f32 v27, v16;
	[tilespmem:s8+$0xFFFFFF40] =	vst v15  }
0xde: {  	v58 =	vld [tilespmem:s8+$0x70];
	v16 =	vmul.f32 v32, v16;
	[tilespmem:s8+$0xFFFFFF50] =	vst v19  }
0xdf: {  	v20 =	vld [tilespmem:s24+$0xFFFFFE70];
	v9 =	vmul.f32 v43, v13;
	[tilespmem:s8+$0xFFFFFF60] =	vst v17  }
0xe0: {  	v37 =	vbroadcast v6, $0x6;
	v12 =	vld [tilespmem:s24+$0xFFFFFF80];
	v11 =	vmul.f32 v44, v13;
	[tilespmem:s8+$0xFFFFFF70] =	vst v16  }
0xe1: {  	v18 =	vld [tilespmem:s24+$0xFFFFFF90];
	v10 =	vmul.f32 v46, v13;
	v8 =	vbroadcast v5, $0x8;
	[tilespmem:s8+$0xFFFFFFC0] =	vst v9  }
0xe2: {  	v7 =	vld [tilespmem:s24+$0xFFFFFFA0];
	v24 =	vmul.f32 v57, v37;
	[tilespmem:s8+$0xFFFFFFD0] =	vst v11  }
0xe3: {  	v15 =	vld [tilespmem:s24+$0xFFFFFF40];
	[tilespmem:s8+$0xFFFFFFE0] =	vst v10;
	v14 =	vmul.f32 v47, v8  }
0xe4: {  	v19 =	vld [tilespmem:s24+$0xFFFFFF50];
	[tilespmem:s24+$0xFFFFFFB0] =	vst v24;
	v20 =	vmul.f32 v20, v33  }
0xe5: {  	v17 =	vld [tilespmem:s24+$0xFFFFFF60];
	[tilespmem:s8+$0x0] =	vst v14;
	v12 =	vmul.f32 v12, v37  }
0xe6: {  	v61 =	vbroadcast v6, $0x5;
	v16 =	vld [tilespmem:s24+$0xFFFFFF70];
	[tilespmem:s24+$0xFFFFFE70] =	vst v20;
	v18 =	vmul.f32 v18, v37  }
0xe7: {  	v9 =	vld [tilespmem:s24+$0xFFFFFFC0];
	v7 =	vmul.f32 v7, v37;
	[tilespmem:s24+$0xFFFFFF80] =	vst v12  }
0xe8: {  	v11 =	vld [tilespmem:s24+$0xFFFFFFD0];
	v15 =	vmul.f32 v15, v61;
	[tilespmem:s24+$0xFFFFFF90] =	vst v18  }
0xe9: {  	v10 =	vld [tilespmem:s24+$0xFFFFFFE0];
	v19 =	vmul.f32 v19, v61;
	[tilespmem:s24+$0xFFFFFFA0] =	vst v7  }
0xea: {  	v59 =	vld [tilespmem:s8+$0x80];
	v42 =	vbroadcast v6, $0x7;
	v17 =	vmul.f32 v17, v61;
	[tilespmem:s24+$0xFFFFFF40] =	vst v15  }
0xeb: {  	v60 =	vld [tilespmem:s8+$0x90];
	v16 =	vmul.f32 v16, v61;
	[tilespmem:s24+$0xFFFFFF50] =	vst v19  }
0xec: {  	v62 =	vld [tilespmem:s8+$0xB0];
	v9 =	vmul.f32 v9, v42;
	[tilespmem:s24+$0xFFFFFF60] =	vst v17  }
0xed: {  	v63 =	vld [tilespmem:s8+$0xC0];
	v11 =	vmul.f32 v11, v42;
	[tilespmem:s24+$0xFFFFFF70] =	vst v16  }
0xee: {  	v36 =	vld [tilespmem:s8+$0xD0];
	v10 =	vmul.f32 v10, v42;
	[tilespmem:s24+$0xFFFFFFC0] =	vst v9  }
0xef: {  	v20 =	vld [tilespmem:s8+$0xFFFFFFF0];
	v15 =	vmul.f32 v48, v8;
	[tilespmem:s24+$0xFFFFFFD0] =	vst v11  }
0xf0: {  	v40 =	vld [tilespmem:s8+$0x100];
	v7 =	vbroadcast v5, $0xA;
	v19 =	vmul.f32 v51, v8;
	[tilespmem:s24+$0xFFFFFFE0] =	vst v10  }
0xf1: {  	v45 =	vld [tilespmem:s8+$0x130];
	v8 =	vmul.f32 v52, v8;
	[tilespmem:s8+$0x10] =	vst v15  }
0xf2: {  	v49 =	vld [tilespmem:s8+$0x160];
	v44 =	vmul.f32 v59, v7;
	[tilespmem:s8+$0x20] =	vst v19  }
0xf3: {  	v14 =	vld [tilespmem:s24+$0x0];
	v17 =	vbroadcast v5, $0x9;
	v9 =	vmul.f32 v60, v7;
	[tilespmem:s8+$0x30] =	vst v8  }
0xf4: {  	v38 =	vld [tilespmem:s8+$0xE0];
	v13 =	vmul.f32 v20, v13;
	[tilespmem:s8+$0x80] =	vst v44  }
0xf5: {  	v39 =	vld [tilespmem:s8+$0xF0];
	v16 =	vmul.f32 v53, v17;
	[tilespmem:s8+$0x90] =	vst v9  }
0xf6: {  	v48 =	vbroadcast v6, $0x8;
	v20 =	vld [tilespmem:s8+$0xA0];
	v12 =	vmul.f32 v54, v17;
	[tilespmem:s8+$0xFFFFFFF0] =	vst v13  }
0xf7: {  	v41 =	vld [tilespmem:s8+$0x110];
	v18 =	vmul.f32 v56, v17;
	[tilespmem:s8+$0x40] =	vst v16  }
0xf8: {  	v10 =	vbroadcast v5, $0xB;
	v15 =	vld [tilespmem:s24+$0x10];
	v14 =	vmul.f32 v14, v48;
	[tilespmem:s8+$0x50] =	vst v12  }
0xf9: {  	v19 =	vld [tilespmem:s24+$0x20];
	v17 =	vmul.f32 v58, v17;
	[tilespmem:s8+$0x60] =	vst v18  }
0xfa: {  	v8 =	vld [tilespmem:s24+$0x30];
	[tilespmem:s24+$0x0] =	vst v14;
	v14 =	vmul.f32 v36, v10  }
0xfb: {  	v13 =	vld [tilespmem:s24+$0xFFFFFFF0];
	[tilespmem:s8+$0x70] =	vst v17;
	v11 =	vmul.f32 v20, v7  }
0xfc: {  	v50 =	vld [tilespmem:s8+$0x170];
	v7 =	vmul.f32 v62, v7;
	[tilespmem:s8+$0xD0] =	vst v14  }
0xfd: {  	v16 =	vld [tilespmem:s24+$0x40];
	v15 =	vmul.f32 v15, v48;
	[tilespmem:s8+$0xA0] =	vst v11  }
0xfe: {  	v12 =	vld [tilespmem:s24+$0x50];
	v19 =	vmul.f32 v19, v48;
	[tilespmem:s8+$0xB0] =	vst v7  }
0xff: {  	v17 =	vld [tilespmem:s24+$0x70];
	v8 =	vmul.f32 v8, v48;
	[tilespmem:s24+$0x10] =	vst v15  }
0x100: {  	v55 =	vld [tilespmem:s24+$0xF0];
	v53 =	vbroadcast v6, $0x9;
	v13 =	vmul.f32 v13, v42;
	[tilespmem:s24+$0x20] =	vst v19  }
0x101: {  	v43 =	vld [tilespmem:s8+$0x120];
	v15 =	vmul.f32 v38, v10;
	[tilespmem:s24+$0x30] =	vst v8  }
0x102: {  	v46 =	vld [tilespmem:s24+$0x80];
	v16 =	vmul.f32 v16, v53;
	[tilespmem:s24+$0xFFFFFFF0] =	vst v13  }
0x103: {  	v57 =	vld [tilespmem:s8+$0x1C0];
	v12 =	vmul.f32 v12, v53;
	[tilespmem:s8+$0xE0] =	vst v15  }
0x104: {  	v47 =	vld [tilespmem:s8+$0x140];
	v17 =	vmul.f32 v17, v53;
	[tilespmem:s24+$0x40] =	vst v16  }
0x105: {  	v18 =	vld [tilespmem:s24+$0x60];
	v19 =	vbroadcast v5, $0xC;
	v13 =	vmul.f32 v63, v10;
	[tilespmem:s24+$0x50] =	vst v12  }
0x106: {  	v61 =	vld [tilespmem:s24+$0x170];
	v10 =	vmul.f32 v39, v10;
	[tilespmem:s24+$0x70] =	vst v17  }
0x107: {  	v51 =	vld [tilespmem:s8+$0x180];
	v8 =	vmul.f32 v40, v19;
	[tilespmem:s8+$0xC0] =	vst v13  }
0x108: {  	v9 =	vld [tilespmem:s24+$0x90];
	v16 =	vmul.f32 v41, v19;
	[tilespmem:s8+$0xF0] =	vst v10  }
0x109: {  	v11 =	vld [tilespmem:s24+$0xA0];
	v12 =	vmul.f32 v43, v19;
	v19 =	vmul.f32 v45, v19;
	[tilespmem:s8+$0x100] =	vst v8  }
0x10a: {  	v7 =	vld [tilespmem:s24+$0xB0];
	v8 =	vmul.f32 v18, v53;
	[tilespmem:s8+$0x110] =	vst v16;
	v18 =	vbroadcast v6, $0xA  }
0x10b: {  	v52 =	vld [tilespmem:s8+$0x190];
	[tilespmem:s8+$0x120] =	vst v12  }
0x10c: {  	v20 =	vld [tilespmem:s8+$0x150];
	[tilespmem:s8+$0x130] =	vst v19;
	v23 =	vmul.f32 v46, v18  }
0x10d: {  	v59 =	vld [tilespmem:s24+$0x130];
	[tilespmem:s24+$0x60] =	vst v8;
	v9 =	vmul.f32 v9, v18  }
0x10e: {  	v54 =	vld [tilespmem:s8+$0x1A0];
	v8 =	vbroadcast v5, $0xD;
	v11 =	vmul.f32 v11, v18;
	[tilespmem:s24+$0x80] =	vst v23  }
0x10f: {  	v56 =	vld [tilespmem:s24+$0x100];
	v7 =	vmul.f32 v7, v18;
	[tilespmem:s24+$0x90] =	vst v9  }
0x110: {  	v14 =	vld [tilespmem:s24+$0xD0];
	v17 =	vmul.f32 v47, v8;
	[tilespmem:s24+$0xA0] =	vst v11  }
0x111: {  	v13 =	vld [tilespmem:s24+$0xC0];
	v20 =	vmul.f32 v20, v8;
	[tilespmem:s24+$0xB0] =	vst v7  }
0x112: {  	v10 =	vld [tilespmem:s8+$0x1B0];
	v5 =	vbroadcast v5, $0xE;
	v9 =	vmul.f32 v49, v8;
	[tilespmem:s8+$0x140] =	vst v17  }
0x113: {  	v58 =	vld [tilespmem:s8+$0x1D0];
	v8 =	vmul.f32 v50, v8;
	[tilespmem:s8+$0x150] =	vst v20  }
0x114: {  	v60 =	vbroadcast v6, $0xB;
	v15 =	vld [tilespmem:s24+$0xE0];
	v7 =	vmul.f32 v51, v5;
	[tilespmem:s8+$0x160] =	vst v9  }
0x115: {  	v16 =	vld [tilespmem:s24+$0x110];
	v11 =	vmul.f32 v52, v5;
	[tilespmem:s8+$0x170] =	vst v8  }
0x116: {  	v62 =	vbroadcast v6, $0xD;
	v19 =	vld [tilespmem:s8+$0x1E0];
	v9 =	vmul.f32 v13, v60;
	[tilespmem:s8+$0x180] =	vst v7  }
0x117: {  	v12 =	vld [tilespmem:s24+$0x120];
	v13 =	vmul.f32 v14, v60;
	v14 =	vmul.f32 v10, v5;
	[tilespmem:s8+$0x190] =	vst v11  }
0x118: {  	v18 =	vld [tilespmem:s24+$0x160];
	v7 =	vmul.f32 v57, v4;
	[tilespmem:s24+$0xC0] =	vst v9;
	v9 =	vmul.f32 v54, v5  }
0x119: {  	v17 =	vld [tilespmem:s24+$0x140];
	v5 =	vmul.f32 v15, v60;
	[tilespmem:s24+$0xD0] =	vst v13;
	v13 =	vbroadcast v6, $0xC  }
0x11a: {  	v20 =	vld [tilespmem:s24+$0x150];
	v6 =	vbroadcast v6, $0xE;
	v15 =	vmul.f32 v55, v60;
	[tilespmem:s8+$0x1B0] =	vst v14  }
0x11b: {  	v8 =	vld [tilespmem:s24+$0x180];
	[tilespmem:s24+$0xE0] =	vst v5;
	v5 =	vmul.f32 v58, v4;
	v4 =	vmul.f32 v19, v4  }
0x11c: {  	v10 =	vld [tilespmem:s24+$0x190];
	[tilespmem:s8+$0x1A0] =	vst v9;
	v63 =	vmul.f32 v56, v13;
	v9 =	vmul.f32 v16, v13  }
0x11d: {  	v11 =	vld [tilespmem:s24+$0x1A0];
	[tilespmem:s8+$0x1C0] =	vst v7;
	v19 =	vmul.f32 v12, v13;
	v16 =	vmul.f32 v59, v13  }
0x11e: {  	s18 =	sshll.u32 s31, $0xD;
	s10 =	simm.s32 $0x20;
	[tilespmem:s24+$0xF0] =	vst v15;
	v12 =	vld [tilespmem:s24+$0x1B0];
	v15 =	vmul.f32 v18, v62;
	v13 =	vmul.f32 v17, v62  }
0x11f: {  	s16 =	sor.u32 $0x15800, s18;
	s18 =	simm.s32 $0xC0;
	s17 =	smov.u32 s24;
	v18 =	vld [tilespmem:s24+$0x1C0];
	v14 =	vmul.f32 v20, v62;
	v17 =	vmul.f32 v61, v62;
	[tilespmem:s24+$0x100] =	vst v63  }
.LBB2_8:
0x120: {  	p2 =	sne.s32 s18, $0x1C0;
	v20 =	vld.idx.msk [tilespmem:v3+s10+$0x0 ss:$0x1], $0xffff;
	[tilespmem:s24+$0x110] =	vst v9;
	v7 =	vmul.f32 v8, v6  }
0x121: {  	[tilespmem:s24+$0x120] =	vst v19;
	v8 =	vmul.f32 v10, v6;
	v19 =	vld [tilespmem:s24+$0x1D0]  }
0x122: {  	s24 =	sadd.s32 $0x400, s24;
	[tilespmem:s17+$0x130] =	vst v16;
	v9 =	vmul.f32 v11, v6;
	v16 =	vld [tilespmem:s17+$0x1E0]  }
0x123: {  	v10 =	vld [tilespmem:s24+$0x1F0];
	[tilespmem:s17+$0x140] =	vst v13;
	v6 =	vmul.f32 v12, v6  }
0x124: {  	v21 =	vld [tilespmem:s24+$0xFFFFFE00];
	[tilespmem:s17+$0x150] =	vst v14;
	v14 =	vmul.f32 v18, v2  }
0x125: {  	v18 =	vld [tilespmem:s24+$0xFFFFFE10];
	[tilespmem:s17+$0x160] =	vst v15  }
0x126: {  	v15 =	vbroadcast v20, $0x0;
	v23 =	vbroadcast v20, $0xF;
	v22 =	vld [tilespmem:s24+$0xFFFFFE20];
	[tilespmem:s17+$0x170] =	vst v17  }
0x127: {  	v24 =	vbroadcast v20, $0x1;
	v25 =	vbroadcast v20, $0x2;
	v17 =	vld [tilespmem:s24+$0xFFFFFE30];
	[tilespmem:s17+$0x180] =	vst v7  }
0x128: {  	v27 =	vbroadcast v20, $0x3;
	v26 =	vld [tilespmem:s24+$0xFFFFFE40];
	v7 =	vmul.f32 v10, v23;
	[tilespmem:s17+$0x190] =	vst v8  }
0x129: {  	v29 =	vbroadcast v20, $0x4;
	v30 =	vbroadcast v20, $0x5;
	v28 =	vld [tilespmem:s24+$0xFFFFFE50];
	[tilespmem:s17+$0x1A0] =	vst v9  }
0x12a: {  	v32 =	vbroadcast v20, $0x6;
	v13 =	vbroadcast v20, $0x7;
	v31 =	vld [tilespmem:s24+$0xFFFFFE60];
	[tilespmem:s24+$0x1F0] =	vst v7  }
0x12b: {  	v12 =	vbroadcast v20, $0x8;
	v11 =	vbroadcast v20, $0x9;
	v33 =	vld [tilespmem:s24+$0xFFFFFE70];
	[tilespmem:s17+$0x1B0] =	vst v6  }
0x12c: {  	v10 =	vbroadcast v20, $0xA;
	v9 =	vbroadcast v20, $0xB;
	v34 =	vld [tilespmem:s24+$0xFFFFFE80];
	[tilespmem:s17+$0x1C0] =	vst v14  }
0x12d: {  	v8 =	vbroadcast v20, $0xC;
	v7 =	vbroadcast v20, $0xD;
	v14 =	vld [tilespmem:s24+$0xFFFFFE90];
	[tilespmem:s8+$0x1D0] =	vst v5  }
0x12e: {  	v6 =	vbroadcast v20, $0xE;
	v5 =	vmul.f32 v15, v21;
	v21 =	vld [tilespmem:s24+$0xFFFFFEA0];
	[tilespmem:s8+$0x1E0] =	vst v4;
	s8 =	smov.u32 s17;
	s17 =	smov.u32 s24  }
0x12f: {  	v4 =	vmul.f32 v18, v15;
	v18 =	vmul.f32 v22, v15;
	v20 =	vld [tilespmem:s24+$0xFFFFFEB0]  }
0x130: {  	[tilespmem:s24+$0xFFFFFE00] =	vst v5;
	v5 =	vmul.f32 v17, v15;
	v15 =	vmul.f32 v26, v24;
	v17 =	vld [tilespmem:s24+$0xFFFFFEC0]  }
0x131: {  	v22 =	vmul.f32 v31, v24;
	[tilespmem:s24+$0xFFFFFE10] =	vst v4;
	v4 =	vmul.f32 v28, v24;
	v26 =	vld [tilespmem:s24+$0xFFFFFED0]  }
0x132: {  	[tilespmem:s24+$0xFFFFFE20] =	vst v18;
	v18 =	vmul.f32 v33, v24;
	v24 =	vmul.f32 v34, v25;
	v28 =	vld [tilespmem:s24+$0xFFFFFEE0]  }
0x133: {  	v14 =	vmul.f32 v14, v25;
	[tilespmem:s24+$0xFFFFFE30] =	vst v5;
	v21 =	vmul.f32 v21, v25;
	v31 =	vld [tilespmem:s24+$0xFFFFFEF0]  }
0x134: {  	v5 =	vmul.f32 v19, v2;
	[tilespmem:s24+$0xFFFFFE40] =	vst v15;
	v15 =	vmul.f32 v20, v25;
	v20 =	vld [tilespmem:s24+$0xFFFFFF00]  }
0x135: {  	[tilespmem:s24+$0xFFFFFE50] =	vst v4;
	v17 =	vmul.f32 v17, v27;
	v19 =	vld [tilespmem:s24+$0xFFFFFF10];
	v4 =	vmul.f32 v16, v2;
	v2 =	vmov v23  }
0x136: {  	[tilespmem:s24+$0xFFFFFE60] =	vst v22;
	v16 =	vmul.f32 v26, v27;
	v22 =	vld [tilespmem:s24+$0xFFFFFF20]  }
0x137: {  	[tilespmem:s24+$0xFFFFFE70] =	vst v18;
	v18 =	vmul.f32 v28, v27;
	v23 =	vld [tilespmem:s24+$0xFFFFFF30]  }
0x138: {  	[tilespmem:s24+$0xFFFFFE80] =	vst v24;
	v24 =	vmul.f32 v31, v27;
	v25 =	vld [tilespmem:s24+$0xFFFFFF40]  }
0x139: {  	[tilespmem:s24+$0xFFFFFE90] =	vst v14;
	v14 =	vmul.f32 v20, v29;
	v20 =	vld [tilespmem:s24+$0xFFFFFF50]  }
0x13a: {  	[tilespmem:s24+$0xFFFFFEA0] =	vst v21;
	v19 =	vmul.f32 v19, v29;
	v21 =	vld [tilespmem:s24+$0xFFFFFF60]  }
0x13b: {  	[tilespmem:s24+$0xFFFFFEB0] =	vst v15;
	v15 =	vmul.f32 v22, v29;
	v22 =	vld [tilespmem:s24+$0xFFFFFF70]  }
0x13c: {  	[tilespmem:s24+$0xFFFFFEC0] =	vst v17;
	v17 =	vmul.f32 v23, v29;
	v23 =	vld [tilespmem:s24+$0xFFFFFF80]  }
0x13d: {  	[tilespmem:s24+$0xFFFFFED0] =	vst v16;
	v16 =	vmul.f32 v25, v30;
	v25 =	vld [tilespmem:s24+$0xFFFFFF90]  }
0x13e: {  	[tilespmem:s24+$0xFFFFFEE0] =	vst v18;
	v18 =	vmul.f32 v20, v30;
	v20 =	vld [tilespmem:s24+$0xFFFFFFA0]  }
0x13f: {  	[tilespmem:s24+$0xFFFFFEF0] =	vst v24;
	v21 =	vmul.f32 v21, v30;
	v24 =	vld [tilespmem:s24+$0xFFFFFFB0]  }
0x140: {  	[tilespmem:s24+$0xFFFFFF00] =	vst v14;
	v14 =	vmul.f32 v22, v30;
	v22 =	vld [tilespmem:s24+$0xFFFFFFC0]  }
0x141: {  	[tilespmem:s24+$0xFFFFFF10] =	vst v19;
	v19 =	vmul.f32 v23, v32;
	v23 =	vld [tilespmem:s24+$0xFFFFFFD0]  }
0x142: {  	[tilespmem:s24+$0xFFFFFF20] =	vst v15;
	v15 =	vmul.f32 v25, v32;
	v25 =	vld [tilespmem:s24+$0xFFFFFFE0]  }
0x143: {  	[tilespmem:s24+$0xFFFFFF30] =	vst v17;
	v17 =	vmul.f32 v20, v32;
	v20 =	vld [tilespmem:s24+$0xFFFFFFF0]  }
0x144: {  	[tilespmem:s24+$0xFFFFFF40] =	vst v16;
	v16 =	vmul.f32 v24, v32;
	v24 =	vld [tilespmem:s24+$0x0]  }
0x145: {  	[tilespmem:s24+$0xFFFFFF50] =	vst v18;
	v18 =	vmul.f32 v22, v13;
	v22 =	vld [tilespmem:s24+$0x10]  }
0x146: {  	[tilespmem:s24+$0xFFFFFF60] =	vst v21;
	v21 =	vmul.f32 v23, v13;
	v23 =	vld [tilespmem:s24+$0x20]  }
0x147: {  	[tilespmem:s24+$0xFFFFFF70] =	vst v14;
	v14 =	vmul.f32 v25, v13;
	v25 =	vld [tilespmem:s24+$0x30]  }
0x148: {  	[tilespmem:s24+$0xFFFFFF80] =	vst v19;
	v13 =	vmul.f32 v20, v13;
	v19 =	vld [tilespmem:s24+$0x40]  }
0x149: {  	[tilespmem:s24+$0xFFFFFF90] =	vst v15;
	v15 =	vmul.f32 v24, v12;
	v20 =	vld [tilespmem:s24+$0x50]  }
0x14a: {  	[tilespmem:s24+$0xFFFFFFA0] =	vst v17;
	v17 =	vmul.f32 v22, v12;
	v22 =	vld [tilespmem:s24+$0x60]  }
0x14b: {  	[tilespmem:s24+$0xFFFFFFB0] =	vst v16;
	v16 =	vmul.f32 v23, v12;
	v23 =	vld [tilespmem:s24+$0x70]  }
0x14c: {  	[tilespmem:s24+$0xFFFFFFC0] =	vst v18;
	v12 =	vmul.f32 v25, v12;
	v18 =	vld [tilespmem:s24+$0x80]  }
0x14d: {  	[tilespmem:s24+$0xFFFFFFD0] =	vst v21;
	v19 =	vmul.f32 v19, v11;
	v21 =	vld [tilespmem:s24+$0x90]  }
0x14e: {  	[tilespmem:s24+$0xFFFFFFE0] =	vst v14;
	v14 =	vmul.f32 v20, v11;
	v20 =	vld [tilespmem:s24+$0xA0]  }
0x14f: {  	[tilespmem:s24+$0xFFFFFFF0] =	vst v13;
	v13 =	vmul.f32 v22, v11;
	v22 =	vld [tilespmem:s24+$0xB0]  }
0x150: {  	[tilespmem:s24+$0x0] =	vst v15;
	v11 =	vmul.f32 v23, v11;
	v15 =	vld [tilespmem:s24+$0xC0]  }
0x151: {  	[tilespmem:s24+$0x10] =	vst v17;
	v17 =	vmul.f32 v18, v10;
	v18 =	vld [tilespmem:s24+$0xD0]  }
0x152: {  	[tilespmem:s24+$0x20] =	vst v16;
	v16 =	vmul.f32 v21, v10;
	v21 =	vld [tilespmem:s24+$0xE0]  }
0x153: {  	[tilespmem:s24+$0x30] =	vst v12;
	v12 =	vmul.f32 v20, v10;
	v20 =	vld [tilespmem:s24+$0xF0]  }
0x154: {  	[tilespmem:s24+$0x40] =	vst v19;
	v10 =	vmul.f32 v22, v10;
	v19 =	vld [tilespmem:s24+$0x100]  }
0x155: {  	[tilespmem:s24+$0x50] =	vst v14;
	v14 =	vmul.f32 v15, v9;
	v15 =	vld [tilespmem:s24+$0x110]  }
0x156: {  	[tilespmem:s24+$0x60] =	vst v13;
	v13 =	vmul.f32 v18, v9;
	v18 =	vld [tilespmem:s24+$0x120]  }
0x157: {  	[tilespmem:s24+$0x70] =	vst v11;
	v11 =	vmul.f32 v21, v9;
	v21 =	vld [tilespmem:s24+$0x130]  }
0x158: {  	[tilespmem:s24+$0x80] =	vst v17;
	v17 =	vmul.f32 v20, v9;
	v20 =	vld [tilespmem:s24+$0x140]  }
0x159: {  	[tilespmem:s24+$0x90] =	vst v16;
	v22 =	vmul.f32 v19, v8;
	v23 =	vld [tilespmem:s24+$0x150]  }
0x15a: {  	[tilespmem:s24+$0xA0] =	vst v12;
	v9 =	vmul.f32 v15, v8;
	v12 =	vld [tilespmem:s24+$0x160]  }
0x15b: {  	[tilespmem:s24+$0xB0] =	vst v10;
	v19 =	vmul.f32 v18, v8;
	v18 =	vld [tilespmem:s24+$0x170]  }
.Ltmp1:
0x15c: {  	[tilespmem:s24+$0xC0] =	vst v14;
	v16 =	vmul.f32 v21, v8;
	v8 =	vld [tilespmem:s24+$0x180];
	(pc) =	sbr.rel @p2 .LBB2_8-.Ltmp1, $4  }
0x15d: {  	[tilespmem:s24+$0xD0] =	vst v13;
	v13 =	vmul.f32 v20, v7;
	v10 =	vld [tilespmem:s24+$0x190]  }
0x15e: {  	[tilespmem:s24+$0xE0] =	vst v11;
	v14 =	vmul.f32 v23, v7;
	v11 =	vld [tilespmem:s24+$0x1A0]  }
0x15f: {  	[tilespmem:s24+$0xF0] =	vst v17;
	v15 =	vmul.f32 v12, v7;
	v12 =	vld [tilespmem:s24+$0x1B0]  }
0x160: {  	s10 =	sshra.s32 s18, $0x2;
	s18 =	sadd.s32 $0x40, s18;
	[tilespmem:s24+$0x100] =	vst v22;
	v17 =	vmul.f32 v18, v7;
	v18 =	vld [tilespmem:s24+$0x1C0]  }
0x161: {  	[tilespmem:s24+$0x110] =	vst v9  }
0x162: {  	[tilespmem:s24+$0x120] =	vst v19  }
0x163: {  	[tilespmem:s8+$0x1D0] =	vst v5  }
0x164: {  	[tilespmem:s8+$0x1E0] =	vst v4  }
0x165: {  	v7 =	vld [tilespmem:s24+$0x1D0];
	[tilespmem:s17+$0x130] =	vst v16  }
0x166: {  	[tilespmem:s17+$0x140] =	vst v13  }
0x167: {  	[tilespmem:s17+$0x150] =	vst v14  }
0x168: {  	v9 =	vld.idx.msk [tilespmem:v3+s10+$0x0 ss:$0x1], $0xffff;
	v60 =	vmul.f32 v8, v6;
	[tilespmem:s17+$0x160] =	vst v15  }
0x169: {  	s18 =	sadd.s32 $0x400, s24;
	v3 =	vld [tilespmem:s17+$0x1E0];
	v10 =	vmul.f32 v10, v6;
	[tilespmem:s17+$0x170] =	vst v17  }
0x16a: {  	v59 =	vld [tilespmem:s18+$0x1F0];
	v11 =	vmul.f32 v11, v6;
	[tilespmem:s17+$0x180] =	vst v60  }
0x16b: {  	v61 =	vld [tilespmem:s18+$0xFFFFFE00];
	[tilespmem:s17+$0x190] =	vst v10;
	v63 =	vmul.f32 v12, v6  }
0x16c: {  	v19 =	vld [tilespmem:s18+$0xFFFFFE10];
	[tilespmem:s17+$0x1A0] =	vst v11;
	v20 =	vmul.f32 v18, v2  }
0x16d: {  	v21 =	vld [tilespmem:s18+$0xFFFFFE20];
	v8 =	vbroadcast v9, $0xF;
	[tilespmem:s17+$0x1B0] =	vst v63;
	v7 =	vmul.f32 v7, v2  }
0x16e: {  	v23 =	vld [tilespmem:s18+$0xFFFFFE30];
	v22 =	vbroadcast v9, $0x0;
	[tilespmem:s17+$0x1C0] =	vst v20;
	v2 =	vmul.f32 v3, v2  }
0x16f: {  	v24 =	vld [tilespmem:s18+$0xFFFFFE40];
	v62 =	vmul.f32 v59, v8;
	[tilespmem:s17+$0x1D0] =	vst v7  }
0x170: {  	v25 =	vld [tilespmem:s18+$0xFFFFFE50];
	v26 =	vmul.f32 v22, v61;
	[tilespmem:s17+$0x1E0] =	vst v2  }
0x171: {  	v27 =	vld [tilespmem:s18+$0xFFFFFE60];
	v28 =	vmul.f32 v19, v22;
	[tilespmem:s18+$0x1F0] =	vst v62  }
0x172: {  	v30 =	vld [tilespmem:s18+$0xFFFFFE70];
	v29 =	vbroadcast v9, $0x1;
	v12 =	vmul.f32 v21, v22;
	[tilespmem:s18+$0xFFFFFE00] =	vst v26  }
0x173: {  	v31 =	vld [tilespmem:s18+$0xFFFFFE80];
	v14 =	vmul.f32 v23, v22;
	[tilespmem:s18+$0xFFFFFE10] =	vst v28  }
0x174: {  	v32 =	vld [tilespmem:s18+$0xFFFFFE90];
	v6 =	vmul.f32 v24, v29;
	[tilespmem:s18+$0xFFFFFE20] =	vst v12  }
0x175: {  	v35 =	vld [tilespmem:s18+$0xFFFFFEB0];
	v11 =	vmul.f32 v25, v29;
	[tilespmem:s18+$0xFFFFFE30] =	vst v14  }
0x176: {  	v36 =	vld [tilespmem:s18+$0xFFFFFEC0];
	v34 =	vbroadcast v9, $0x2;
	v13 =	vmul.f32 v27, v29;
	[tilespmem:s18+$0xFFFFFE40] =	vst v6  }
0x177: {  	v40 =	vld [tilespmem:s18+$0xFFFFFEF0];
	v10 =	vmul.f32 v30, v29;
	[tilespmem:s18+$0xFFFFFE50] =	vst v11  }
0x178: {  	v42 =	vld [tilespmem:s18+$0xFFFFFF00];
	v5 =	vmul.f32 v31, v34;
	[tilespmem:s18+$0xFFFFFE60] =	vst v13  }
0x179: {  	v49 =	vld [tilespmem:s18+$0xFFFFFF40];
	v39 =	vbroadcast v9, $0x3;
	v4 =	vmul.f32 v32, v34;
	[tilespmem:s18+$0xFFFFFE70] =	vst v10  }
0x17a: {  	v51 =	vld [tilespmem:s18+$0xFFFFFF50];
	v41 =	vmul.f32 v35, v34;
	[tilespmem:s18+$0xFFFFFE80] =	vst v5  }
0x17b: {  	v33 =	vld [tilespmem:s18+$0xFFFFFEA0];
	v46 =	vbroadcast v9, $0x4;
	v43 =	vmul.f32 v36, v39;
	[tilespmem:s18+$0xFFFFFE90] =	vst v4  }
0x17c: {  	v37 =	vld [tilespmem:s18+$0xFFFFFED0];
	v53 =	vbroadcast v9, $0x5;
	v48 =	vmul.f32 v40, v39;
	[tilespmem:s18+$0xFFFFFEB0] =	vst v41  }
0x17d: {  	v38 =	vld [tilespmem:s18+$0xFFFFFEE0];
	v50 =	vmul.f32 v42, v46;
	[tilespmem:s18+$0xFFFFFEC0] =	vst v43  }
0x17e: {  	v44 =	vld [tilespmem:s18+$0xFFFFFF10];
	v56 =	vmul.f32 v49, v53;
	[tilespmem:s18+$0xFFFFFEF0] =	vst v48  }
0x17f: {  	v47 =	vld [tilespmem:s18+$0xFFFFFF30];
	v58 =	vmul.f32 v51, v53;
	[tilespmem:s18+$0xFFFFFF00] =	vst v50  }
0x180: {  	v54 =	vld [tilespmem:s18+$0xFFFFFF70];
	v12 =	vmul.f32 v33, v34;
	[tilespmem:s18+$0xFFFFFF40] =	vst v56  }
0x181: {  	v57 =	vld [tilespmem:s18+$0xFFFFFF90];
	v11 =	vmul.f32 v37, v39;
	[tilespmem:s18+$0xFFFFFF50] =	vst v58  }
0x182: {  	v45 =	vld [tilespmem:s18+$0xFFFFFF20];
	v13 =	vmul.f32 v38, v39;
	[tilespmem:s18+$0xFFFFFEA0] =	vst v12  }
0x183: {  	v52 =	vld [tilespmem:s18+$0xFFFFFF60];
	v6 =	vmul.f32 v44, v46;
	[tilespmem:s18+$0xFFFFFED0] =	vst v11  }
0x184: {  	v55 =	vld [tilespmem:s18+$0xFFFFFF80];
	v60 =	vbroadcast v9, $0x6;
	v5 =	vmul.f32 v47, v46;
	[tilespmem:s18+$0xFFFFFEE0] =	vst v13  }
0x185: {  	v59 =	vld [tilespmem:s18+$0xFFFFFFA0];
	v4 =	vmul.f32 v54, v53;
	[tilespmem:s18+$0xFFFFFF10] =	vst v6  }
0x186: {  	v61 =	vld [tilespmem:s18+$0xFFFFFFB0];
	v10 =	vmul.f32 v57, v60;
	[tilespmem:s18+$0xFFFFFF30] =	vst v5  }
0x187: {  	v22 =	vld [tilespmem:s18+$0xFFFFFFF0];
	v12 =	vmul.f32 v45, v46;
	[tilespmem:s18+$0xFFFFFF70] =	vst v4  }
0x188: {  	v24 =	vld [tilespmem:s18+$0x10];
	v13 =	vmul.f32 v52, v53;
	[tilespmem:s18+$0xFFFFFF90] =	vst v10  }
0x189: {  	v63 =	vld [tilespmem:s18+$0xFFFFFFD0];
	v11 =	vmul.f32 v55, v60;
	[tilespmem:s18+$0xFFFFFF20] =	vst v12  }
0x18a: {  	v20 =	vld [tilespmem:s18+$0xFFFFFFE0];
	v21 =	vbroadcast v9, $0x7;
	v14 =	vmul.f32 v59, v60;
	[tilespmem:s18+$0xFFFFFF60] =	vst v13  }
0x18b: {  	v23 =	vld [tilespmem:s18+$0x0];
	v26 =	vbroadcast v9, $0x8;
	v5 =	vmul.f32 v61, v60;
	[tilespmem:s18+$0xFFFFFF80] =	vst v11  }
0x18c: {  	v62 =	vld [tilespmem:s18+$0xFFFFFFC0];
	v4 =	vmul.f32 v22, v21;
	[tilespmem:s18+$0xFFFFFFA0] =	vst v14  }
0x18d: {  	v25 =	vld [tilespmem:s18+$0x20];
	v10 =	vmul.f32 v24, v26;
	[tilespmem:s18+$0xFFFFFFB0] =	vst v5  }
0x18e: {  	v27 =	vld [tilespmem:s18+$0x30];
	v12 =	vmul.f32 v63, v21;
	[tilespmem:s18+$0xFFFFFFF0] =	vst v4  }
0x18f: {  	v32 =	vld [tilespmem:s18+$0x70];
	v13 =	vmul.f32 v20, v21;
	[tilespmem:s18+$0x10] =	vst v10  }
0x190: {  	v34 =	vld [tilespmem:s18+$0x90];
	v11 =	vmul.f32 v23, v26;
	[tilespmem:s18+$0xFFFFFFD0] =	vst v12  }
0x191: {  	v50 =	vld [tilespmem:s18+$0x160];
	v6 =	vmul.f32 v62, v21;
	[tilespmem:s18+$0xFFFFFFE0] =	vst v13  }
0x192: {  	v31 =	vbroadcast v9, $0x9;
	v54 =	vld [tilespmem:s18+$0x190];
	v14 =	vmul.f32 v25, v26;
	[tilespmem:s18+$0x0] =	vst v11  }
0x193: {  	v29 =	vld [tilespmem:s18+$0x50];
	v36 =	vbroadcast v9, $0xA;
	v5 =	vmul.f32 v27, v26;
	[tilespmem:s18+$0xFFFFFFC0] =	vst v6  }
0x194: {  	v30 =	vld [tilespmem:s18+$0x60];
	v51 =	vbroadcast v9, $0xD;
	v4 =	vmul.f32 v32, v31;
	[tilespmem:s18+$0x20] =	vst v14  }
0x195: {  	v33 =	vld [tilespmem:s18+$0x80];
	v56 =	vbroadcast v9, $0xE;
	v10 =	vmul.f32 v34, v36;
	[tilespmem:s18+$0x30] =	vst v5  }
0x196: {  	v28 =	vld [tilespmem:s18+$0x40];
	v57 =	vmul.f32 v50, v51;
	[tilespmem:s18+$0x70] =	vst v4  }
0x197: {  	v35 =	vld [tilespmem:s18+$0xA0];
	v60 =	vmul.f32 v54, v56;
	[tilespmem:s18+$0x90] =	vst v10  }
0x198: {  	v37 =	vld [tilespmem:s18+$0xB0];
	v12 =	vmul.f32 v29, v31;
	[tilespmem:s18+$0x160] =	vst v57  }
0x199: {  	v42 =	vld [tilespmem:s18+$0xF0];
	v13 =	vmul.f32 v30, v31;
	[tilespmem:s18+$0x190] =	vst v60  }
0x19a: {  	v44 =	vld [tilespmem:s18+$0x110];
	v11 =	vmul.f32 v33, v36;
	[tilespmem:s18+$0x50] =	vst v12  }
0x19b: {  	v55 =	vld [tilespmem:s18+$0x1A0];
	v6 =	vmul.f32 v28, v31;
	[tilespmem:s18+$0x60] =	vst v13  }
0x19c: {  	v39 =	vld [tilespmem:s18+$0xD0];
	v41 =	vbroadcast v9, $0xB;
	v14 =	vmul.f32 v35, v36;
	[tilespmem:s18+$0x80] =	vst v11  }
0x19d: {  	v40 =	vld [tilespmem:s18+$0xE0];
	v46 =	vbroadcast v9, $0xC;
	v5 =	vmul.f32 v37, v36;
	[tilespmem:s18+$0x40] =	vst v6  }
0x19e: {  	v43 =	vld [tilespmem:s18+$0x100];
	v4 =	vmul.f32 v42, v41;
	[tilespmem:s18+$0xA0] =	vst v14  }
0x19f: {  	v61 =	vld [tilespmem:s18+$0x1D0];
	v10 =	vmul.f32 v44, v46;
	[tilespmem:s18+$0xB0] =	vst v5  }
0x1a0: {  	v38 =	vld [tilespmem:s18+$0xC0];
	v62 =	vmul.f32 v55, v56;
	[tilespmem:s18+$0xF0] =	vst v4  }
0x1a1: {  	v45 =	vld [tilespmem:s18+$0x120];
	v12 =	vmul.f32 v39, v41;
	[tilespmem:s18+$0x110] =	vst v10  }
0x1a2: {  	v47 =	vld [tilespmem:s18+$0x130];
	v13 =	vmul.f32 v40, v41;
	[tilespmem:s18+$0x1A0] =	vst v62  }
0x1a3: {  	v52 =	vld [tilespmem:s18+$0x170];
	v11 =	vmul.f32 v43, v46;
	[tilespmem:s18+$0xD0] =	vst v12  }
0x1a4: {  	v63 =	vld [tilespmem:s18+$0x1E0];
	v3 =	vmul.f32 v61, v8;
	[tilespmem:s18+$0xE0] =	vst v13  }
0x1a5: {  	v49 =	vld [tilespmem:s18+$0x150];
	v6 =	vmul.f32 v38, v41;
	[tilespmem:s18+$0x100] =	vst v11  }
0x1a6: {  	v53 =	vld [tilespmem:s18+$0x180];
	v14 =	vmul.f32 v45, v46;
	[tilespmem:s18+$0x1D0] =	vst v3  }
0x1a7: {  	v48 =	vld [tilespmem:s18+$0x140];
	v5 =	vmul.f32 v47, v46;
	[tilespmem:s18+$0xC0] =	vst v6  }
0x1a8: {  	v58 =	vld [tilespmem:s18+$0x1B0];
	v4 =	vmul.f32 v52, v51;
	[tilespmem:s18+$0x120] =	vst v14  }
0x1a9: {  	v59 =	vld [tilespmem:s18+$0x1C0];
	v2 =	vmul.f32 v63, v8;
	[tilespmem:s18+$0x130] =	vst v5  }
0x1aa: {  	v12 =	vmul.f32 v49, v51;
	[tilespmem:s18+$0x170] =	vst v4  }
0x1ab: {  	s11 =	sadd.s32 $0x1, s11;
	v11 =	vmul.f32 v53, v56;
	[tilespmem:s18+$0x1E0] =	vst v2  }
0x1ac: {  	p2 =	seq.s32 s11, $0x8;
	v6 =	vmul.f32 v48, v51;
	[tilespmem:s18+$0x150] =	vst v12  }
.Ltmp2:
0x1ad: {  	v5 =	vmul.f32 v58, v56;
	[tilespmem:s18+$0x180] =	vst v11;
	(pc) =	sbr.rel @!p2 .LBB2_7-.Ltmp2, $4  }
0x1ae: {  	[tilespmem:s18+$0x140] =	vst v6;
	v6 =	vmul.f32 v59, v8  }
0x1af: {  	[tilespmem:s18+$0x1B0] =	vst v5  }
0x1b0: {  	s5 =	sadd.s32 s5, s25;
	s31 =	sadd.s32 $0x5, s31;
	p1 =	por !p1, !p1;
	[tilespmem:s18+$0x1C0] =	vst v6  }
0x1b1: {  	[spmem:s7] =	stream.indirect.scatter.add.f32 [tilespmem:s16], [sflag:s31], $0x40, s5, s20, $0xb8;
	[tilespmem:$0x1D810] =	vst v63  }
0x1b2: {  	p1 =	seq.s32 s4, $0x14  }
.Ltmp3:
0x1b3: {  	_ = 	snop;
	(pc) =	sbr.rel @!p1 .LBB2_6-.Ltmp3, $2  }
0x1b4: {  	_ =	sdelay $0x2  }
0x1b5: {  	p0 =	por !p0, !p0  }
0x1b6: {  	_ =	swait.ge [sflag:s19], $0x400  }
0x1b7: {  	[sflag:s19] =	ssyncset.done $0x0  }
0x1b8: {  	[sflag:s19] =	ssyncadd.s32 $0xFFFFFC00  }
0x1b9: {  	_ =	swait.ge [sflag:s19], $0x400  }
0x1ba: {  	[sflag:s19] =	ssyncset.done $0x0  }
0x1bb: {  	[sflag:s19] =	ssyncadd.s32 $0xFFFFFC00  }
0x1bc: {  	_ =	swait.ge [sflag:s19], $0x400  }
0x1bd: {  	[sflag:s19] =	ssyncset.done $0x0  }
0x1be: {  	[sflag:s19] =	ssyncadd.s32 $0xFFFFFC00  }
0x1bf: {  	_ =	swait.ge [sflag:s23], $0x2000  }
0x1c0: {  	[sflag:s23] =	ssyncset.done $0x0  }
0x1c1: {  	[sflag:s23] =	ssyncadd.s32 $0xFFFFE000  }
0x1c2: {  	s1 =	simm.s32 $0x0;
	[bflag:$0x0] =	sbarrier.arrive $0xFFFF  }
.LBB2_11:
0x1c3: {  	s4 =	sshll.u32 s1, $0xD  }
0x1c4: {  	s5 =	sadd.s32 s30, s4  }
0x1c5: {  	s4 =	sadd.s32 s5, s6  }
0x1c6: {  	[tilespmem:s14], [sflag:$0x7] =	stream.linear.gather [spmem:s4], $0x2000, $0x38;
	[tilespmem:$0x1D810] =	vst v63  }
0x1c7: {  	_ =	swait.ge [sflag:s13], $0x2000  }
0x1c8: {  	[sflag:s13] =	ssyncset.done $0x0  }
0x1c9: {  	s5 =	sadd.s32 s5, s7;
	[sflag:s13] =	ssyncadd.s32 $0xFFFFE000  }
0x1ca: {  	[tilespmem:s15], [sflag:$0x7] =	stream.linear.gather [spmem:s5], $0x2000, $0x38;
	[tilespmem:$0x1D810] =	vst v63  }
0x1cb: {  	_ =	swait.ge [sflag:s13], $0x2000  }
0x1cc: {  	[sflag:s13] =	ssyncset.done $0x0  }
0x1cd: {  	s8 =	simm.s32 $0x0;
	[sflag:s13] =	ssyncadd.s32 $0xFFFFE000  }
0x1ce: {  	v3 =	vld [tilespmem:s8+$0x1B800]  }
0x1cf: {  	v5 =	vld [tilespmem:s8+$0x1B810]  }
0x1d0: {  	v7 =	vld [tilespmem:s8+$0x1B820]  }
0x1d1: {  	v8 =	vld [tilespmem:s8+$0x1B830]  }
0x1d2: {  	[tilespmem:s8+$0x1B800] =	vst v0;
	v6 =	vld [tilespmem:s8+$0x19800]  }
0x1d3: {  	[tilespmem:s8+$0x1B810] =	vst v0;
	v4 =	vld [tilespmem:s8+$0x19810]  }
0x1d4: {  	s11 =	simm.s32 $0x100;
	[tilespmem:s8+$0x1B820] =	vst v0;
	v2 =	vld [tilespmem:s8+$0x19820]  }
.LBB2_12:
0x1d5: {  	p0 =	sne.s32 s11, $0x7F00;
	v9 =	vld [tilespmem:s8+$0x19830];
	[tilespmem:s8+$0x1B830] =	vst v0;
	_ =	sdelay $0x1  }
0x1d6: {  	v3 =	vsub.f32 v3, v6  }
0x1d7: {  	v5 =	vsub.f32 v5, v4  }
0x1d8: {  	s10 =	sshra.s32 s11, $0x2;
	v10 =	vmul.f32 v3, v1;
	v7 =	vsub.f32 v7, v2  }
0x1d9: {  	v3 =	vld [tilespmem:s10+$0x1B800];
	[tilespmem:s10+$0x1B800] =	vst v0;
	v11 =	vmul.f32 v5, v1;
	v8 =	vsub.f32 v8, v9  }
0x1da: {  	v5 =	vld [tilespmem:s10+$0x1B810];
	[tilespmem:s10+$0x1B810] =	vst v0;
	v6 =	vadd.f32 v10, v6;
	v10 =	vmul.f32 v7, v1  }
.Ltmp4:
0x1db: {  	v7 =	vld [tilespmem:s10+$0x1B820];
	[tilespmem:s10+$0x1B820] =	vst v0;
	v4 =	vadd.f32 v11, v4;
	v11 =	vmul.f32 v8, v1;
	(pc) =	sbr.rel @p0 .LBB2_12-.Ltmp4, $4  }
0x1dc: {  	v8 =	vld [tilespmem:s10+$0x1B830];
	[tilespmem:s8+$0x19800] =	vst v6;
	v2 =	vadd.f32 v10, v2  }
0x1dd: {  	v6 =	vld [tilespmem:s10+$0x19800];
	[tilespmem:s8+$0x19810] =	vst v4;
	v9 =	vadd.f32 v11, v9  }
0x1de: {  	v4 =	vld [tilespmem:s10+$0x19810];
	[tilespmem:s8+$0x19820] =	vst v2  }
0x1df: {  	s11 =	sadd.s32 $0x100, s11;
	v2 =	vld [tilespmem:s10+$0x19820];
	[tilespmem:s8+$0x19830] =	vst v9;
	s8 =	smov.u32 s10  }
0x1e0: {  	v9 =	vld [tilespmem:s8+$0x19830];
	_ =	sdelay $0x1  }
0x1e1: {  	v3 =	vsub.f32 v3, v6  }
0x1e2: {  	v5 =	vsub.f32 v5, v4  }
0x1e3: {  	v3 =	vmul.f32 v3, v1;
	v7 =	vsub.f32 v7, v2  }
0x1e4: {  	v5 =	vmul.f32 v5, v1;
	v8 =	vsub.f32 v8, v9  }
0x1e5: {  	v3 =	vadd.f32 v3, v6;
	v61 =	vmul.f32 v7, v1  }
0x1e6: {  	[tilespmem:s8+$0x1B830] =	vst v0;
	v62 =	vadd.f32 v5, v4;
	v63 =	vmul.f32 v8, v1  }
0x1e7: {  	[tilespmem:s8+$0x19800] =	vst v3;
	v2 =	vadd.f32 v61, v2  }
0x1e8: {  	[tilespmem:s8+$0x19810] =	vst v62;
	v3 =	vadd.f32 v63, v9  }
0x1e9: {  	[tilespmem:s8+$0x19820] =	vst v2  }
0x1ea: {  	[tilespmem:s8+$0x19830] =	vst v3  }
0x1eb: {  	[spmem:s4] =	stream.linear.scatter [tilespmem:s14], [sflag:$0x7], $0x2000, $0x38;
	[tilespmem:$0x1D810] =	vst v63  }
0x1ec: {  	s1 =	sadd.s32 $0x1, s1;
	_ =	swait.ge [sflag:s13], $0x2000  }
0x1ed: {  	p0 =	sne.s32 s1, $0x5;
	[sflag:s13] =	ssyncset.done $0x0  }
.Ltmp5:
0x1ee: {  	[sflag:s13] =	ssyncadd.s32 $0xFFFFE000;
	(pc) =	sbr.rel @p0 .LBB2_11-.Ltmp5, $4  }
0x1ef: {  	[spmem:s5] =	stream.linear.scatter [tilespmem:s15], [sflag:$0x7], $0x2000, $0x38;
	[tilespmem:$0x1D810] =	vst v63  }
0x1f0: {  	_ =	swait.ge [sflag:s13], $0x2000  }
0x1f1: {  	[sflag:s13] =	ssyncset.done $0x0  }
0x1f2: {  	[sflag:s13] =	ssyncadd.s32 $0xFFFFE000  }
0x1f3: {  	s29 =	sadd.s32 $0x1, s29  }
0x1f4: {  	p0 =	sne.s32 s29, $0x4  }
.Ltmp6:
0x1f5: {  	_ = 	snop;
	(pc) =	sbr.rel @p0 .LBB2_4-.Ltmp6, $2  }
0x1f6: {  	_ =	sdelay $0x1  }
0x1f7: {  	[bflag:$0x0] =	sbarrier.arrive $0xFFFF;
	_ =	sdelay $0x1  }
0x1f8: {  	s1 =	rddreg [dreg:$0x14]  }
0x1f9: {  	[tilespmem:s14], [sflag:$0x7] =	stream.linear.gather [spmem:s1], $0x2000, $0x38;
	[tilespmem:$0x1D810] =	vst v63  }
0x1fa: {  	_ =	swait.ge [sflag:s13], $0x2000  }
0x1fb: {  	[sflag:s13] =	ssyncset.done $0x0  }
0x1fc: {  	s18 =	simm.s32 $0x0;
	s17 =	rddreg [dreg:$0xf];
	[sflag:s13] =	ssyncadd.s32 $0xFFFFE000  }
0x1fd: {  	[hbm4b:s17+s18] =	stream.linear.scatter [tilespmem:s14], [sflag:$0x7], $0x2000, $0x38;
	[tilespmem:$0x1D810] =	vst v63  }
0x1fe: {  	_ =	swait.ge [sflag:s13], $0x2000  }
0x1ff: {  	[sflag:s13] =	ssyncset.done $0x0  }
0x200: {  	s8 =	rddreg [dreg:$0x16];
	[sflag:s13] =	ssyncadd.s32 $0xFFFFE000  }
0x201: {  	[tilespmem:s14], [sflag:$0x7] =	stream.linear.gather [spmem:s8], $0x2000, $0x38;
	[tilespmem:$0x1D810] =	vst v63  }
0x202: {  	_ =	swait.ge [sflag:s13], $0x2000  }
0x203: {  	[sflag:s13] =	ssyncset.done $0x0  }
0x204: {  	s24 =	rddreg [dreg:$0x10];
	[sflag:s13] =	ssyncadd.s32 $0xFFFFE000  }
0x205: {  	[hbm4b:s24+s18] =	stream.linear.scatter [tilespmem:s14], [sflag:$0x7], $0x2000, $0x38;
	[tilespmem:$0x1D810] =	vst v63  }
0x206: {  	_ =	swait.ge [sflag:s13], $0x2000  }
0x207: {  	[sflag:s13] =	ssyncset.done $0x0  }
0x208: {  	s10 =	rddreg [dreg:$0x18];
	[sflag:s13] =	ssyncadd.s32 $0xFFFFE000  }
0x209: {  	[tilespmem:s14], [sflag:$0x7] =	stream.linear.gather [spmem:s10], $0x2000, $0x38;
	[tilespmem:$0x1D810] =	vst v63  }
0x20a: {  	_ =	swait.ge [sflag:s13], $0x2000  }
0x20b: {  	[sflag:s13] =	ssyncset.done $0x0  }
0x20c: {  	s25 =	rddreg [dreg:$0x11];
	[sflag:s13] =	ssyncadd.s32 $0xFFFFE000  }
0x20d: {  	[hbm4b:s25+s18] =	stream.linear.scatter [tilespmem:s14], [sflag:$0x7], $0x2000, $0x38;
	[tilespmem:$0x1D810] =	vst v63  }
0x20e: {  	_ =	swait.ge [sflag:s13], $0x2000  }
0x20f: {  	[sflag:s13] =	ssyncset.done $0x0  }
0x210: {  	s11 =	rddreg [dreg:$0x1a];
	[sflag:s13] =	ssyncadd.s32 $0xFFFFE000  }
0x211: {  	[tilespmem:s14], [sflag:$0x7] =	stream.linear.gather [spmem:s11], $0x2000, $0x38;
	[tilespmem:$0x1D810] =	vst v63  }
0x212: {  	_ =	swait.ge [sflag:s13], $0x2000  }
0x213: {  	[sflag:s13] =	ssyncset.done $0x0  }
0x214: {  	s28 =	rddreg [dreg:$0x12];
	[sflag:s13] =	ssyncadd.s32 $0xFFFFE000  }
0x215: {  	[hbm4b:s28+s18] =	stream.linear.scatter [tilespmem:s14], [sflag:$0x7], $0x2000, $0x38;
	[tilespmem:$0x1D810] =	vst v63  }
0x216: {  	_ =	swait.ge [sflag:s13], $0x2000  }
0x217: {  	[sflag:s13] =	ssyncset.done $0x0  }
0x218: {  	s12 =	rddreg [dreg:$0x1c];
	[sflag:s13] =	ssyncadd.s32 $0xFFFFE000  }
0x219: {  	[tilespmem:s14], [sflag:$0x7] =	stream.linear.gather [spmem:s12], $0x2000, $0x38;
	[tilespmem:$0x1D810] =	vst v63  }
0x21a: {  	_ =	swait.ge [sflag:s13], $0x2000  }
0x21b: {  	[sflag:s13] =	ssyncset.done $0x0  }
0x21c: {  	s29 =	rddreg [dreg:$0x13];
	[sflag:s13] =	ssyncadd.s32 $0xFFFFE000  }
0x21d: {  	[hbm4b:s29+s18] =	stream.linear.scatter [tilespmem:s14], [sflag:$0x7], $0x2000, $0x38;
	[tilespmem:$0x1D810] =	vst v63  }
0x21e: {  	_ =	swait.ge [sflag:s13], $0x2000  }
0x21f: {  	s4 =	sld [smem:$0x7FD];
	_ =	sdelay $0x2  }
0x220: {  	s31 =	rddreg [dreg:$0x15];
	s4 =	sadd.s32 $0x1, s4  }
0x221: {  	p0 =	sne.s32 s4, s31  }
.Ltmp7:
0x222: {  	_ = 	snop;
	(pc) =	sbr.rel @p0 .LBB2_1-.Ltmp7, $3  }
0x223: {  	_ =	sdelay $0x1  }
0x224: {  	[sflag:s13] =	ssyncset.done $0x0  }
0x225: {  	[sflag:s13] =	ssyncadd.s32 $0xFFFFE000  }
0x226: {  	_ =	sfence.sel $0x180000  }
0x227: {  	[bflag:$0x0] =	sbarrier.arrive $0xFFFF  }
0x228: {  	_ =	strace $0x90000047  }
0x229: {  	s0 =	stileid.u32;
	[bflag:$0x2] =	sbarrier.arrive $0xFFFF  }
0x22a: {  	p0 =	sne.s32 s0, $0x0;
	s0 =	rddreg [dreg:$0x8]  }
0x22b: {  	s0 =	sadd.s32 @!p0 $0x100000, s0  }
0x22c: {  	[sflag:s0] =	ssyncadd.tile.s32 @!p0 $0x1;
	_ =	shalt  }
.Lfunc_end2:
_tile_overlayer_lowered:
.L_overlay_start_2:
0x22d: {  	(tag) =	ssettag $0x2  }
0x22e: {  	s0 =	rddreg [dreg:$0x0];
	s2 =	stileid.u32  }
0x22f: {  	s1 =	rddreg [dreg:$0x1];
	p0 =	sne.s32 s2, $0x0  }
0x230: {  	s3 =	rddreg [dreg:$0x2];
	[bflag:$0x3] =	sbarrier.arrive $0xFFFF;
	s2 =	simm.s32 @!p0 $0x1C07  }
0x231: {  	[timem:s3], [sflag:s2] =	dma.local @!p0 [hbm:s0], s1  }
0x232: {  	s0 =	simm.s32 @!p0 $0x7  }
0x233: {  	_ =	swait.ge @!p0 [sflag:s0], s1  }
0x234: {  	s1 =	ssub.s32 @!p0 $0x0, s1;
	[sflag:s0] =	ssyncset.done @!p0 $0x0  }
0x235: {  	[sflag:s0] =	ssyncadd.s32 @!p0 s1  }
0x236: {  	[bflag:$0x3] =	sbarrier.arrive $0xFFFF  }
0x237: {  	_ =	shalt  }

</sc_bundles>
